<compile_context>
chip_gen: v7x
topology: tpu7x:2x2x1
jax: 0.10.2.dev20260603
libtpu: 0.0.44.dev20260713+nightly
codegen_flags: <defaults>
</compile_context>

<pallas_src>
import functools

import jax
import jax.numpy as jnp
from jax import lax
from jax.experimental import pallas as pl
from jax.experimental.pallas import tpu as pltpu
from jax.experimental.pallas import tpu_sc as plsc

VOCAB = 1000000
EMB = 32
WIN = 20
H1 = 128
H2 = 64
NCLS = 9
BATCH = 16384
NIDX = BATCH * WIN

NC = 2
NS = 16
NW = NC * NS
HALF = BATCH // 2
NIDX_H = HALF * WIN
RPW = NIDX_H // NW
G = 128
CHUNK = 1024
G_PER_CHUNK = CHUNK // G
N_CHUNK = RPW // CHUNK
IDXROWS = RPW // G

_sc_mesh = plsc.VectorSubcoreMesh(
    core_axis_name="c", subcore_axis_name="s", num_cores=NC, num_subcores=NS
)


def _make_sc_gather(half):
    @functools.partial(
        pl.kernel,
        out_type=jax.ShapeDtypeStruct((NIDX_H, EMB), jnp.float32),
        mesh=_sc_mesh,
        scratch_types=[
            pltpu.VMEM((IDXROWS, G), jnp.int32),
            pltpu.VMEM((IDXROWS, G), jnp.int32),
            pltpu.VMEM((CHUNK, EMB), jnp.float32),
            pltpu.VMEM((CHUNK, EMB), jnp.float32),
            pltpu.SemaphoreType.DMA,
            pltpu.SemaphoreType.DMA,
        ],
        compiler_params=pltpu.CompilerParams(
            use_tc_tiling_on_sc=False, needs_layout_passes=False
        ),
    )
    def _g(table_hbm, idx_hbm, out_hbm, idx_raw, idx_v, rows_a, rows_b, sem_a, sem_b):
        wid = lax.axis_index("s") * NC + lax.axis_index("c")
        pltpu.sync_copy(
            idx_hbm.at[pl.ds(half * (NIDX_H // G) + wid * IDXROWS, IDXROWS)], idx_raw
        )

        lanes = lax.iota(jnp.int32, 16)

        def remap_body(t, _):
            u = t * 16 + lanes
            tc = lax.shift_right_logical(u, 10)
            k = jnp.bitwise_and(u, 1023)
            j_loc = lax.shift_right_logical(k, 2) * WIN + tc * 4 + jnp.bitwise_and(k, 3)
            v = plsc.load_gather(
                idx_raw, [lax.shift_right_logical(j_loc, 7), jnp.bitwise_and(j_loc, 127)]
            )
            j = jnp.bitwise_and(v, QSPLIT - 1) * 4 + lax.shift_right_logical(v, 18)
            idx_v[t // 8, pl.ds((t % 8) * 16, 16)] = j
            return ()

        lax.fori_loop(0, RPW // 16, remap_body, (), unroll=False)

        def mk_copies(ci, buf, sem):
            return [
                pltpu.make_async_copy(
                    table_hbm.at[idx_v.at[ci * G_PER_CHUNK + g]],
                    buf.at[pl.ds(g * G, G)],
                    sem,
                )
                for g in range(G_PER_CHUNK)
            ]

        def fire(ci, buf, sem):
            for cp in mk_copies(ci, buf, sem):
                cp.start()

        def drain_out(ci, buf, sem):
            for cp in mk_copies(ci, buf, sem):
                cp.wait()
            pltpu.sync_copy(
                buf, out_hbm.at[pl.ds(ci * (4 * HALF) + wid * CHUNK, CHUNK)]
            )

        fire(0, rows_a, sem_a)
        fire(1, rows_b, sem_b)

        def pipe_body(c2, _):
            even = c2 * 2
            drain_out(even, rows_a, sem_a)
            fire(even + 2, rows_a, sem_a)
            drain_out(even + 1, rows_b, sem_b)

            @pl.when(c2 < N_CHUNK // 2 - 1)
            def _():
                fire(even + 3, rows_b, sem_b)

            return ()

        lax.fori_loop(0, N_CHUNK // 2, pipe_body, (), unroll=False)
        drain_out(N_CHUNK - 1, rows_a, sem_a)

    return _g


_sc_gather0 = _make_sc_gather(0)
_sc_gather1 = _make_sc_gather(1)


QSPLIT = 1 << 18
VPAD = 4 * QSPLIT
RB = 16384


def _transpose_body(t0_ref, t1_ref, t2_ref, t3_ref, o_ref):
    cat = jnp.concatenate(
        [t0_ref[...], t1_ref[...], t2_ref[...], t3_ref[...]], axis=0
    )
    o_ref[...] = jnp.transpose(cat)


def _relayout_table(tableT):
    grid = QSPLIT // RB

    last_blk = (VOCAB - 1) // RB

    def mk(q):
        return pl.BlockSpec(
            (EMB, RB),
            lambda i, q=q: (0, jnp.minimum((QSPLIT // RB) * q + i, last_blk)),
        )

    out = pl.pallas_call(
        _transpose_body,
        grid=(grid,),
        in_specs=[mk(0), mk(1), mk(2), mk(3)],
        out_specs=pl.BlockSpec((RB, 4 * EMB), lambda i: (i, 0)),
        out_shape=jax.ShapeDtypeStruct((QSPLIT, 4 * EMB), jnp.float32),
    )(tableT, tableT, tableT, tableT)
    return out.reshape(VPAD, EMB)


BLK = 2048


def _mlp_body(x0, x1, x2, x3, x4, w1_ref, b1_ref, w2_ref, b2_ref, w3_ref, b3_ref, o_ref):
    w1 = w1_ref[...]
    h = None
    for p, xp in enumerate((x0, x1, x2, x3, x4)):
        w1p = lax.slice(w1, (128 * p, 0), (128 * p + 128, H1))
        acc = jnp.dot(xp[...], w1p, preferred_element_type=jnp.float32)
        h = acc if h is None else h + acc
    h = jnp.maximum(h + b1_ref[...], 0.0)
    h = jnp.dot(h, w2_ref[...], preferred_element_type=jnp.float32)
    h = jnp.maximum(h + b2_ref[...], 0.0)
    o_ref[...] = jnp.dot(h, w3_ref[...], preferred_element_type=jnp.float32) + b3_ref[...]


def _mlp(h_stripes, W1, b1, W2, b2, W3, b3):
    in_dim = WIN * EMB

    def mk(p):
        return pl.BlockSpec((BLK, 128), lambda i, p=p: (p * (HALF // BLK) + i, 0))

    return pl.pallas_call(
        _mlp_body,
        grid=(HALF // BLK,),
        in_specs=[
            mk(0), mk(1), mk(2), mk(3), mk(4),
            pl.BlockSpec((in_dim, H1), lambda i: (0, 0)),
            pl.BlockSpec((1, H1), lambda i: (0, 0)),
            pl.BlockSpec((H1, H2), lambda i: (0, 0)),
            pl.BlockSpec((1, H2), lambda i: (0, 0)),
            pl.BlockSpec((H2, NCLS), lambda i: (0, 0)),
            pl.BlockSpec((1, NCLS), lambda i: (0, 0)),
        ],
        out_specs=pl.BlockSpec((BLK, NCLS), lambda i: (i, 0)),
        out_shape=jax.ShapeDtypeStruct((HALF, NCLS), jnp.float32),
    )(h_stripes, h_stripes, h_stripes, h_stripes, h_stripes, W1, b1, W2, b2, W3, b3)


@jax.jit
def kernel(x, table, W1, b1, W2, b2, W3, b3):
    idx2d = x.astype(jnp.int32).reshape(NIDX // G, G)
    table_lin = _relayout_table(table.T)
    b1r, b2r, b3r = b1.reshape(1, H1), b2.reshape(1, H2), b3.reshape(1, NCLS)
    e0 = _sc_gather0(table_lin, idx2d)
    e1 = _sc_gather1(table_lin, idx2d)
    o0 = _mlp(e0.reshape(NIDX_H * EMB // 128, 128), W1, b1r, W2, b2r, W3, b3r)
    o1 = _mlp(e1.reshape(NIDX_H * EMB // 128, 128), W1, b1r, W2, b2r, W3, b3r)
    return jnp.concatenate([o0, o1], axis=0)

# --- scband reference (transcript-rebuilt; emitter-appended) ---
"""Pipeline reference for scband-nermodel-18150531793298 (READ-ONLY COPY).

The authoritative reference and input builder live on the scoring server;
editing this copy changes nothing except your own understanding.
"""

import jax, jax.numpy as jnp
import numpy as np

VOCAB = 1000000
EMB = 32
WIN = 20
H1 = 128
H2 = 64
NCLS = 9
BATCH = 16384


def setup_inputs(seed: int = 0) -> dict:
    key = jax.random.key(seed)
    k_x, k_tab, k_w1, k_b1, k_w2, k_b2, k_w3, k_b3 = jax.random.split(key, 8)
    x = jax.random.randint(k_x, (BATCH, WIN), 0, VOCAB, dtype=jnp.int64 if jax.config.jax_enable_x64 else jnp.int32)
    table = jax.random.normal(k_tab, (VOCAB, EMB), dtype=jnp.float32)
    in_dim = EMB * WIN
    # torch nn.Linear default init: U(-1/sqrt(fan_in), 1/sqrt(fan_in))
    def lin_init(kw, kb, fan_in, fan_out):
        bound = 1.0 / np.sqrt(fan_in)
        W = jax.random.uniform(kw, (fan_in, fan_out), minval=-bound, maxval=bound, dtype=jnp.float32)
        b = jax.random.uniform(kb, (fan_out,), minval=-bound, maxval=bound, dtype=jnp.float32)
        return W, b
    W1, b1 = lin_init(k_w1, k_b1, in_dim, H1)
    W2, b2 = lin_init(k_w2, k_b2, H1, H2)
    W3, b3 = lin_init(k_w3, k_b3, H2, NCLS)
    return {"x": x, "table": table, "W1": W1, "b1": b1, "W2": W2, "b2": b2, "W3": W3, "b3": b3}


def reference(x, table, W1, b1, W2, b2, W3, b3):
    # embedding lookup (SparseCore gather)
    embeds = jnp.take(table, x, axis=0)            # [B, WIN, EMB]
    h = embeds.reshape(embeds.shape[0], -1)        # [B, WIN*EMB]
    h = jnp.maximum(h @ W1 + b1, 0.0)              # Linear + ReLU (dropout_rate=0.0 -> identity)
    h = jnp.maximum(h @ W2 + b2, 0.0)
    out = h @ W3 + b3                              # [B, NCLS]
    return out

if __name__ == "__main__":
    import jax
    _d = setup_inputs()
    print(jax.jit(kernel)(*tuple(_d.values())))

</pallas_src>

<mosaic_0001>
#map = affine_map<(d0, d1) -> (0, 0)>
module attributes {stable_mosaic.version = 14 : i64} {
  func.func @_g(%arg0: i32, %arg1: i32, %arg2: memref<1048576x32xf32, #tpu.memory_space<hbm>>, %arg3: memref<2560x128xi32, #tpu.memory_space<hbm>>, %arg4: memref<163840x32xf32, #tpu.memory_space<hbm>>, %arg5: memref<40x128xi32, #tpu.memory_space<vmem>>, %arg6: memref<40x128xi32, #tpu.memory_space<vmem>>, %arg7: memref<1024x32xf32, #tpu.memory_space<vmem>>, %arg8: memref<1024x32xf32, #tpu.memory_space<vmem>>, %arg9: memref<!tpu.dma_semaphore, #tpu.memory_space<semaphore_mem>>, %arg10: memref<!tpu.dma_semaphore, #tpu.memory_space<semaphore_mem>>) attributes {dimension_semantics = [#tpu.dimension_semantics<core_parallel>, #tpu.dimension_semantics<subcore_parallel>], iteration_bounds = array<i64: 2, 16>, scalar_prefetch = 0 : i64, scratch_operands = 6 : i64, tpu.core_type = #tpu.core_type<sc_vector_subcore>, window_params = [{transform_indices = #map}, {transform_indices = #map}, {transform_indices = #map}]} {
    %mul3A = arith.constant 2 : i32
    %mul3A_0 = arith.muli %arg1, %mul3A : i32
    %add3A = arith.addi %mul3A_0, %arg0 : i32
    %mul3A_1 = arith.constant 40 : i32
    %mul3A_2 = arith.muli %add3A, %mul3A_1 : i32
    %add3A_3 = arith.constant 0 : i32
    %add3A_4 = arith.addi %add3A_3, %mul3A_2 : i32
    "tpu.region"() ({
      %run_scoped3A = tpu.sem_alloc : memref<!tpu.dma_semaphore, #tpu.memory_space<semaphore_mem>>
      %dma_start3A_256 = arith.constant 0 : i32
      %dma_start3A_257 = tpu.memref_slice %arg3[%add3A_4, %dma_start3A_256] : memref<2560x128xi32, #tpu.memory_space<hbm>> -> memref<40x128xi32, #tpu.memory_space<hbm>>
      %dma_start3A_258 = arith.constant 0 : i32
      %dma_start3A_259 = tpu.memref_slice %arg3[%add3A_4, %dma_start3A_258] : memref<2560x128xi32, #tpu.memory_space<hbm>> -> memref<40x128xi32, #tpu.memory_space<hbm>>
      tpu.enqueue_dma source(%dma_start3A_259 : memref<40x128xi32, #tpu.memory_space<hbm>>) target(%arg5 : memref<40x128xi32, #tpu.memory_space<vmem>>) target_semaphore(%run_scoped3A : memref<!tpu.dma_semaphore, #tpu.memory_space<semaphore_mem>>)
      %dma_wait3A_260 = arith.constant 0 : i32
      %dma_wait3A_261 = tpu.memref_slice %arg3[%add3A_4, %dma_wait3A_260] : memref<2560x128xi32, #tpu.memory_space<hbm>> -> memref<40x128xi32, #tpu.memory_space<hbm>>
      %dma_wait3A_262 = arith.constant 0 : i32
      %dma_wait3A_263 = tpu.memref_slice %arg3[%add3A_4, %dma_wait3A_262] : memref<2560x128xi32, #tpu.memory_space<hbm>> -> memref<40x128xi32, #tpu.memory_space<hbm>>
      tpu.wait_dma2 semaphore(%run_scoped3A : memref<!tpu.dma_semaphore, #tpu.memory_space<semaphore_mem>>) src(%dma_wait3A_263 : memref<40x128xi32, #tpu.memory_space<hbm>>) dst(%arg5 : memref<40x128xi32, #tpu.memory_space<vmem>>)
      tpu.yield
    }) : () -> ()
    %iota3A = tpu.iota {dimensions = array<i32: 0>} : vector<16xi32>
    %scan3A = arith.constant 0 : i32
    %scan3A_5 = arith.constant 320 : i32
    %scan3A_6 = arith.addi %scan3A, %scan3A_5 : i32
    %scan3A_7 = arith.constant 1 : i32
    scf.for %scan3A_256 = %scan3A to %scan3A_6 step %scan3A_7  : i32 {
      %mul3A_257 = arith.constant 16 : i32
      %mul3A_258 = arith.muli %scan3A_256, %mul3A_257 : i32
      %add3A_259 = vector.broadcast %mul3A_258 : i32 to vector<16xi32>
      %add3A_260 = arith.addi %add3A_259, %iota3A : vector<16xi32>
      %shift_right_logical3A = arith.constant 10 : i32
      %shift_right_logical3A_261 = vector.broadcast %shift_right_logical3A : i32 to vector<16xi32>
      %shift_right_logical3A_262 = arith.shrui %add3A_260, %shift_right_logical3A_261 : vector<16xi32>
      %and3A = arith.constant 1023 : i32
      %and3A_263 = vector.broadcast %and3A : i32 to vector<16xi32>
      %and3A_264 = arith.andi %add3A_260, %and3A_263 : vector<16xi32>
      %shift_right_logical3A_265 = arith.constant 2 : i32
      %shift_right_logical3A_266 = vector.broadcast %shift_right_logical3A_265 : i32 to vector<16xi32>
      %shift_right_logical3A_267 = arith.shrui %and3A_264, %shift_right_logical3A_266 : vector<16xi32>
      %mul3A_268 = arith.constant 20 : i32
      %mul3A_269 = vector.broadcast %mul3A_268 : i32 to vector<16xi32>
      %mul3A_270 = arith.muli %shift_right_logical3A_267, %mul3A_269 : vector<16xi32>
      %mul3A_271 = arith.constant 4 : i32
      %mul3A_272 = vector.broadcast %mul3A_271 : i32 to vector<16xi32>
      %mul3A_273 = arith.muli %shift_right_logical3A_262, %mul3A_272 : vector<16xi32>
      %add3A_274 = arith.addi %mul3A_270, %mul3A_273 : vector<16xi32>
      %and3A_275 = arith.constant 3 : i32
      %and3A_276 = vector.broadcast %and3A_275 : i32 to vector<16xi32>
      %and3A_277 = arith.andi %and3A_264, %and3A_276 : vector<16xi32>
      %add3A_278 = arith.addi %add3A_274, %and3A_277 : vector<16xi32>
      %shift_right_logical3A_279 = arith.constant 7 : i32
      %shift_right_logical3A_280 = vector.broadcast %shift_right_logical3A_279 : i32 to vector<16xi32>
      %shift_right_logical3A_281 = arith.shrui %add3A_278, %shift_right_logical3A_280 : vector<16xi32>
      %and3A_282 = arith.constant 127 : i32
      %and3A_283 = vector.broadcast %and3A_282 : i32 to vector<16xi32>
      %and3A_284 = arith.andi %add3A_278, %and3A_283 : vector<16xi32>
      %gather3A = tpu.vector_load_idx %arg5[%shift_right_logical3A_281, %and3A_284] : memref<40x128xi32, #tpu.memory_space<vmem>>[vector<16xi32>, vector<16xi32>], vector<16xi32>,
      %and3A_285 = arith.constant 262143 : i32
      %and3A_286 = vector.broadcast %and3A_285 : i32 to vector<16xi32>
      %and3A_287 = arith.andi %gather3A, %and3A_286 : vector<16xi32>
      %mul3A_288 = arith.constant 4 : i32
      %mul3A_289 = vector.broadcast %mul3A_288 : i32 to vector<16xi32>
      %mul3A_290 = arith.muli %and3A_287, %mul3A_289 : vector<16xi32>
      %shift_right_logical3A_291 = arith.constant 18 : i32
      %shift_right_logical3A_292 = vector.broadcast %shift_right_logical3A_291 : i32 to vector<16xi32>
      %shift_right_logical3A_293 = arith.shrui %gather3A, %shift_right_logical3A_292 : vector<16xi32>
      %add3A_294 = arith.addi %mul3A_290, %shift_right_logical3A_293 : vector<16xi32>
      %jit3A = arith.constant 8 : i32
      %div3A = arith.divsi %scan3A_256, %jit3A : i32
      %sign3A = arith.constant 0 : i32
      %sign3A_295 = arith.cmpi sgt, %scan3A_256, %sign3A : i32
      %sign3A_296 = arith.extui %sign3A_295 : i1 to i32
      %sign3A_297 = arith.constant 0 : i32
      %sign3A_298 = arith.cmpi slt, %scan3A_256, %sign3A_297 : i32
      %sign3A_299 = arith.extui %sign3A_298 : i1 to i32
      %sign3A_300 = arith.subi %sign3A_296, %sign3A_299 : i32
      %sign3A_301 = arith.constant 0 : i32
      %sign3A_302 = arith.cmpi sgt, %jit3A, %sign3A_301 : i32
      %sign3A_303 = arith.extui %sign3A_302 : i1 to i32
      %sign3A_304 = arith.constant 0 : i32
      %sign3A_305 = arith.cmpi slt, %jit3A, %sign3A_304 : i32
      %sign3A_306 = arith.extui %sign3A_305 : i1 to i32
      %sign3A_307 = arith.subi %sign3A_303, %sign3A_306 : i32
      %ne3A = arith.cmpi ne, %sign3A_300, %sign3A_307 : i32
      %rem3A = arith.remsi %scan3A_256, %jit3A : i32
      %ne3A_308 = arith.constant 0 : i32
      %ne3A_309 = arith.cmpi ne, %rem3A, %ne3A_308 : i32
      %and3A_310 = arith.andi %ne3A, %ne3A_309 : i1
      %sub3A = arith.constant 1 : i32
      %sub3A_311 = arith.subi %div3A, %sub3A : i32
      %select_n3A = arith.select %and3A_310, %sub3A_311, %div3A : i32
      %jit3A_312 = arith.constant 8 : i32
      %eq3A = arith.constant 0 : i32
      %eq3A_313 = arith.cmpi eq, %jit3A_312, %eq3A : i32
      %jit3A_314 = arith.constant 1 : i32
      %select_n3A_315 = arith.select %eq3A_313, %jit3A_314, %jit3A_312 : i32
      %rem3A_316 = arith.remsi %scan3A_256, %select_n3A_315 : i32
      %ne3A_317 = arith.constant 0 : i32
      %ne3A_318 = arith.cmpi ne, %rem3A_316, %ne3A_317 : i32
      %lt3A = arith.constant 0 : i32
      %lt3A_319 = arith.cmpi slt, %rem3A_316, %lt3A : i32
      %lt3A_320 = arith.constant 0 : i32
      %lt3A_321 = arith.cmpi slt, %select_n3A_315, %lt3A_320 : i32
      %ne3A_322 = arith.xori %lt3A_319, %lt3A_321 : i1
      %and3A_323 = arith.andi %ne3A_322, %ne3A_318 : i1
      %add3A_324 = arith.addi %rem3A_316, %select_n3A_315 : i32
      %select_n3A_325 = arith.select %and3A_323, %add3A_324, %rem3A_316 : i32
      %mul3A_326 = arith.constant 16 : i32
      %mul3A_327 = arith.muli %select_n3A_325, %mul3A_326 : i32
      %swap3A = arith.index_cast %select_n3A : i32 to index
      %swap3A_328 = arith.index_cast %mul3A_327 : i32 to index
      %swap3A_329 = tpu.vector_load %arg6[%swap3A, %swap3A_328] {strides = array<i32>} : memref<40x128xi32, #tpu.memory_space<vmem>>, vector<16xi32>,
      tpu.vector_store %arg6[%swap3A, %swap3A_328], %add3A_294 {strides = array<i32>} : memref<40x128xi32, #tpu.memory_space<vmem>>, vector<16xi32>,
    }
    %scan3A_8 = arith.constant 320 : i32
    %dma_start3A = arith.constant 0 : i32
    %dma_start3A_9 = arith.constant 0 : i32
    %dma_start3A_10 = arith.constant 0 : i32
    %dma_start3A_11 = tpu.memref_slice %arg7[%dma_start3A_9, %dma_start3A_10] : memref<1024x32xf32, #tpu.memory_space<vmem>> -> memref<128x32xf32, #tpu.memory_space<vmem>>
    %dma_start3A_12 = arith.constant 0 : i32
    %dma_start3A_13 = tpu.memref_slice %arg6[%dma_start3A, %dma_start3A_12] : memref<40x128xi32, #tpu.memory_space<vmem>> -> memref<1x128xi32, #tpu.memory_space<vmem>>
    %dma_start3A_14 = tpu.memref_squeeze %dma_start3A_13 : memref<1x128xi32, #tpu.memory_space<vmem>> -> memref<128xi32, #tpu.memory_space<vmem>>
    %dma_start3A_15 = arith.constant 0 : i32
    %dma_start3A_16 = arith.constant 0 : i32
    %dma_start3A_17 = tpu.memref_slice %arg2[%dma_start3A_15, %dma_start3A_16] : memref<1048576x32xf32, #tpu.memory_space<hbm>> -> memref<1048576x32xf32, #tpu.memory_space<hbm>>
    tpu.enqueue_indirect_dma source(%dma_start3A_17 : memref<1048576x32xf32, #tpu.memory_space<hbm>>) target(%dma_start3A_11 : memref<128x32xf32, #tpu.memory_space<vmem>>) offsets(%dma_start3A_14 : memref<128xi32, #tpu.memory_space<vmem>>) semaphore(%arg9 : memref<!tpu.dma_semaphore, #tpu.memory_space<semaphore_mem>>)
    %dma_start3A_18 = arith.constant 1 : i32
    %dma_start3A_19 = arith.constant 128 : i32
    %dma_start3A_20 = arith.constant 0 : i32
    %dma_start3A_21 = tpu.memref_slice %arg7[%dma_start3A_19, %dma_start3A_20] : memref<1024x32xf32, #tpu.memory_space<vmem>> -> memref<128x32xf32, #tpu.memory_space<vmem>>
    %dma_start3A_22 = arith.constant 0 : i32
    %dma_start3A_23 = tpu.memref_slice %arg6[%dma_start3A_18, %dma_start3A_22] : memref<40x128xi32, #tpu.memory_space<vmem>> -> memref<1x128xi32, #tpu.memory_space<vmem>>
    %dma_start3A_24 = tpu.memref_squeeze %dma_start3A_23 : memref<1x128xi32, #tpu.memory_space<vmem>> -> memref<128xi32, #tpu.memory_space<vmem>>
    %dma_start3A_25 = arith.constant 0 : i32
    %dma_start3A_26 = arith.constant 0 : i32
    %dma_start3A_27 = tpu.memref_slice %arg2[%dma_start3A_25, %dma_start3A_26] : memref<1048576x32xf32, #tpu.memory_space<hbm>> -> memref<1048576x32xf32, #tpu.memory_space<hbm>>
    tpu.enqueue_indirect_dma source(%dma_start3A_27 : memref<1048576x32xf32, #tpu.memory_space<hbm>>) target(%dma_start3A_21 : memref<128x32xf32, #tpu.memory_space<vmem>>) offsets(%dma_start3A_24 : memref<128xi32, #tpu.memory_space<vmem>>) semaphore(%arg9 : memref<!tpu.dma_semaphore, #tpu.memory_space<semaphore_mem>>)
    %dma_start3A_28 = arith.constant 2 : i32
    %dma_start3A_29 = arith.constant 256 : i32
    %dma_start3A_30 = arith.constant 0 : i32
    %dma_start3A_31 = tpu.memref_slice %arg7[%dma_start3A_29, %dma_start3A_30] : memref<1024x32xf32, #tpu.memory_space<vmem>> -> memref<128x32xf32, #tpu.memory_space<vmem>>
    %dma_start3A_32 = arith.constant 0 : i32
    %dma_start3A_33 = tpu.memref_slice %arg6[%dma_start3A_28, %dma_start3A_32] : memref<40x128xi32, #tpu.memory_space<vmem>> -> memref<1x128xi32, #tpu.memory_space<vmem>>
    %dma_start3A_34 = tpu.memref_squeeze %dma_start3A_33 : memref<1x128xi32, #tpu.memory_space<vmem>> -> memref<128xi32, #tpu.memory_space<vmem>>
    %dma_start3A_35 = arith.constant 0 : i32
    %dma_start3A_36 = arith.constant 0 : i32
    %dma_start3A_37 = tpu.memref_slice %arg2[%dma_start3A_35, %dma_start3A_36] : memref<1048576x32xf32, #tpu.memory_space<hbm>> -> memref<1048576x32xf32, #tpu.memory_space<hbm>>
    tpu.enqueue_indirect_dma source(%dma_start3A_37 : memref<1048576x32xf32, #tpu.memory_space<hbm>>) target(%dma_start3A_31 : memref<128x32xf32, #tpu.memory_space<vmem>>) offsets(%dma_start3A_34 : memref<128xi32, #tpu.memory_space<vmem>>) semaphore(%arg9 : memref<!tpu.dma_semaphore, #tpu.memory_space<semaphore_mem>>)
    %dma_start3A_38 = arith.constant 3 : i32
    %dma_start3A_39 = arith.constant 384 : i32
    %dma_start3A_40 = arith.constant 0 : i32
    %dma_start3A_41 = tpu.memref_slice %arg7[%dma_start3A_39, %dma_start3A_40] : memref<1024x32xf32, #tpu.memory_space<vmem>> -> memref<128x32xf32, #tpu.memory_space<vmem>>
    %dma_start3A_42 = arith.constant 0 : i32
    %dma_start3A_43 = tpu.memref_slice %arg6[%dma_start3A_38, %dma_start3A_42] : memref<40x128xi32, #tpu.memory_space<vmem>> -> memref<1x128xi32, #tpu.memory_space<vmem>>
    %dma_start3A_44 = tpu.memref_squeeze %dma_start3A_43 : memref<1x128xi32, #tpu.memory_space<vmem>> -> memref<128xi32, #tpu.memory_space<vmem>>
    %dma_start3A_45 = arith.constant 0 : i32
    %dma_start3A_46 = arith.constant 0 : i32
    %dma_start3A_47 = tpu.memref_slice %arg2[%dma_start3A_45, %dma_start3A_46] : memref<1048576x32xf32, #tpu.memory_space<hbm>> -> memref<1048576x32xf32, #tpu.memory_space<hbm>>
    tpu.enqueue_indirect_dma source(%dma_start3A_47 : memref<1048576x32xf32, #tpu.memory_space<hbm>>) target(%dma_start3A_41 : memref<128x32xf32, #tpu.memory_space<vmem>>) offsets(%dma_start3A_44 : memref<128xi32, #tpu.memory_space<vmem>>) semaphore(%arg9 : memref<!tpu.dma_semaphore, #tpu.memory_space<semaphore_mem>>)
    %dma_start3A_48 = arith.constant 4 : i32
    %dma_start3A_49 = arith.constant 512 : i32
    %dma_start3A_50 = arith.constant 0 : i32
    %dma_start3A_51 = tpu.memref_slice %arg7[%dma_start3A_49, %dma_start3A_50] : memref<1024x32xf32, #tpu.memory_space<vmem>> -> memref<128x32xf32, #tpu.memory_space<vmem>>
    %dma_start3A_52 = arith.constant 0 : i32
    %dma_start3A_53 = tpu.memref_slice %arg6[%dma_start3A_48, %dma_start3A_52] : memref<40x128xi32, #tpu.memory_space<vmem>> -> memref<1x128xi32, #tpu.memory_space<vmem>>
    %dma_start3A_54 = tpu.memref_squeeze %dma_start3A_53 : memref<1x128xi32, #tpu.memory_space<vmem>> -> memref<128xi32, #tpu.memory_space<vmem>>
    %dma_start3A_55 = arith.constant 0 : i32
    %dma_start3A_56 = arith.constant 0 : i32
    %dma_start3A_57 = tpu.memref_slice %arg2[%dma_start3A_55, %dma_start3A_56] : memref<1048576x32xf32, #tpu.memory_space<hbm>> -> memref<1048576x32xf32, #tpu.memory_space<hbm>>
    tpu.enqueue_indirect_dma source(%dma_start3A_57 : memref<1048576x32xf32, #tpu.memory_space<hbm>>) target(%dma_start3A_51 : memref<128x32xf32, #tpu.memory_space<vmem>>) offsets(%dma_start3A_54 : memref<128xi32, #tpu.memory_space<vmem>>) semaphore(%arg9 : memref<!tpu.dma_semaphore, #tpu.memory_space<semaphore_mem>>)
    %dma_start3A_58 = arith.constant 5 : i32
    %dma_start3A_59 = arith.constant 640 : i32
    %dma_start3A_60 = arith.constant 0 : i32
    %dma_start3A_61 = tpu.memref_slice %arg7[%dma_start3A_59, %dma_start3A_60] : memref<1024x32xf32, #tpu.memory_space<vmem>> -> memref<128x32xf32, #tpu.memory_space<vmem>>
    %dma_start3A_62 = arith.constant 0 : i32
    %dma_start3A_63 = tpu.memref_slice %arg6[%dma_start3A_58, %dma_start3A_62] : memref<40x128xi32, #tpu.memory_space<vmem>> -> memref<1x128xi32, #tpu.memory_space<vmem>>
    %dma_start3A_64 = tpu.memref_squeeze %dma_start3A_63 : memref<1x128xi32, #tpu.memory_space<vmem>> -> memref<128xi32, #tpu.memory_space<vmem>>
    %dma_start3A_65 = arith.constant 0 : i32
    %dma_start3A_66 = arith.constant 0 : i32
    %dma_start3A_67 = tpu.memref_slice %arg2[%dma_start3A_65, %dma_start3A_66] : memref<1048576x32xf32, #tpu.memory_space<hbm>> -> memref<1048576x32xf32, #tpu.memory_space<hbm>>
    tpu.enqueue_indirect_dma source(%dma_start3A_67 : memref<1048576x32xf32, #tpu.memory_space<hbm>>) target(%dma_start3A_61 : memref<128x32xf32, #tpu.memory_space<vmem>>) offsets(%dma_start3A_64 : memref<128xi32, #tpu.memory_space<vmem>>) semaphore(%arg9 : memref<!tpu.dma_semaphore, #tpu.memory_space<semaphore_mem>>)
    %dma_start3A_68 = arith.constant 6 : i32
    %dma_start3A_69 = arith.constant 768 : i32
    %dma_start3A_70 = arith.constant 0 : i32
    %dma_start3A_71 = tpu.memref_slice %arg7[%dma_start3A_69, %dma_start3A_70] : memref<1024x32xf32, #tpu.memory_space<vmem>> -> memref<128x32xf32, #tpu.memory_space<vmem>>
    %dma_start3A_72 = arith.constant 0 : i32
    %dma_start3A_73 = tpu.memref_slice %arg6[%dma_start3A_68, %dma_start3A_72] : memref<40x128xi32, #tpu.memory_space<vmem>> -> memref<1x128xi32, #tpu.memory_space<vmem>>
    %dma_start3A_74 = tpu.memref_squeeze %dma_start3A_73 : memref<1x128xi32, #tpu.memory_space<vmem>> -> memref<128xi32, #tpu.memory_space<vmem>>
    %dma_start3A_75 = arith.constant 0 : i32
    %dma_start3A_76 = arith.constant 0 : i32
    %dma_start3A_77 = tpu.memref_slice %arg2[%dma_start3A_75, %dma_start3A_76] : memref<1048576x32xf32, #tpu.memory_space<hbm>> -> memref<1048576x32xf32, #tpu.memory_space<hbm>>
    tpu.enqueue_indirect_dma source(%dma_start3A_77 : memref<1048576x32xf32, #tpu.memory_space<hbm>>) target(%dma_start3A_71 : memref<128x32xf32, #tpu.memory_space<vmem>>) offsets(%dma_start3A_74 : memref<128xi32, #tpu.memory_space<vmem>>) semaphore(%arg9 : memref<!tpu.dma_semaphore, #tpu.memory_space<semaphore_mem>>)
    %dma_start3A_78 = arith.constant 7 : i32
    %dma_start3A_79 = arith.constant 896 : i32
    %dma_start3A_80 = arith.constant 0 : i32
    %dma_start3A_81 = tpu.memref_slice %arg7[%dma_start3A_79, %dma_start3A_80] : memref<1024x32xf32, #tpu.memory_space<vmem>> -> memref<128x32xf32, #tpu.memory_space<vmem>>
    %dma_start3A_82 = arith.constant 0 : i32
    %dma_start3A_83 = tpu.memref_slice %arg6[%dma_start3A_78, %dma_start3A_82] : memref<40x128xi32, #tpu.memory_space<vmem>> -> memref<1x128xi32, #tpu.memory_space<vmem>>
    %dma_start3A_84 = tpu.memref_squeeze %dma_start3A_83 : memref<1x128xi32, #tpu.memory_space<vmem>> -> memref<128xi32, #tpu.memory_space<vmem>>
    %dma_start3A_85 = arith.constant 0 : i32
    %dma_start3A_86 = arith.constant 0 : i32
    %dma_start3A_87 = tpu.memref_slice %arg2[%dma_start3A_85, %dma_start3A_86] : memref<1048576x32xf32, #tpu.memory_space<hbm>> -> memref<1048576x32xf32, #tpu.memory_space<hbm>>
    tpu.enqueue_indirect_dma source(%dma_start3A_87 : memref<1048576x32xf32, #tpu.memory_space<hbm>>) target(%dma_start3A_81 : memref<128x32xf32, #tpu.memory_space<vmem>>) offsets(%dma_start3A_84 : memref<128xi32, #tpu.memory_space<vmem>>) semaphore(%arg9 : memref<!tpu.dma_semaphore, #tpu.memory_space<semaphore_mem>>)
    %dma_start3A_88 = arith.constant 8 : i32
    %dma_start3A_89 = arith.constant 0 : i32
    %dma_start3A_90 = arith.constant 0 : i32
    %dma_start3A_91 = tpu.memref_slice %arg8[%dma_start3A_89, %dma_start3A_90] : memref<1024x32xf32, #tpu.memory_space<vmem>> -> memref<128x32xf32, #tpu.memory_space<vmem>>
    %dma_start3A_92 = arith.constant 0 : i32
    %dma_start3A_93 = tpu.memref_slice %arg6[%dma_start3A_88, %dma_start3A_92] : memref<40x128xi32, #tpu.memory_space<vmem>> -> memref<1x128xi32, #tpu.memory_space<vmem>>
    %dma_start3A_94 = tpu.memref_squeeze %dma_start3A_93 : memref<1x128xi32, #tpu.memory_space<vmem>> -> memref<128xi32, #tpu.memory_space<vmem>>
    %dma_start3A_95 = arith.constant 0 : i32
    %dma_start3A_96 = arith.constant 0 : i32
    %dma_start3A_97 = tpu.memref_slice %arg2[%dma_start3A_95, %dma_start3A_96] : memref<1048576x32xf32, #tpu.memory_space<hbm>> -> memref<1048576x32xf32, #tpu.memory_space<hbm>>
    tpu.enqueue_indirect_dma source(%dma_start3A_97 : memref<1048576x32xf32, #tpu.memory_space<hbm>>) target(%dma_start3A_91 : memref<128x32xf32, #tpu.memory_space<vmem>>) offsets(%dma_start3A_94 : memref<128xi32, #tpu.memory_space<vmem>>) semaphore(%arg10 : memref<!tpu.dma_semaphore, #tpu.memory_space<semaphore_mem>>)
    %dma_start3A_98 = arith.constant 9 : i32
    %dma_start3A_99 = arith.constant 128 : i32
    %dma_start3A_100 = arith.constant 0 : i32
    %dma_start3A_101 = tpu.memref_slice %arg8[%dma_start3A_99, %dma_start3A_100] : memref<1024x32xf32, #tpu.memory_space<vmem>> -> memref<128x32xf32, #tpu.memory_space<vmem>>
    %dma_start3A_102 = arith.constant 0 : i32
    %dma_start3A_103 = tpu.memref_slice %arg6[%dma_start3A_98, %dma_start3A_102] : memref<40x128xi32, #tpu.memory_space<vmem>> -> memref<1x128xi32, #tpu.memory_space<vmem>>
    %dma_start3A_104 = tpu.memref_squeeze %dma_start3A_103 : memref<1x128xi32, #tpu.memory_space<vmem>> -> memref<128xi32, #tpu.memory_space<vmem>>
    %dma_start3A_105 = arith.constant 0 : i32
    %dma_start3A_106 = arith.constant 0 : i32
    %dma_start3A_107 = tpu.memref_slice %arg2[%dma_start3A_105, %dma_start3A_106] : memref<1048576x32xf32, #tpu.memory_space<hbm>> -> memref<1048576x32xf32, #tpu.memory_space<hbm>>
    tpu.enqueue_indirect_dma source(%dma_start3A_107 : memref<1048576x32xf32, #tpu.memory_space<hbm>>) target(%dma_start3A_101 : memref<128x32xf32, #tpu.memory_space<vmem>>) offsets(%dma_start3A_104 : memref<128xi32, #tpu.memory_space<vmem>>) semaphore(%arg10 : memref<!tpu.dma_semaphore, #tpu.memory_space<semaphore_mem>>)
    %dma_start3A_108 = arith.constant 10 : i32
    %dma_start3A_109 = arith.constant 256 : i32
    %dma_start3A_110 = arith.constant 0 : i32
    %dma_start3A_111 = tpu.memref_slice %arg8[%dma_start3A_109, %dma_start3A_110] : memref<1024x32xf32, #tpu.memory_space<vmem>> -> memref<128x32xf32, #tpu.memory_space<vmem>>
    %dma_start3A_112 = arith.constant 0 : i32
    %dma_start3A_113 = tpu.memref_slice %arg6[%dma_start3A_108, %dma_start3A_112] : memref<40x128xi32, #tpu.memory_space<vmem>> -> memref<1x128xi32, #tpu.memory_space<vmem>>
    %dma_start3A_114 = tpu.memref_squeeze %dma_start3A_113 : memref<1x128xi32, #tpu.memory_space<vmem>> -> memref<128xi32, #tpu.memory_space<vmem>>
    %dma_start3A_115 = arith.constant 0 : i32
    %dma_start3A_116 = arith.constant 0 : i32
    %dma_start3A_117 = tpu.memref_slice %arg2[%dma_start3A_115, %dma_start3A_116] : memref<1048576x32xf32, #tpu.memory_space<hbm>> -> memref<1048576x32xf32, #tpu.memory_space<hbm>>
    tpu.enqueue_indirect_dma source(%dma_start3A_117 : memref<1048576x32xf32, #tpu.memory_space<hbm>>) target(%dma_start3A_111 : memref<128x32xf32, #tpu.memory_space<vmem>>) offsets(%dma_start3A_114 : memref<128xi32, #tpu.memory_space<vmem>>) semaphore(%arg10 : memref<!tpu.dma_semaphore, #tpu.memory_space<semaphore_mem>>)
    %dma_start3A_118 = arith.constant 11 : i32
    %dma_start3A_119 = arith.constant 384 : i32
    %dma_start3A_120 = arith.constant 0 : i32
    %dma_start3A_121 = tpu.memref_slice %arg8[%dma_start3A_119, %dma_start3A_120] : memref<1024x32xf32, #tpu.memory_space<vmem>> -> memref<128x32xf32, #tpu.memory_space<vmem>>
    %dma_start3A_122 = arith.constant 0 : i32
    %dma_start3A_123 = tpu.memref_slice %arg6[%dma_start3A_118, %dma_start3A_122] : memref<40x128xi32, #tpu.memory_space<vmem>> -> memref<1x128xi32, #tpu.memory_space<vmem>>
    %dma_start3A_124 = tpu.memref_squeeze %dma_start3A_123 : memref<1x128xi32, #tpu.memory_space<vmem>> -> memref<128xi32, #tpu.memory_space<vmem>>
    %dma_start3A_125 = arith.constant 0 : i32
    %dma_start3A_126 = arith.constant 0 : i32
    %dma_start3A_127 = tpu.memref_slice %arg2[%dma_start3A_125, %dma_start3A_126] : memref<1048576x32xf32, #tpu.memory_space<hbm>> -> memref<1048576x32xf32, #tpu.memory_space<hbm>>
    tpu.enqueue_indirect_dma source(%dma_start3A_127 : memref<1048576x32xf32, #tpu.memory_space<hbm>>) target(%dma_start3A_121 : memref<128x32xf32, #tpu.memory_space<vmem>>) offsets(%dma_start3A_124 : memref<128xi32, #tpu.memory_space<vmem>>) semaphore(%arg10 : memref<!tpu.dma_semaphore, #tpu.memory_space<semaphore_mem>>)
    %dma_start3A_128 = arith.constant 12 : i32
    %dma_start3A_129 = arith.constant 512 : i32
    %dma_start3A_130 = arith.constant 0 : i32
    %dma_start3A_131 = tpu.memref_slice %arg8[%dma_start3A_129, %dma_start3A_130] : memref<1024x32xf32, #tpu.memory_space<vmem>> -> memref<128x32xf32, #tpu.memory_space<vmem>>
    %dma_start3A_132 = arith.constant 0 : i32
    %dma_start3A_133 = tpu.memref_slice %arg6[%dma_start3A_128, %dma_start3A_132] : memref<40x128xi32, #tpu.memory_space<vmem>> -> memref<1x128xi32, #tpu.memory_space<vmem>>
    %dma_start3A_134 = tpu.memref_squeeze %dma_start3A_133 : memref<1x128xi32, #tpu.memory_space<vmem>> -> memref<128xi32, #tpu.memory_space<vmem>>
    %dma_start3A_135 = arith.constant 0 : i32
    %dma_start3A_136 = arith.constant 0 : i32
    %dma_start3A_137 = tpu.memref_slice %arg2[%dma_start3A_135, %dma_start3A_136] : memref<1048576x32xf32, #tpu.memory_space<hbm>> -> memref<1048576x32xf32, #tpu.memory_space<hbm>>
    tpu.enqueue_indirect_dma source(%dma_start3A_137 : memref<1048576x32xf32, #tpu.memory_space<hbm>>) target(%dma_start3A_131 : memref<128x32xf32, #tpu.memory_space<vmem>>) offsets(%dma_start3A_134 : memref<128xi32, #tpu.memory_space<vmem>>) semaphore(%arg10 : memref<!tpu.dma_semaphore, #tpu.memory_space<semaphore_mem>>)
    %dma_start3A_138 = arith.constant 13 : i32
    %dma_start3A_139 = arith.constant 640 : i32
    %dma_start3A_140 = arith.constant 0 : i32
    %dma_start3A_141 = tpu.memref_slice %arg8[%dma_start3A_139, %dma_start3A_140] : memref<1024x32xf32, #tpu.memory_space<vmem>> -> memref<128x32xf32, #tpu.memory_space<vmem>>
    %dma_start3A_142 = arith.constant 0 : i32
    %dma_start3A_143 = tpu.memref_slice %arg6[%dma_start3A_138, %dma_start3A_142] : memref<40x128xi32, #tpu.memory_space<vmem>> -> memref<1x128xi32, #tpu.memory_space<vmem>>
    %dma_start3A_144 = tpu.memref_squeeze %dma_start3A_143 : memref<1x128xi32, #tpu.memory_space<vmem>> -> memref<128xi32, #tpu.memory_space<vmem>>
    %dma_start3A_145 = arith.constant 0 : i32
    %dma_start3A_146 = arith.constant 0 : i32
    %dma_start3A_147 = tpu.memref_slice %arg2[%dma_start3A_145, %dma_start3A_146] : memref<1048576x32xf32, #tpu.memory_space<hbm>> -> memref<1048576x32xf32, #tpu.memory_space<hbm>>
    tpu.enqueue_indirect_dma source(%dma_start3A_147 : memref<1048576x32xf32, #tpu.memory_space<hbm>>) target(%dma_start3A_141 : memref<128x32xf32, #tpu.memory_space<vmem>>) offsets(%dma_start3A_144 : memref<128xi32, #tpu.memory_space<vmem>>) semaphore(%arg10 : memref<!tpu.dma_semaphore, #tpu.memory_space<semaphore_mem>>)
    %dma_start3A_148 = arith.constant 14 : i32
    %dma_start3A_149 = arith.constant 768 : i32
    %dma_start3A_150 = arith.constant 0 : i32
    %dma_start3A_151 = tpu.memref_slice %arg8[%dma_start3A_149, %dma_start3A_150] : memref<1024x32xf32, #tpu.memory_space<vmem>> -> memref<128x32xf32, #tpu.memory_space<vmem>>
    %dma_start3A_152 = arith.constant 0 : i32
    %dma_start3A_153 = tpu.memref_slice %arg6[%dma_start3A_148, %dma_start3A_152] : memref<40x128xi32, #tpu.memory_space<vmem>> -> memref<1x128xi32, #tpu.memory_space<vmem>>
    %dma_start3A_154 = tpu.memref_squeeze %dma_start3A_153 : memref<1x128xi32, #tpu.memory_space<vmem>> -> memref<128xi32, #tpu.memory_space<vmem>>
    %dma_start3A_155 = arith.constant 0 : i32
    %dma_start3A_156 = arith.constant 0 : i32
    %dma_start3A_157 = tpu.memref_slice %arg2[%dma_start3A_155, %dma_start3A_156] : memref<1048576x32xf32, #tpu.memory_space<hbm>> -> memref<1048576x32xf32, #tpu.memory_space<hbm>>
    tpu.enqueue_indirect_dma source(%dma_start3A_157 : memref<1048576x32xf32, #tpu.memory_space<hbm>>) target(%dma_start3A_151 : memref<128x32xf32, #tpu.memory_space<vmem>>) offsets(%dma_start3A_154 : memref<128xi32, #tpu.memory_space<vmem>>) semaphore(%arg10 : memref<!tpu.dma_semaphore, #tpu.memory_space<semaphore_mem>>)
    %dma_start3A_158 = arith.constant 15 : i32
    %dma_start3A_159 = arith.constant 896 : i32
    %dma_start3A_160 = arith.constant 0 : i32
    %dma_start3A_161 = tpu.memref_slice %arg8[%dma_start3A_159, %dma_start3A_160] : memref<1024x32xf32, #tpu.memory_space<vmem>> -> memref<128x32xf32, #tpu.memory_space<vmem>>
    %dma_start3A_162 = arith.constant 0 : i32
    %dma_start3A_163 = tpu.memref_slice %arg6[%dma_start3A_158, %dma_start3A_162] : memref<40x128xi32, #tpu.memory_space<vmem>> -> memref<1x128xi32, #tpu.memory_space<vmem>>
    %dma_start3A_164 = tpu.memref_squeeze %dma_start3A_163 : memref<1x128xi32, #tpu.memory_space<vmem>> -> memref<128xi32, #tpu.memory_space<vmem>>
    %dma_start3A_165 = arith.constant 0 : i32
    %dma_start3A_166 = arith.constant 0 : i32
    %dma_start3A_167 = tpu.memref_slice %arg2[%dma_start3A_165, %dma_start3A_166] : memref<1048576x32xf32, #tpu.memory_space<hbm>> -> memref<1048576x32xf32, #tpu.memory_space<hbm>>
    tpu.enqueue_indirect_dma source(%dma_start3A_167 : memref<1048576x32xf32, #tpu.memory_space<hbm>>) target(%dma_start3A_161 : memref<128x32xf32, #tpu.memory_space<vmem>>) offsets(%dma_start3A_164 : memref<128xi32, #tpu.memory_space<vmem>>) semaphore(%arg10 : memref<!tpu.dma_semaphore, #tpu.memory_space<semaphore_mem>>)
    %scan3A_168 = arith.constant 0 : i32
    %scan3A_169 = arith.constant 2 : i32
    %scan3A_170 = arith.addi %scan3A_168, %scan3A_169 : i32
    %scan3A_171 = arith.constant 1 : i32
    scf.for %scan3A_256 = %scan3A_168 to %scan3A_170 step %scan3A_171  : i32 {
      %mul3A_257 = arith.constant 2 : i32
      %mul3A_258 = arith.muli %scan3A_256, %mul3A_257 : i32
      %mul3A_259 = arith.constant 8 : i32
      %mul3A_260 = arith.muli %mul3A_258, %mul3A_259 : i32
      %add3A_261 = arith.constant 0 : i32
      %add3A_262 = arith.addi %mul3A_260, %add3A_261 : i32
      %mul3A_263 = arith.constant 8 : i32
      %mul3A_264 = arith.muli %mul3A_258, %mul3A_263 : i32
      %add3A_265 = arith.constant 1 : i32
      %add3A_266 = arith.addi %mul3A_264, %add3A_265 : i32
      %mul3A_267 = arith.constant 8 : i32
      %mul3A_268 = arith.muli %mul3A_258, %mul3A_267 : i32
      %add3A_269 = arith.constant 2 : i32
      %add3A_270 = arith.addi %mul3A_268, %add3A_269 : i32
      %mul3A_271 = arith.constant 8 : i32
      %mul3A_272 = arith.muli %mul3A_258, %mul3A_271 : i32
      %add3A_273 = arith.constant 3 : i32
      %add3A_274 = arith.addi %mul3A_272, %add3A_273 : i32
      %mul3A_275 = arith.constant 8 : i32
      %mul3A_276 = arith.muli %mul3A_258, %mul3A_275 : i32
      %add3A_277 = arith.constant 4 : i32
      %add3A_278 = arith.addi %mul3A_276, %add3A_277 : i32
      %mul3A_279 = arith.constant 8 : i32
      %mul3A_280 = arith.muli %mul3A_258, %mul3A_279 : i32
      %add3A_281 = arith.constant 5 : i32
      %add3A_282 = arith.addi %mul3A_280, %add3A_281 : i32
      %mul3A_283 = arith.constant 8 : i32
      %mul3A_284 = arith.muli %mul3A_258, %mul3A_283 : i32
      %add3A_285 = arith.constant 6 : i32
      %add3A_286 = arith.addi %mul3A_284, %add3A_285 : i32
      %mul3A_287 = arith.constant 8 : i32
      %mul3A_288 = arith.muli %mul3A_258, %mul3A_287 : i32
      %add3A_289 = arith.constant 7 : i32
      %add3A_290 = arith.addi %mul3A_288, %add3A_289 : i32
      %dma_wait3A_291 = arith.constant 0 : i32
      %dma_wait3A_292 = arith.constant 0 : i32
      %dma_wait3A_293 = tpu.memref_slice %arg7[%dma_wait3A_291, %dma_wait3A_292] : memref<1024x32xf32, #tpu.memory_space<vmem>> -> memref<128x32xf32, #tpu.memory_space<vmem>>
      %dma_wait3A_294 = arith.constant 0 : i32
      %dma_wait3A_295 = tpu.memref_slice %arg6[%add3A_262, %dma_wait3A_294] : memref<40x128xi32, #tpu.memory_space<vmem>> -> memref<1x128xi32, #tpu.memory_space<vmem>>
      %dma_wait3A_296 = tpu.memref_squeeze %dma_wait3A_295 : memref<1x128xi32, #tpu.memory_space<vmem>> -> memref<128xi32, #tpu.memory_space<vmem>>
      %dma_wait3A_297 = arith.constant 0 : i32
      %dma_wait3A_298 = arith.constant 0 : i32
      %dma_wait3A_299 = tpu.memref_slice %arg2[%dma_wait3A_297, %dma_wait3A_298] : memref<1048576x32xf32, #tpu.memory_space<hbm>> -> memref<1048576x32xf32, #tpu.memory_space<hbm>>
      tpu.wait_indirect_dma semaphore(%arg9 : memref<!tpu.dma_semaphore, #tpu.memory_space<semaphore_mem>>) src(%dma_wait3A_299 : memref<1048576x32xf32, #tpu.memory_space<hbm>>) dst(%dma_wait3A_293 : memref<128x32xf32, #tpu.memory_space<vmem>>)
      %dma_wait3A_300 = arith.constant 128 : i32
      %dma_wait3A_301 = arith.constant 0 : i32
      %dma_wait3A_302 = tpu.memref_slice %arg7[%dma_wait3A_300, %dma_wait3A_301] : memref<1024x32xf32, #tpu.memory_space<vmem>> -> memref<128x32xf32, #tpu.memory_space<vmem>>
      %dma_wait3A_303 = arith.constant 0 : i32
      %dma_wait3A_304 = tpu.memref_slice %arg6[%add3A_266, %dma_wait3A_303] : memref<40x128xi32, #tpu.memory_space<vmem>> -> memref<1x128xi32, #tpu.memory_space<vmem>>
      %dma_wait3A_305 = tpu.memref_squeeze %dma_wait3A_304 : memref<1x128xi32, #tpu.memory_space<vmem>> -> memref<128xi32, #tpu.memory_space<vmem>>
      %dma_wait3A_306 = arith.constant 0 : i32
      %dma_wait3A_307 = arith.constant 0 : i32
      %dma_wait3A_308 = tpu.memref_slice %arg2[%dma_wait3A_306, %dma_wait3A_307] : memref<1048576x32xf32, #tpu.memory_space<hbm>> -> memref<1048576x32xf32, #tpu.memory_space<hbm>>
      tpu.wait_indirect_dma semaphore(%arg9 : memref<!tpu.dma_semaphore, #tpu.memory_space<semaphore_mem>>) src(%dma_wait3A_308 : memref<1048576x32xf32, #tpu.memory_space<hbm>>) dst(%dma_wait3A_302 : memref<128x32xf32, #tpu.memory_space<vmem>>)
      %dma_wait3A_309 = arith.constant 256 : i32
      %dma_wait3A_310 = arith.constant 0 : i32
      %dma_wait3A_311 = tpu.memref_slice %arg7[%dma_wait3A_309, %dma_wait3A_310] : memref<1024x32xf32, #tpu.memory_space<vmem>> -> memref<128x32xf32, #tpu.memory_space<vmem>>
      %dma_wait3A_312 = arith.constant 0 : i32
      %dma_wait3A_313 = tpu.memref_slice %arg6[%add3A_270, %dma_wait3A_312] : memref<40x128xi32, #tpu.memory_space<vmem>> -> memref<1x128xi32, #tpu.memory_space<vmem>>
      %dma_wait3A_314 = tpu.memref_squeeze %dma_wait3A_313 : memref<1x128xi32, #tpu.memory_space<vmem>> -> memref<128xi32, #tpu.memory_space<vmem>>
      %dma_wait3A_315 = arith.constant 0 : i32
      %dma_wait3A_316 = arith.constant 0 : i32
      %dma_wait3A_317 = tpu.memref_slice %arg2[%dma_wait3A_315, %dma_wait3A_316] : memref<1048576x32xf32, #tpu.memory_space<hbm>> -> memref<1048576x32xf32, #tpu.memory_space<hbm>>
      tpu.wait_indirect_dma semaphore(%arg9 : memref<!tpu.dma_semaphore, #tpu.memory_space<semaphore_mem>>) src(%dma_wait3A_317 : memref<1048576x32xf32, #tpu.memory_space<hbm>>) dst(%dma_wait3A_311 : memref<128x32xf32, #tpu.memory_space<vmem>>)
      %dma_wait3A_318 = arith.constant 384 : i32
      %dma_wait3A_319 = arith.constant 0 : i32
      %dma_wait3A_320 = tpu.memref_slice %arg7[%dma_wait3A_318, %dma_wait3A_319] : memref<1024x32xf32, #tpu.memory_space<vmem>> -> memref<128x32xf32, #tpu.memory_space<vmem>>
      %dma_wait3A_321 = arith.constant 0 : i32
      %dma_wait3A_322 = tpu.memref_slice %arg6[%add3A_274, %dma_wait3A_321] : memref<40x128xi32, #tpu.memory_space<vmem>> -> memref<1x128xi32, #tpu.memory_space<vmem>>
      %dma_wait3A_323 = tpu.memref_squeeze %dma_wait3A_322 : memref<1x128xi32, #tpu.memory_space<vmem>> -> memref<128xi32, #tpu.memory_space<vmem>>
      %dma_wait3A_324 = arith.constant 0 : i32
      %dma_wait3A_325 = arith.constant 0 : i32
      %dma_wait3A_326 = tpu.memref_slice %arg2[%dma_wait3A_324, %dma_wait3A_325] : memref<1048576x32xf32, #tpu.memory_space<hbm>> -> memref<1048576x32xf32, #tpu.memory_space<hbm>>
      tpu.wait_indirect_dma semaphore(%arg9 : memref<!tpu.dma_semaphore, #tpu.memory_space<semaphore_mem>>) src(%dma_wait3A_326 : memref<1048576x32xf32, #tpu.memory_space<hbm>>) dst(%dma_wait3A_320 : memref<128x32xf32, #tpu.memory_space<vmem>>)
      %dma_wait3A_327 = arith.constant 512 : i32
      %dma_wait3A_328 = arith.constant 0 : i32
      %dma_wait3A_329 = tpu.memref_slice %arg7[%dma_wait3A_327, %dma_wait3A_328] : memref<1024x32xf32, #tpu.memory_space<vmem>> -> memref<128x32xf32, #tpu.memory_space<vmem>>
      %dma_wait3A_330 = arith.constant 0 : i32
      %dma_wait3A_331 = tpu.memref_slice %arg6[%add3A_278, %dma_wait3A_330] : memref<40x128xi32, #tpu.memory_space<vmem>> -> memref<1x128xi32, #tpu.memory_space<vmem>>
      %dma_wait3A_332 = tpu.memref_squeeze %dma_wait3A_331 : memref<1x128xi32, #tpu.memory_space<vmem>> -> memref<128xi32, #tpu.memory_space<vmem>>
      %dma_wait3A_333 = arith.constant 0 : i32
      %dma_wait3A_334 = arith.constant 0 : i32
      %dma_wait3A_335 = tpu.memref_slice %arg2[%dma_wait3A_333, %dma_wait3A_334] : memref<1048576x32xf32, #tpu.memory_space<hbm>> -> memref<1048576x32xf32, #tpu.memory_space<hbm>>
      tpu.wait_indirect_dma semaphore(%arg9 : memref<!tpu.dma_semaphore, #tpu.memory_space<semaphore_mem>>) src(%dma_wait3A_335 : memref<1048576x32xf32, #tpu.memory_space<hbm>>) dst(%dma_wait3A_329 : memref<128x32xf32, #tpu.memory_space<vmem>>)
      %dma_wait3A_336 = arith.constant 640 : i32
      %dma_wait3A_337 = arith.constant 0 : i32
      %dma_wait3A_338 = tpu.memref_slice %arg7[%dma_wait3A_336, %dma_wait3A_337] : memref<1024x32xf32, #tpu.memory_space<vmem>> -> memref<128x32xf32, #tpu.memory_space<vmem>>
      %dma_wait3A_339 = arith.constant 0 : i32
      %dma_wait3A_340 = tpu.memref_slice %arg6[%add3A_282, %dma_wait3A_339] : memref<40x128xi32, #tpu.memory_space<vmem>> -> memref<1x128xi32, #tpu.memory_space<vmem>>
      %dma_wait3A_341 = tpu.memref_squeeze %dma_wait3A_340 : memref<1x128xi32, #tpu.memory_space<vmem>> -> memref<128xi32, #tpu.memory_space<vmem>>
      %dma_wait3A_342 = arith.constant 0 : i32
      %dma_wait3A_343 = arith.constant 0 : i32
      %dma_wait3A_344 = tpu.memref_slice %arg2[%dma_wait3A_342, %dma_wait3A_343] : memref<1048576x32xf32, #tpu.memory_space<hbm>> -> memref<1048576x32xf32, #tpu.memory_space<hbm>>
      tpu.wait_indirect_dma semaphore(%arg9 : memref<!tpu.dma_semaphore, #tpu.memory_space<semaphore_mem>>) src(%dma_wait3A_344 : memref<1048576x32xf32, #tpu.memory_space<hbm>>) dst(%dma_wait3A_338 : memref<128x32xf32, #tpu.memory_space<vmem>>)
      %dma_wait3A_345 = arith.constant 768 : i32
      %dma_wait3A_346 = arith.constant 0 : i32
      %dma_wait3A_347 = tpu.memref_slice %arg7[%dma_wait3A_345, %dma_wait3A_346] : memref<1024x32xf32, #tpu.memory_space<vmem>> -> memref<128x32xf32, #tpu.memory_space<vmem>>
      %dma_wait3A_348 = arith.constant 0 : i32
      %dma_wait3A_349 = tpu.memref_slice %arg6[%add3A_286, %dma_wait3A_348] : memref<40x128xi32, #tpu.memory_space<vmem>> -> memref<1x128xi32, #tpu.memory_space<vmem>>
      %dma_wait3A_350 = tpu.memref_squeeze %dma_wait3A_349 : memref<1x128xi32, #tpu.memory_space<vmem>> -> memref<128xi32, #tpu.memory_space<vmem>>
      %dma_wait3A_351 = arith.constant 0 : i32
      %dma_wait3A_352 = arith.constant 0 : i32
      %dma_wait3A_353 = tpu.memref_slice %arg2[%dma_wait3A_351, %dma_wait3A_352] : memref<1048576x32xf32, #tpu.memory_space<hbm>> -> memref<1048576x32xf32, #tpu.memory_space<hbm>>
      tpu.wait_indirect_dma semaphore(%arg9 : memref<!tpu.dma_semaphore, #tpu.memory_space<semaphore_mem>>) src(%dma_wait3A_353 : memref<1048576x32xf32, #tpu.memory_space<hbm>>) dst(%dma_wait3A_347 : memref<128x32xf32, #tpu.memory_space<vmem>>)
      %dma_wait3A_354 = arith.constant 896 : i32
      %dma_wait3A_355 = arith.constant 0 : i32
      %dma_wait3A_356 = tpu.memref_slice %arg7[%dma_wait3A_354, %dma_wait3A_355] : memref<1024x32xf32, #tpu.memory_space<vmem>> -> memref<128x32xf32, #tpu.memory_space<vmem>>
      %dma_wait3A_357 = arith.constant 0 : i32
      %dma_wait3A_358 = tpu.memref_slice %arg6[%add3A_290, %dma_wait3A_357] : memref<40x128xi32, #tpu.memory_space<vmem>> -> memref<1x128xi32, #tpu.memory_space<vmem>>
      %dma_wait3A_359 = tpu.memref_squeeze %dma_wait3A_358 : memref<1x128xi32, #tpu.memory_space<vmem>> -> memref<128xi32, #tpu.memory_space<vmem>>
      %dma_wait3A_360 = arith.constant 0 : i32
      %dma_wait3A_361 = arith.constant 0 : i32
      %dma_wait3A_362 = tpu.memref_slice %arg2[%dma_wait3A_360, %dma_wait3A_361] : memref<1048576x32xf32, #tpu.memory_space<hbm>> -> memref<1048576x32xf32, #tpu.memory_space<hbm>>
      tpu.wait_indirect_dma semaphore(%arg9 : memref<!tpu.dma_semaphore, #tpu.memory_space<semaphore_mem>>) src(%dma_wait3A_362 : memref<1048576x32xf32, #tpu.memory_space<hbm>>) dst(%dma_wait3A_356 : memref<128x32xf32, #tpu.memory_space<vmem>>)
      %mul3A_363 = arith.constant 32768 : i32
      %mul3A_364 = arith.muli %mul3A_258, %mul3A_363 : i32
      %mul3A_365 = arith.constant 1024 : i32
      %mul3A_366 = arith.muli %add3A, %mul3A_365 : i32
      %add3A_367 = arith.addi %mul3A_364, %mul3A_366 : i32
      "tpu.region"() ({
        %run_scoped3A = tpu.sem_alloc : memref<!tpu.dma_semaphore, #tpu.memory_space<semaphore_mem>>
        %dma_start3A_587 = arith.constant 0 : i32
        %dma_start3A_588 = tpu.memref_slice %arg4[%add3A_367, %dma_start3A_587] : memref<163840x32xf32, #tpu.memory_space<hbm>> -> memref<1024x32xf32, #tpu.memory_space<hbm>>
        %dma_start3A_589 = arith.constant 0 : i32
        %dma_start3A_590 = tpu.memref_slice %arg4[%add3A_367, %dma_start3A_589] : memref<163840x32xf32, #tpu.memory_space<hbm>> -> memref<1024x32xf32, #tpu.memory_space<hbm>>
        tpu.enqueue_dma source(%arg7 : memref<1024x32xf32, #tpu.memory_space<vmem>>) target(%dma_start3A_590 : memref<1024x32xf32, #tpu.memory_space<hbm>>) target_semaphore(%run_scoped3A : memref<!tpu.dma_semaphore, #tpu.memory_space<semaphore_mem>>)
        %dma_wait3A_591 = arith.constant 0 : i32
        %dma_wait3A_592 = tpu.memref_slice %arg4[%add3A_367, %dma_wait3A_591] : memref<163840x32xf32, #tpu.memory_space<hbm>> -> memref<1024x32xf32, #tpu.memory_space<hbm>>
        %dma_wait3A_593 = arith.constant 0 : i32
        %dma_wait3A_594 = tpu.memref_slice %arg4[%add3A_367, %dma_wait3A_593] : memref<163840x32xf32, #tpu.memory_space<hbm>> -> memref<1024x32xf32, #tpu.memory_space<hbm>>
        tpu.wait_dma2 semaphore(%run_scoped3A : memref<!tpu.dma_semaphore, #tpu.memory_space<semaphore_mem>>) src(%arg7 : memref<1024x32xf32, #tpu.memory_space<vmem>>) dst(%dma_wait3A_594 : memref<1024x32xf32, #tpu.memory_space<hbm>>)
        tpu.yield
      }) : () -> ()
      %add3A_368 = arith.constant 2 : i32
      %add3A_369 = arith.addi %mul3A_258, %add3A_368 : i32
      %mul3A_370 = arith.constant 8 : i32
      %mul3A_371 = arith.muli %add3A_369, %mul3A_370 : i32
      %add3A_372 = arith.constant 0 : i32
      %add3A_373 = arith.addi %mul3A_371, %add3A_372 : i32
      %mul3A_374 = arith.constant 8 : i32
      %mul3A_375 = arith.muli %add3A_369, %mul3A_374 : i32
      %add3A_376 = arith.constant 1 : i32
      %add3A_377 = arith.addi %mul3A_375, %add3A_376 : i32
      %mul3A_378 = arith.constant 8 : i32
      %mul3A_379 = arith.muli %add3A_369, %mul3A_378 : i32
      %add3A_380 = arith.constant 2 : i32
      %add3A_381 = arith.addi %mul3A_379, %add3A_380 : i32
      %mul3A_382 = arith.constant 8 : i32
      %mul3A_383 = arith.muli %add3A_369, %mul3A_382 : i32
      %add3A_384 = arith.constant 3 : i32
      %add3A_385 = arith.addi %mul3A_383, %add3A_384 : i32
      %mul3A_386 = arith.constant 8 : i32
      %mul3A_387 = arith.muli %add3A_369, %mul3A_386 : i32
      %add3A_388 = arith.constant 4 : i32
      %add3A_389 = arith.addi %mul3A_387, %add3A_388 : i32
      %mul3A_390 = arith.constant 8 : i32
      %mul3A_391 = arith.muli %add3A_369, %mul3A_390 : i32
      %add3A_392 = arith.constant 5 : i32
      %add3A_393 = arith.addi %mul3A_391, %add3A_392 : i32
      %mul3A_394 = arith.constant 8 : i32
      %mul3A_395 = arith.muli %add3A_369, %mul3A_394 : i32
      %add3A_396 = arith.constant 6 : i32
      %add3A_397 = arith.addi %mul3A_395, %add3A_396 : i32
      %mul3A_398 = arith.constant 8 : i32
      %mul3A_399 = arith.muli %add3A_369, %mul3A_398 : i32
      %add3A_400 = arith.constant 7 : i32
      %add3A_401 = arith.addi %mul3A_399, %add3A_400 : i32
      %dma_start3A_402 = arith.constant 0 : i32
      %dma_start3A_403 = arith.constant 0 : i32
      %dma_start3A_404 = tpu.memref_slice %arg7[%dma_start3A_402, %dma_start3A_403] : memref<1024x32xf32, #tpu.memory_space<vmem>> -> memref<128x32xf32, #tpu.memory_space<vmem>>
      %dma_start3A_405 = arith.constant 0 : i32
      %dma_start3A_406 = tpu.memref_slice %arg6[%add3A_373, %dma_start3A_405] : memref<40x128xi32, #tpu.memory_space<vmem>> -> memref<1x128xi32, #tpu.memory_space<vmem>>
      %dma_start3A_407 = tpu.memref_squeeze %dma_start3A_406 : memref<1x128xi32, #tpu.memory_space<vmem>> -> memref<128xi32, #tpu.memory_space<vmem>>
      %dma_start3A_408 = arith.constant 0 : i32
      %dma_start3A_409 = arith.constant 0 : i32
      %dma_start3A_410 = tpu.memref_slice %arg2[%dma_start3A_408, %dma_start3A_409] : memref<1048576x32xf32, #tpu.memory_space<hbm>> -> memref<1048576x32xf32, #tpu.memory_space<hbm>>
      tpu.enqueue_indirect_dma source(%dma_start3A_410 : memref<1048576x32xf32, #tpu.memory_space<hbm>>) target(%dma_start3A_404 : memref<128x32xf32, #tpu.memory_space<vmem>>) offsets(%dma_start3A_407 : memref<128xi32, #tpu.memory_space<vmem>>) semaphore(%arg9 : memref<!tpu.dma_semaphore, #tpu.memory_space<semaphore_mem>>)
      %dma_start3A_411 = arith.constant 128 : i32
      %dma_start3A_412 = arith.constant 0 : i32
      %dma_start3A_413 = tpu.memref_slice %arg7[%dma_start3A_411, %dma_start3A_412] : memref<1024x32xf32, #tpu.memory_space<vmem>> -> memref<128x32xf32, #tpu.memory_space<vmem>>
      %dma_start3A_414 = arith.constant 0 : i32
      %dma_start3A_415 = tpu.memref_slice %arg6[%add3A_377, %dma_start3A_414] : memref<40x128xi32, #tpu.memory_space<vmem>> -> memref<1x128xi32, #tpu.memory_space<vmem>>
      %dma_start3A_416 = tpu.memref_squeeze %dma_start3A_415 : memref<1x128xi32, #tpu.memory_space<vmem>> -> memref<128xi32, #tpu.memory_space<vmem>>
      %dma_start3A_417 = arith.constant 0 : i32
      %dma_start3A_418 = arith.constant 0 : i32
      %dma_start3A_419 = tpu.memref_slice %arg2[%dma_start3A_417, %dma_start3A_418] : memref<1048576x32xf32, #tpu.memory_space<hbm>> -> memref<1048576x32xf32, #tpu.memory_space<hbm>>
      tpu.enqueue_indirect_dma source(%dma_start3A_419 : memref<1048576x32xf32, #tpu.memory_space<hbm>>) target(%dma_start3A_413 : memref<128x32xf32, #tpu.memory_space<vmem>>) offsets(%dma_start3A_416 : memref<128xi32, #tpu.memory_space<vmem>>) semaphore(%arg9 : memref<!tpu.dma_semaphore, #tpu.memory_space<semaphore_mem>>)
      %dma_start3A_420 = arith.constant 256 : i32
      %dma_start3A_421 = arith.constant 0 : i32
      %dma_start3A_422 = tpu.memref_slice %arg7[%dma_start3A_420, %dma_start3A_421] : memref<1024x32xf32, #tpu.memory_space<vmem>> -> memref<128x32xf32, #tpu.memory_space<vmem>>
      %dma_start3A_423 = arith.constant 0 : i32
      %dma_start3A_424 = tpu.memref_slice %arg6[%add3A_381, %dma_start3A_423] : memref<40x128xi32, #tpu.memory_space<vmem>> -> memref<1x128xi32, #tpu.memory_space<vmem>>
      %dma_start3A_425 = tpu.memref_squeeze %dma_start3A_424 : memref<1x128xi32, #tpu.memory_space<vmem>> -> memref<128xi32, #tpu.memory_space<vmem>>
      %dma_start3A_426 = arith.constant 0 : i32
      %dma_start3A_427 = arith.constant 0 : i32
      %dma_start3A_428 = tpu.memref_slice %arg2[%dma_start3A_426, %dma_start3A_427] : memref<1048576x32xf32, #tpu.memory_space<hbm>> -> memref<1048576x32xf32, #tpu.memory_space<hbm>>
      tpu.enqueue_indirect_dma source(%dma_start3A_428 : memref<1048576x32xf32, #tpu.memory_space<hbm>>) target(%dma_start3A_422 : memref<128x32xf32, #tpu.memory_space<vmem>>) offsets(%dma_start3A_425 : memref<128xi32, #tpu.memory_space<vmem>>) semaphore(%arg9 : memref<!tpu.dma_semaphore, #tpu.memory_space<semaphore_mem>>)
      %dma_start3A_429 = arith.constant 384 : i32
      %dma_start3A_430 = arith.constant 0 : i32
      %dma_start3A_431 = tpu.memref_slice %arg7[%dma_start3A_429, %dma_start3A_430] : memref<1024x32xf32, #tpu.memory_space<vmem>> -> memref<128x32xf32, #tpu.memory_space<vmem>>
      %dma_start3A_432 = arith.constant 0 : i32
      %dma_start3A_433 = tpu.memref_slice %arg6[%add3A_385, %dma_start3A_432] : memref<40x128xi32, #tpu.memory_space<vmem>> -> memref<1x128xi32, #tpu.memory_space<vmem>>
      %dma_start3A_434 = tpu.memref_squeeze %dma_start3A_433 : memref<1x128xi32, #tpu.memory_space<vmem>> -> memref<128xi32, #tpu.memory_space<vmem>>
      %dma_start3A_435 = arith.constant 0 : i32
      %dma_start3A_436 = arith.constant 0 : i32
      %dma_start3A_437 = tpu.memref_slice %arg2[%dma_start3A_435, %dma_start3A_436] : memref<1048576x32xf32, #tpu.memory_space<hbm>> -> memref<1048576x32xf32, #tpu.memory_space<hbm>>
      tpu.enqueue_indirect_dma source(%dma_start3A_437 : memref<1048576x32xf32, #tpu.memory_space<hbm>>) target(%dma_start3A_431 : memref<128x32xf32, #tpu.memory_space<vmem>>) offsets(%dma_start3A_434 : memref<128xi32, #tpu.memory_space<vmem>>) semaphore(%arg9 : memref<!tpu.dma_semaphore, #tpu.memory_space<semaphore_mem>>)
      %dma_start3A_438 = arith.constant 512 : i32
      %dma_start3A_439 = arith.constant 0 : i32
      %dma_start3A_440 = tpu.memref_slice %arg7[%dma_start3A_438, %dma_start3A_439] : memref<1024x32xf32, #tpu.memory_space<vmem>> -> memref<128x32xf32, #tpu.memory_space<vmem>>
      %dma_start3A_441 = arith.constant 0 : i32
      %dma_start3A_442 = tpu.memref_slice %arg6[%add3A_389, %dma_start3A_441] : memref<40x128xi32, #tpu.memory_space<vmem>> -> memref<1x128xi32, #tpu.memory_space<vmem>>
      %dma_start3A_443 = tpu.memref_squeeze %dma_start3A_442 : memref<1x128xi32, #tpu.memory_space<vmem>> -> memref<128xi32, #tpu.memory_space<vmem>>
      %dma_start3A_444 = arith.constant 0 : i32
      %dma_start3A_445 = arith.constant 0 : i32
      %dma_start3A_446 = tpu.memref_slice %arg2[%dma_start3A_444, %dma_start3A_445] : memref<1048576x32xf32, #tpu.memory_space<hbm>> -> memref<1048576x32xf32, #tpu.memory_space<hbm>>
      tpu.enqueue_indirect_dma source(%dma_start3A_446 : memref<1048576x32xf32, #tpu.memory_space<hbm>>) target(%dma_start3A_440 : memref<128x32xf32, #tpu.memory_space<vmem>>) offsets(%dma_start3A_443 : memref<128xi32, #tpu.memory_space<vmem>>) semaphore(%arg9 : memref<!tpu.dma_semaphore, #tpu.memory_space<semaphore_mem>>)
      %dma_start3A_447 = arith.constant 640 : i32
      %dma_start3A_448 = arith.constant 0 : i32
      %dma_start3A_449 = tpu.memref_slice %arg7[%dma_start3A_447, %dma_start3A_448] : memref<1024x32xf32, #tpu.memory_space<vmem>> -> memref<128x32xf32, #tpu.memory_space<vmem>>
      %dma_start3A_450 = arith.constant 0 : i32
      %dma_start3A_451 = tpu.memref_slice %arg6[%add3A_393, %dma_start3A_450] : memref<40x128xi32, #tpu.memory_space<vmem>> -> memref<1x128xi32, #tpu.memory_space<vmem>>
      %dma_start3A_452 = tpu.memref_squeeze %dma_start3A_451 : memref<1x128xi32, #tpu.memory_space<vmem>> -> memref<128xi32, #tpu.memory_space<vmem>>
      %dma_start3A_453 = arith.constant 0 : i32
      %dma_start3A_454 = arith.constant 0 : i32
      %dma_start3A_455 = tpu.memref_slice %arg2[%dma_start3A_453, %dma_start3A_454] : memref<1048576x32xf32, #tpu.memory_space<hbm>> -> memref<1048576x32xf32, #tpu.memory_space<hbm>>
      tpu.enqueue_indirect_dma source(%dma_start3A_455 : memref<1048576x32xf32, #tpu.memory_space<hbm>>) target(%dma_start3A_449 : memref<128x32xf32, #tpu.memory_space<vmem>>) offsets(%dma_start3A_452 : memref<128xi32, #tpu.memory_space<vmem>>) semaphore(%arg9 : memref<!tpu.dma_semaphore, #tpu.memory_space<semaphore_mem>>)
      %dma_start3A_456 = arith.constant 768 : i32
      %dma_start3A_457 = arith.constant 0 : i32
      %dma_start3A_458 = tpu.memref_slice %arg7[%dma_start3A_456, %dma_start3A_457] : memref<1024x32xf32, #tpu.memory_space<vmem>> -> memref<128x32xf32, #tpu.memory_space<vmem>>
      %dma_start3A_459 = arith.constant 0 : i32
      %dma_start3A_460 = tpu.memref_slice %arg6[%add3A_397, %dma_start3A_459] : memref<40x128xi32, #tpu.memory_space<vmem>> -> memref<1x128xi32, #tpu.memory_space<vmem>>
      %dma_start3A_461 = tpu.memref_squeeze %dma_start3A_460 : memref<1x128xi32, #tpu.memory_space<vmem>> -> memref<128xi32, #tpu.memory_space<vmem>>
      %dma_start3A_462 = arith.constant 0 : i32
      %dma_start3A_463 = arith.constant 0 : i32
      %dma_start3A_464 = tpu.memref_slice %arg2[%dma_start3A_462, %dma_start3A_463] : memref<1048576x32xf32, #tpu.memory_space<hbm>> -> memref<1048576x32xf32, #tpu.memory_space<hbm>>
      tpu.enqueue_indirect_dma source(%dma_start3A_464 : memref<1048576x32xf32, #tpu.memory_space<hbm>>) target(%dma_start3A_458 : memref<128x32xf32, #tpu.memory_space<vmem>>) offsets(%dma_start3A_461 : memref<128xi32, #tpu.memory_space<vmem>>) semaphore(%arg9 : memref<!tpu.dma_semaphore, #tpu.memory_space<semaphore_mem>>)
      %dma_start3A_465 = arith.constant 896 : i32
      %dma_start3A_466 = arith.constant 0 : i32
      %dma_start3A_467 = tpu.memref_slice %arg7[%dma_start3A_465, %dma_start3A_466] : memref<1024x32xf32, #tpu.memory_space<vmem>> -> memref<128x32xf32, #tpu.memory_space<vmem>>
      %dma_start3A_468 = arith.constant 0 : i32
      %dma_start3A_469 = tpu.memref_slice %arg6[%add3A_401, %dma_start3A_468] : memref<40x128xi32, #tpu.memory_space<vmem>> -> memref<1x128xi32, #tpu.memory_space<vmem>>
      %dma_start3A_470 = tpu.memref_squeeze %dma_start3A_469 : memref<1x128xi32, #tpu.memory_space<vmem>> -> memref<128xi32, #tpu.memory_space<vmem>>
      %dma_start3A_471 = arith.constant 0 : i32
      %dma_start3A_472 = arith.constant 0 : i32
      %dma_start3A_473 = tpu.memref_slice %arg2[%dma_start3A_471, %dma_start3A_472] : memref<1048576x32xf32, #tpu.memory_space<hbm>> -> memref<1048576x32xf32, #tpu.memory_space<hbm>>
      tpu.enqueue_indirect_dma source(%dma_start3A_473 : memref<1048576x32xf32, #tpu.memory_space<hbm>>) target(%dma_start3A_467 : memref<128x32xf32, #tpu.memory_space<vmem>>) offsets(%dma_start3A_470 : memref<128xi32, #tpu.memory_space<vmem>>) semaphore(%arg9 : memref<!tpu.dma_semaphore, #tpu.memory_space<semaphore_mem>>)
      %add3A_474 = arith.constant 1 : i32
      %add3A_475 = arith.addi %mul3A_258, %add3A_474 : i32
      %mul3A_476 = arith.constant 8 : i32
      %mul3A_477 = arith.muli %add3A_475, %mul3A_476 : i32
      %add3A_478 = arith.constant 0 : i32
      %add3A_479 = arith.addi %mul3A_477, %add3A_478 : i32
      %mul3A_480 = arith.constant 8 : i32
      %mul3A_481 = arith.muli %add3A_475, %mul3A_480 : i32
      %add3A_482 = arith.constant 1 : i32
      %add3A_483 = arith.addi %mul3A_481, %add3A_482 : i32
      %mul3A_484 = arith.constant 8 : i32
      %mul3A_485 = arith.muli %add3A_475, %mul3A_484 : i32
      %add3A_486 = arith.constant 2 : i32
      %add3A_487 = arith.addi %mul3A_485, %add3A_486 : i32
      %mul3A_488 = arith.constant 8 : i32
      %mul3A_489 = arith.muli %add3A_475, %mul3A_488 : i32
      %add3A_490 = arith.constant 3 : i32
      %add3A_491 = arith.addi %mul3A_489, %add3A_490 : i32
      %mul3A_492 = arith.constant 8 : i32
      %mul3A_493 = arith.muli %add3A_475, %mul3A_492 : i32
      %add3A_494 = arith.constant 4 : i32
      %add3A_495 = arith.addi %mul3A_493, %add3A_494 : i32
      %mul3A_496 = arith.constant 8 : i32
      %mul3A_497 = arith.muli %add3A_475, %mul3A_496 : i32
      %add3A_498 = arith.constant 5 : i32
      %add3A_499 = arith.addi %mul3A_497, %add3A_498 : i32
      %mul3A_500 = arith.constant 8 : i32
      %mul3A_501 = arith.muli %add3A_475, %mul3A_500 : i32
      %add3A_502 = arith.constant 6 : i32
      %add3A_503 = arith.addi %mul3A_501, %add3A_502 : i32
      %mul3A_504 = arith.constant 8 : i32
      %mul3A_505 = arith.muli %add3A_475, %mul3A_504 : i32
      %add3A_506 = arith.constant 7 : i32
      %add3A_507 = arith.addi %mul3A_505, %add3A_506 : i32
      %dma_wait3A_508 = arith.constant 0 : i32
      %dma_wait3A_509 = arith.constant 0 : i32
      %dma_wait3A_510 = tpu.memref_slice %arg8[%dma_wait3A_508, %dma_wait3A_509] : memref<1024x32xf32, #tpu.memory_space<vmem>> -> memref<128x32xf32, #tpu.memory_space<vmem>>
      %dma_wait3A_511 = arith.constant 0 : i32
      %dma_wait3A_512 = tpu.memref_slice %arg6[%add3A_479, %dma_wait3A_511] : memref<40x128xi32, #tpu.memory_space<vmem>> -> memref<1x128xi32, #tpu.memory_space<vmem>>
      %dma_wait3A_513 = tpu.memref_squeeze %dma_wait3A_512 : memref<1x128xi32, #tpu.memory_space<vmem>> -> memref<128xi32, #tpu.memory_space<vmem>>
      %dma_wait3A_514 = arith.constant 0 : i32
      %dma_wait3A_515 = arith.constant 0 : i32
      %dma_wait3A_516 = tpu.memref_slice %arg2[%dma_wait3A_514, %dma_wait3A_515] : memref<1048576x32xf32, #tpu.memory_space<hbm>> -> memref<1048576x32xf32, #tpu.memory_space<hbm>>
      tpu.wait_indirect_dma semaphore(%arg10 : memref<!tpu.dma_semaphore, #tpu.memory_space<semaphore_mem>>) src(%dma_wait3A_516 : memref<1048576x32xf32, #tpu.memory_space<hbm>>) dst(%dma_wait3A_510 : memref<128x32xf32, #tpu.memory_space<vmem>>)
      %dma_wait3A_517 = arith.constant 128 : i32
      %dma_wait3A_518 = arith.constant 0 : i32
      %dma_wait3A_519 = tpu.memref_slice %arg8[%dma_wait3A_517, %dma_wait3A_518] : memref<1024x32xf32, #tpu.memory_space<vmem>> -> memref<128x32xf32, #tpu.memory_space<vmem>>
      %dma_wait3A_520 = arith.constant 0 : i32
      %dma_wait3A_521 = tpu.memref_slice %arg6[%add3A_483, %dma_wait3A_520] : memref<40x128xi32, #tpu.memory_space<vmem>> -> memref<1x128xi32, #tpu.memory_space<vmem>>
      %dma_wait3A_522 = tpu.memref_squeeze %dma_wait3A_521 : memref<1x128xi32, #tpu.memory_space<vmem>> -> memref<128xi32, #tpu.memory_space<vmem>>
      %dma_wait3A_523 = arith.constant 0 : i32
      %dma_wait3A_524 = arith.constant 0 : i32
      %dma_wait3A_525 = tpu.memref_slice %arg2[%dma_wait3A_523, %dma_wait3A_524] : memref<1048576x32xf32, #tpu.memory_space<hbm>> -> memref<1048576x32xf32, #tpu.memory_space<hbm>>
      tpu.wait_indirect_dma semaphore(%arg10 : memref<!tpu.dma_semaphore, #tpu.memory_space<semaphore_mem>>) src(%dma_wait3A_525 : memref<1048576x32xf32, #tpu.memory_space<hbm>>) dst(%dma_wait3A_519 : memref<128x32xf32, #tpu.memory_space<vmem>>)
      %dma_wait3A_526 = arith.constant 256 : i32
      %dma_wait3A_527 = arith.constant 0 : i32
      %dma_wait3A_528 = tpu.memref_slice %arg8[%dma_wait3A_526, %dma_wait3A_527] : memref<1024x32xf32, #tpu.memory_space<vmem>> -> memref<128x32xf32, #tpu.memory_space<vmem>>
      %dma_wait3A_529 = arith.constant 0 : i32
      %dma_wait3A_530 = tpu.memref_slice %arg6[%add3A_487, %dma_wait3A_529] : memref<40x128xi32, #tpu.memory_space<vmem>> -> memref<1x128xi32, #tpu.memory_space<vmem>>
      %dma_wait3A_531 = tpu.memref_squeeze %dma_wait3A_530 : memref<1x128xi32, #tpu.memory_space<vmem>> -> memref<128xi32, #tpu.memory_space<vmem>>
      %dma_wait3A_532 = arith.constant 0 : i32
      %dma_wait3A_533 = arith.constant 0 : i32
      %dma_wait3A_534 = tpu.memref_slice %arg2[%dma_wait3A_532, %dma_wait3A_533] : memref<1048576x32xf32, #tpu.memory_space<hbm>> -> memref<1048576x32xf32, #tpu.memory_space<hbm>>
      tpu.wait_indirect_dma semaphore(%arg10 : memref<!tpu.dma_semaphore, #tpu.memory_space<semaphore_mem>>) src(%dma_wait3A_534 : memref<1048576x32xf32, #tpu.memory_space<hbm>>) dst(%dma_wait3A_528 : memref<128x32xf32, #tpu.memory_space<vmem>>)
      %dma_wait3A_535 = arith.constant 384 : i32
      %dma_wait3A_536 = arith.constant 0 : i32
      %dma_wait3A_537 = tpu.memref_slice %arg8[%dma_wait3A_535, %dma_wait3A_536] : memref<1024x32xf32, #tpu.memory_space<vmem>> -> memref<128x32xf32, #tpu.memory_space<vmem>>
      %dma_wait3A_538 = arith.constant 0 : i32
      %dma_wait3A_539 = tpu.memref_slice %arg6[%add3A_491, %dma_wait3A_538] : memref<40x128xi32, #tpu.memory_space<vmem>> -> memref<1x128xi32, #tpu.memory_space<vmem>>
      %dma_wait3A_540 = tpu.memref_squeeze %dma_wait3A_539 : memref<1x128xi32, #tpu.memory_space<vmem>> -> memref<128xi32, #tpu.memory_space<vmem>>
      %dma_wait3A_541 = arith.constant 0 : i32
      %dma_wait3A_542 = arith.constant 0 : i32
      %dma_wait3A_543 = tpu.memref_slice %arg2[%dma_wait3A_541, %dma_wait3A_542] : memref<1048576x32xf32, #tpu.memory_space<hbm>> -> memref<1048576x32xf32, #tpu.memory_space<hbm>>
      tpu.wait_indirect_dma semaphore(%arg10 : memref<!tpu.dma_semaphore, #tpu.memory_space<semaphore_mem>>) src(%dma_wait3A_543 : memref<1048576x32xf32, #tpu.memory_space<hbm>>) dst(%dma_wait3A_537 : memref<128x32xf32, #tpu.memory_space<vmem>>)
      %dma_wait3A_544 = arith.constant 512 : i32
      %dma_wait3A_545 = arith.constant 0 : i32
      %dma_wait3A_546 = tpu.memref_slice %arg8[%dma_wait3A_544, %dma_wait3A_545] : memref<1024x32xf32, #tpu.memory_space<vmem>> -> memref<128x32xf32, #tpu.memory_space<vmem>>
      %dma_wait3A_547 = arith.constant 0 : i32
      %dma_wait3A_548 = tpu.memref_slice %arg6[%add3A_495, %dma_wait3A_547] : memref<40x128xi32, #tpu.memory_space<vmem>> -> memref<1x128xi32, #tpu.memory_space<vmem>>
      %dma_wait3A_549 = tpu.memref_squeeze %dma_wait3A_548 : memref<1x128xi32, #tpu.memory_space<vmem>> -> memref<128xi32, #tpu.memory_space<vmem>>
      %dma_wait3A_550 = arith.constant 0 : i32
      %dma_wait3A_551 = arith.constant 0 : i32
      %dma_wait3A_552 = tpu.memref_slice %arg2[%dma_wait3A_550, %dma_wait3A_551] : memref<1048576x32xf32, #tpu.memory_space<hbm>> -> memref<1048576x32xf32, #tpu.memory_space<hbm>>
      tpu.wait_indirect_dma semaphore(%arg10 : memref<!tpu.dma_semaphore, #tpu.memory_space<semaphore_mem>>) src(%dma_wait3A_552 : memref<1048576x32xf32, #tpu.memory_space<hbm>>) dst(%dma_wait3A_546 : memref<128x32xf32, #tpu.memory_space<vmem>>)
      %dma_wait3A_553 = arith.constant 640 : i32
      %dma_wait3A_554 = arith.constant 0 : i32
      %dma_wait3A_555 = tpu.memref_slice %arg8[%dma_wait3A_553, %dma_wait3A_554] : memref<1024x32xf32, #tpu.memory_space<vmem>> -> memref<128x32xf32, #tpu.memory_space<vmem>>
      %dma_wait3A_556 = arith.constant 0 : i32
      %dma_wait3A_557 = tpu.memref_slice %arg6[%add3A_499, %dma_wait3A_556] : memref<40x128xi32, #tpu.memory_space<vmem>> -> memref<1x128xi32, #tpu.memory_space<vmem>>
      %dma_wait3A_558 = tpu.memref_squeeze %dma_wait3A_557 : memref<1x128xi32, #tpu.memory_space<vmem>> -> memref<128xi32, #tpu.memory_space<vmem>>
      %dma_wait3A_559 = arith.constant 0 : i32
      %dma_wait3A_560 = arith.constant 0 : i32
      %dma_wait3A_561 = tpu.memref_slice %arg2[%dma_wait3A_559, %dma_wait3A_560] : memref<1048576x32xf32, #tpu.memory_space<hbm>> -> memref<1048576x32xf32, #tpu.memory_space<hbm>>
      tpu.wait_indirect_dma semaphore(%arg10 : memref<!tpu.dma_semaphore, #tpu.memory_space<semaphore_mem>>) src(%dma_wait3A_561 : memref<1048576x32xf32, #tpu.memory_space<hbm>>) dst(%dma_wait3A_555 : memref<128x32xf32, #tpu.memory_space<vmem>>)
      %dma_wait3A_562 = arith.constant 768 : i32
      %dma_wait3A_563 = arith.constant 0 : i32
      %dma_wait3A_564 = tpu.memref_slice %arg8[%dma_wait3A_562, %dma_wait3A_563] : memref<1024x32xf32, #tpu.memory_space<vmem>> -> memref<128x32xf32, #tpu.memory_space<vmem>>
      %dma_wait3A_565 = arith.constant 0 : i32
      %dma_wait3A_566 = tpu.memref_slice %arg6[%add3A_503, %dma_wait3A_565] : memref<40x128xi32, #tpu.memory_space<vmem>> -> memref<1x128xi32, #tpu.memory_space<vmem>>
      %dma_wait3A_567 = tpu.memref_squeeze %dma_wait3A_566 : memref<1x128xi32, #tpu.memory_space<vmem>> -> memref<128xi32, #tpu.memory_space<vmem>>
      %dma_wait3A_568 = arith.constant 0 : i32
      %dma_wait3A_569 = arith.constant 0 : i32
      %dma_wait3A_570 = tpu.memref_slice %arg2[%dma_wait3A_568, %dma_wait3A_569] : memref<1048576x32xf32, #tpu.memory_space<hbm>> -> memref<1048576x32xf32, #tpu.memory_space<hbm>>
      tpu.wait_indirect_dma semaphore(%arg10 : memref<!tpu.dma_semaphore, #tpu.memory_space<semaphore_mem>>) src(%dma_wait3A_570 : memref<1048576x32xf32, #tpu.memory_space<hbm>>) dst(%dma_wait3A_564 : memref<128x32xf32, #tpu.memory_space<vmem>>)
      %dma_wait3A_571 = arith.constant 896 : i32
      %dma_wait3A_572 = arith.constant 0 : i32
      %dma_wait3A_573 = tpu.memref_slice %arg8[%dma_wait3A_571, %dma_wait3A_572] : memref<1024x32xf32, #tpu.memory_space<vmem>> -> memref<128x32xf32, #tpu.memory_space<vmem>>
      %dma_wait3A_574 = arith.constant 0 : i32
      %dma_wait3A_575 = tpu.memref_slice %arg6[%add3A_507, %dma_wait3A_574] : memref<40x128xi32, #tpu.memory_space<vmem>> -> memref<1x128xi32, #tpu.memory_space<vmem>>
      %dma_wait3A_576 = tpu.memref_squeeze %dma_wait3A_575 : memref<1x128xi32, #tpu.memory_space<vmem>> -> memref<128xi32, #tpu.memory_space<vmem>>
      %dma_wait3A_577 = arith.constant 0 : i32
      %dma_wait3A_578 = arith.constant 0 : i32
      %dma_wait3A_579 = tpu.memref_slice %arg2[%dma_wait3A_577, %dma_wait3A_578] : memref<1048576x32xf32, #tpu.memory_space<hbm>> -> memref<1048576x32xf32, #tpu.memory_space<hbm>>
      tpu.wait_indirect_dma semaphore(%arg10 : memref<!tpu.dma_semaphore, #tpu.memory_space<semaphore_mem>>) src(%dma_wait3A_579 : memref<1048576x32xf32, #tpu.memory_space<hbm>>) dst(%dma_wait3A_573 : memref<128x32xf32, #tpu.memory_space<vmem>>)
      %mul3A_580 = arith.constant 32768 : i32
      %mul3A_581 = arith.muli %add3A_475, %mul3A_580 : i32
      %mul3A_582 = arith.constant 1024 : i32
      %mul3A_583 = arith.muli %add3A, %mul3A_582 : i32
      %add3A_584 = arith.addi %mul3A_581, %mul3A_583 : i32
      "tpu.region"() ({
        %run_scoped3A = tpu.sem_alloc : memref<!tpu.dma_semaphore, #tpu.memory_space<semaphore_mem>>
        %dma_start3A_587 = arith.constant 0 : i32
        %dma_start3A_588 = tpu.memref_slice %arg4[%add3A_584, %dma_start3A_587] : memref<163840x32xf32, #tpu.memory_space<hbm>> -> memref<1024x32xf32, #tpu.memory_space<hbm>>
        %dma_start3A_589 = arith.constant 0 : i32
        %dma_start3A_590 = tpu.memref_slice %arg4[%add3A_584, %dma_start3A_589] : memref<163840x32xf32, #tpu.memory_space<hbm>> -> memref<1024x32xf32, #tpu.memory_space<hbm>>
        tpu.enqueue_dma source(%arg8 : memref<1024x32xf32, #tpu.memory_space<vmem>>) target(%dma_start3A_590 : memref<1024x32xf32, #tpu.memory_space<hbm>>) target_semaphore(%run_scoped3A : memref<!tpu.dma_semaphore, #tpu.memory_space<semaphore_mem>>)
        %dma_wait3A_591 = arith.constant 0 : i32
        %dma_wait3A_592 = tpu.memref_slice %arg4[%add3A_584, %dma_wait3A_591] : memref<163840x32xf32, #tpu.memory_space<hbm>> -> memref<1024x32xf32, #tpu.memory_space<hbm>>
        %dma_wait3A_593 = arith.constant 0 : i32
        %dma_wait3A_594 = tpu.memref_slice %arg4[%add3A_584, %dma_wait3A_593] : memref<163840x32xf32, #tpu.memory_space<hbm>> -> memref<1024x32xf32, #tpu.memory_space<hbm>>
        tpu.wait_dma2 semaphore(%run_scoped3A : memref<!tpu.dma_semaphore, #tpu.memory_space<semaphore_mem>>) src(%arg8 : memref<1024x32xf32, #tpu.memory_space<vmem>>) dst(%dma_wait3A_594 : memref<1024x32xf32, #tpu.memory_space<hbm>>)
        tpu.yield
      }) : () -> ()
      %lt3A = arith.constant 1 : i32
      %lt3A_585 = arith.cmpi slt, %scan3A_256, %lt3A : i32
      %convert_element_type3A = arith.extui %lt3A_585 : i1 to i32
      %cond3A = arith.constant 0 : i32
      %cond3A_586 = arith.cmpi ne, %convert_element_type3A, %cond3A : i32
      scf.if %cond3A_586 {
        %add3A_587 = arith.constant 3 : i32
        %add3A_588 = arith.addi %mul3A_258, %add3A_587 : i32
        %mul3A_589 = arith.constant 8 : i32
        %mul3A_590 = arith.muli %add3A_588, %mul3A_589 : i32
        %add3A_591 = arith.constant 0 : i32
        %add3A_592 = arith.addi %mul3A_590, %add3A_591 : i32
        %mul3A_593 = arith.constant 8 : i32
        %mul3A_594 = arith.muli %add3A_588, %mul3A_593 : i32
        %add3A_595 = arith.constant 1 : i32
        %add3A_596 = arith.addi %mul3A_594, %add3A_595 : i32
        %mul3A_597 = arith.constant 8 : i32
        %mul3A_598 = arith.muli %add3A_588, %mul3A_597 : i32
        %add3A_599 = arith.constant 2 : i32
        %add3A_600 = arith.addi %mul3A_598, %add3A_599 : i32
        %mul3A_601 = arith.constant 8 : i32
        %mul3A_602 = arith.muli %add3A_588, %mul3A_601 : i32
        %add3A_603 = arith.constant 3 : i32
        %add3A_604 = arith.addi %mul3A_602, %add3A_603 : i32
        %mul3A_605 = arith.constant 8 : i32
        %mul3A_606 = arith.muli %add3A_588, %mul3A_605 : i32
        %add3A_607 = arith.constant 4 : i32
        %add3A_608 = arith.addi %mul3A_606, %add3A_607 : i32
        %mul3A_609 = arith.constant 8 : i32
        %mul3A_610 = arith.muli %add3A_588, %mul3A_609 : i32
        %add3A_611 = arith.constant 5 : i32
        %add3A_612 = arith.addi %mul3A_610, %add3A_611 : i32
        %mul3A_613 = arith.constant 8 : i32
        %mul3A_614 = arith.muli %add3A_588, %mul3A_613 : i32
        %add3A_615 = arith.constant 6 : i32
        %add3A_616 = arith.addi %mul3A_614, %add3A_615 : i32
        %mul3A_617 = arith.constant 8 : i32
        %mul3A_618 = arith.muli %add3A_588, %mul3A_617 : i32
        %add3A_619 = arith.constant 7 : i32
        %add3A_620 = arith.addi %mul3A_618, %add3A_619 : i32
        %dma_start3A_621 = arith.constant 0 : i32
        %dma_start3A_622 = arith.constant 0 : i32
        %dma_start3A_623 = tpu.memref_slice %arg8[%dma_start3A_621, %dma_start3A_622] : memref<1024x32xf32, #tpu.memory_space<vmem>> -> memref<128x32xf32, #tpu.memory_space<vmem>>
        %dma_start3A_624 = arith.constant 0 : i32
        %dma_start3A_625 = tpu.memref_slice %arg6[%add3A_592, %dma_start3A_624] : memref<40x128xi32, #tpu.memory_space<vmem>> -> memref<1x128xi32, #tpu.memory_space<vmem>>
        %dma_start3A_626 = tpu.memref_squeeze %dma_start3A_625 : memref<1x128xi32, #tpu.memory_space<vmem>> -> memref<128xi32, #tpu.memory_space<vmem>>
        %dma_start3A_627 = arith.constant 0 : i32
        %dma_start3A_628 = arith.constant 0 : i32
        %dma_start3A_629 = tpu.memref_slice %arg2[%dma_start3A_627, %dma_start3A_628] : memref<1048576x32xf32, #tpu.memory_space<hbm>> -> memref<1048576x32xf32, #tpu.memory_space<hbm>>
        tpu.enqueue_indirect_dma source(%dma_start3A_629 : memref<1048576x32xf32, #tpu.memory_space<hbm>>) target(%dma_start3A_623 : memref<128x32xf32, #tpu.memory_space<vmem>>) offsets(%dma_start3A_626 : memref<128xi32, #tpu.memory_space<vmem>>) semaphore(%arg10 : memref<!tpu.dma_semaphore, #tpu.memory_space<semaphore_mem>>)
        %dma_start3A_630 = arith.constant 128 : i32
        %dma_start3A_631 = arith.constant 0 : i32
        %dma_start3A_632 = tpu.memref_slice %arg8[%dma_start3A_630, %dma_start3A_631] : memref<1024x32xf32, #tpu.memory_space<vmem>> -> memref<128x32xf32, #tpu.memory_space<vmem>>
        %dma_start3A_633 = arith.constant 0 : i32
        %dma_start3A_634 = tpu.memref_slice %arg6[%add3A_596, %dma_start3A_633] : memref<40x128xi32, #tpu.memory_space<vmem>> -> memref<1x128xi32, #tpu.memory_space<vmem>>
        %dma_start3A_635 = tpu.memref_squeeze %dma_start3A_634 : memref<1x128xi32, #tpu.memory_space<vmem>> -> memref<128xi32, #tpu.memory_space<vmem>>
        %dma_start3A_636 = arith.constant 0 : i32
        %dma_start3A_637 = arith.constant 0 : i32
        %dma_start3A_638 = tpu.memref_slice %arg2[%dma_start3A_636, %dma_start3A_637] : memref<1048576x32xf32, #tpu.memory_space<hbm>> -> memref<1048576x32xf32, #tpu.memory_space<hbm>>
        tpu.enqueue_indirect_dma source(%dma_start3A_638 : memref<1048576x32xf32, #tpu.memory_space<hbm>>) target(%dma_start3A_632 : memref<128x32xf32, #tpu.memory_space<vmem>>) offsets(%dma_start3A_635 : memref<128xi32, #tpu.memory_space<vmem>>) semaphore(%arg10 : memref<!tpu.dma_semaphore, #tpu.memory_space<semaphore_mem>>)
        %dma_start3A_639 = arith.constant 256 : i32
        %dma_start3A_640 = arith.constant 0 : i32
        %dma_start3A_641 = tpu.memref_slice %arg8[%dma_start3A_639, %dma_start3A_640] : memref<1024x32xf32, #tpu.memory_space<vmem>> -> memref<128x32xf32, #tpu.memory_space<vmem>>
        %dma_start3A_642 = arith.constant 0 : i32
        %dma_start3A_643 = tpu.memref_slice %arg6[%add3A_600, %dma_start3A_642] : memref<40x128xi32, #tpu.memory_space<vmem>> -> memref<1x128xi32, #tpu.memory_space<vmem>>
        %dma_start3A_644 = tpu.memref_squeeze %dma_start3A_643 : memref<1x128xi32, #tpu.memory_space<vmem>> -> memref<128xi32, #tpu.memory_space<vmem>>
        %dma_start3A_645 = arith.constant 0 : i32
        %dma_start3A_646 = arith.constant 0 : i32
        %dma_start3A_647 = tpu.memref_slice %arg2[%dma_start3A_645, %dma_start3A_646] : memref<1048576x32xf32, #tpu.memory_space<hbm>> -> memref<1048576x32xf32, #tpu.memory_space<hbm>>
        tpu.enqueue_indirect_dma source(%dma_start3A_647 : memref<1048576x32xf32, #tpu.memory_space<hbm>>) target(%dma_start3A_641 : memref<128x32xf32, #tpu.memory_space<vmem>>) offsets(%dma_start3A_644 : memref<128xi32, #tpu.memory_space<vmem>>) semaphore(%arg10 : memref<!tpu.dma_semaphore, #tpu.memory_space<semaphore_mem>>)
        %dma_start3A_648 = arith.constant 384 : i32
        %dma_start3A_649 = arith.constant 0 : i32
        %dma_start3A_650 = tpu.memref_slice %arg8[%dma_start3A_648, %dma_start3A_649] : memref<1024x32xf32, #tpu.memory_space<vmem>> -> memref<128x32xf32, #tpu.memory_space<vmem>>
        %dma_start3A_651 = arith.constant 0 : i32
        %dma_start3A_652 = tpu.memref_slice %arg6[%add3A_604, %dma_start3A_651] : memref<40x128xi32, #tpu.memory_space<vmem>> -> memref<1x128xi32, #tpu.memory_space<vmem>>
        %dma_start3A_653 = tpu.memref_squeeze %dma_start3A_652 : memref<1x128xi32, #tpu.memory_space<vmem>> -> memref<128xi32, #tpu.memory_space<vmem>>
        %dma_start3A_654 = arith.constant 0 : i32
        %dma_start3A_655 = arith.constant 0 : i32
        %dma_start3A_656 = tpu.memref_slice %arg2[%dma_start3A_654, %dma_start3A_655] : memref<1048576x32xf32, #tpu.memory_space<hbm>> -> memref<1048576x32xf32, #tpu.memory_space<hbm>>
        tpu.enqueue_indirect_dma source(%dma_start3A_656 : memref<1048576x32xf32, #tpu.memory_space<hbm>>) target(%dma_start3A_650 : memref<128x32xf32, #tpu.memory_space<vmem>>) offsets(%dma_start3A_653 : memref<128xi32, #tpu.memory_space<vmem>>) semaphore(%arg10 : memref<!tpu.dma_semaphore, #tpu.memory_space<semaphore_mem>>)
        %dma_start3A_657 = arith.constant 512 : i32
        %dma_start3A_658 = arith.constant 0 : i32
        %dma_start3A_659 = tpu.memref_slice %arg8[%dma_start3A_657, %dma_start3A_658] : memref<1024x32xf32, #tpu.memory_space<vmem>> -> memref<128x32xf32, #tpu.memory_space<vmem>>
        %dma_start3A_660 = arith.constant 0 : i32
        %dma_start3A_661 = tpu.memref_slice %arg6[%add3A_608, %dma_start3A_660] : memref<40x128xi32, #tpu.memory_space<vmem>> -> memref<1x128xi32, #tpu.memory_space<vmem>>
        %dma_start3A_662 = tpu.memref_squeeze %dma_start3A_661 : memref<1x128xi32, #tpu.memory_space<vmem>> -> memref<128xi32, #tpu.memory_space<vmem>>
        %dma_start3A_663 = arith.constant 0 : i32
        %dma_start3A_664 = arith.constant 0 : i32
        %dma_start3A_665 = tpu.memref_slice %arg2[%dma_start3A_663, %dma_start3A_664] : memref<1048576x32xf32, #tpu.memory_space<hbm>> -> memref<1048576x32xf32, #tpu.memory_space<hbm>>
        tpu.enqueue_indirect_dma source(%dma_start3A_665 : memref<1048576x32xf32, #tpu.memory_space<hbm>>) target(%dma_start3A_659 : memref<128x32xf32, #tpu.memory_space<vmem>>) offsets(%dma_start3A_662 : memref<128xi32, #tpu.memory_space<vmem>>) semaphore(%arg10 : memref<!tpu.dma_semaphore, #tpu.memory_space<semaphore_mem>>)
        %dma_start3A_666 = arith.constant 640 : i32
        %dma_start3A_667 = arith.constant 0 : i32
        %dma_start3A_668 = tpu.memref_slice %arg8[%dma_start3A_666, %dma_start3A_667] : memref<1024x32xf32, #tpu.memory_space<vmem>> -> memref<128x32xf32, #tpu.memory_space<vmem>>
        %dma_start3A_669 = arith.constant 0 : i32
        %dma_start3A_670 = tpu.memref_slice %arg6[%add3A_612, %dma_start3A_669] : memref<40x128xi32, #tpu.memory_space<vmem>> -> memref<1x128xi32, #tpu.memory_space<vmem>>
        %dma_start3A_671 = tpu.memref_squeeze %dma_start3A_670 : memref<1x128xi32, #tpu.memory_space<vmem>> -> memref<128xi32, #tpu.memory_space<vmem>>
        %dma_start3A_672 = arith.constant 0 : i32
        %dma_start3A_673 = arith.constant 0 : i32
        %dma_start3A_674 = tpu.memref_slice %arg2[%dma_start3A_672, %dma_start3A_673] : memref<1048576x32xf32, #tpu.memory_space<hbm>> -> memref<1048576x32xf32, #tpu.memory_space<hbm>>
        tpu.enqueue_indirect_dma source(%dma_start3A_674 : memref<1048576x32xf32, #tpu.memory_space<hbm>>) target(%dma_start3A_668 : memref<128x32xf32, #tpu.memory_space<vmem>>) offsets(%dma_start3A_671 : memref<128xi32, #tpu.memory_space<vmem>>) semaphore(%arg10 : memref<!tpu.dma_semaphore, #tpu.memory_space<semaphore_mem>>)
        %dma_start3A_675 = arith.constant 768 : i32
        %dma_start3A_676 = arith.constant 0 : i32
        %dma_start3A_677 = tpu.memref_slice %arg8[%dma_start3A_675, %dma_start3A_676] : memref<1024x32xf32, #tpu.memory_space<vmem>> -> memref<128x32xf32, #tpu.memory_space<vmem>>
        %dma_start3A_678 = arith.constant 0 : i32
        %dma_start3A_679 = tpu.memref_slice %arg6[%add3A_616, %dma_start3A_678] : memref<40x128xi32, #tpu.memory_space<vmem>> -> memref<1x128xi32, #tpu.memory_space<vmem>>
        %dma_start3A_680 = tpu.memref_squeeze %dma_start3A_679 : memref<1x128xi32, #tpu.memory_space<vmem>> -> memref<128xi32, #tpu.memory_space<vmem>>
        %dma_start3A_681 = arith.constant 0 : i32
        %dma_start3A_682 = arith.constant 0 : i32
        %dma_start3A_683 = tpu.memref_slice %arg2[%dma_start3A_681, %dma_start3A_682] : memref<1048576x32xf32, #tpu.memory_space<hbm>> -> memref<1048576x32xf32, #tpu.memory_space<hbm>>
        tpu.enqueue_indirect_dma source(%dma_start3A_683 : memref<1048576x32xf32, #tpu.memory_space<hbm>>) target(%dma_start3A_677 : memref<128x32xf32, #tpu.memory_space<vmem>>) offsets(%dma_start3A_680 : memref<128xi32, #tpu.memory_space<vmem>>) semaphore(%arg10 : memref<!tpu.dma_semaphore, #tpu.memory_space<semaphore_mem>>)
        %dma_start3A_684 = arith.constant 896 : i32
        %dma_start3A_685 = arith.constant 0 : i32
        %dma_start3A_686 = tpu.memref_slice %arg8[%dma_start3A_684, %dma_start3A_685] : memref<1024x32xf32, #tpu.memory_space<vmem>> -> memref<128x32xf32, #tpu.memory_space<vmem>>
        %dma_start3A_687 = arith.constant 0 : i32
        %dma_start3A_688 = tpu.memref_slice %arg6[%add3A_620, %dma_start3A_687] : memref<40x128xi32, #tpu.memory_space<vmem>> -> memref<1x128xi32, #tpu.memory_space<vmem>>
        %dma_start3A_689 = tpu.memref_squeeze %dma_start3A_688 : memref<1x128xi32, #tpu.memory_space<vmem>> -> memref<128xi32, #tpu.memory_space<vmem>>
        %dma_start3A_690 = arith.constant 0 : i32
        %dma_start3A_691 = arith.constant 0 : i32
        %dma_start3A_692 = tpu.memref_slice %arg2[%dma_start3A_690, %dma_start3A_691] : memref<1048576x32xf32, #tpu.memory_space<hbm>> -> memref<1048576x32xf32, #tpu.memory_space<hbm>>
        tpu.enqueue_indirect_dma source(%dma_start3A_692 : memref<1048576x32xf32, #tpu.memory_space<hbm>>) target(%dma_start3A_686 : memref<128x32xf32, #tpu.memory_space<vmem>>) offsets(%dma_start3A_689 : memref<128xi32, #tpu.memory_space<vmem>>) semaphore(%arg10 : memref<!tpu.dma_semaphore, #tpu.memory_space<semaphore_mem>>)
      } else {
      }
    }
    %scan3A_172 = arith.constant 2 : i32
    %dma_wait3A = arith.constant 32 : i32
    %dma_wait3A_173 = arith.constant 0 : i32
    %dma_wait3A_174 = arith.constant 0 : i32
    %dma_wait3A_175 = tpu.memref_slice %arg7[%dma_wait3A_173, %dma_wait3A_174] : memref<1024x32xf32, #tpu.memory_space<vmem>> -> memref<128x32xf32, #tpu.memory_space<vmem>>
    %dma_wait3A_176 = arith.constant 0 : i32
    %dma_wait3A_177 = tpu.memref_slice %arg6[%dma_wait3A, %dma_wait3A_176] : memref<40x128xi32, #tpu.memory_space<vmem>> -> memref<1x128xi32, #tpu.memory_space<vmem>>
    %dma_wait3A_178 = tpu.memref_squeeze %dma_wait3A_177 : memref<1x128xi32, #tpu.memory_space<vmem>> -> memref<128xi32, #tpu.memory_space<vmem>>
    %dma_wait3A_179 = arith.constant 0 : i32
    %dma_wait3A_180 = arith.constant 0 : i32
    %dma_wait3A_181 = tpu.memref_slice %arg2[%dma_wait3A_179, %dma_wait3A_180] : memref<1048576x32xf32, #tpu.memory_space<hbm>> -> memref<1048576x32xf32, #tpu.memory_space<hbm>>
    tpu.wait_indirect_dma semaphore(%arg9 : memref<!tpu.dma_semaphore, #tpu.memory_space<semaphore_mem>>) src(%dma_wait3A_181 : memref<1048576x32xf32, #tpu.memory_space<hbm>>) dst(%dma_wait3A_175 : memref<128x32xf32, #tpu.memory_space<vmem>>)
    %dma_wait3A_182 = arith.constant 33 : i32
    %dma_wait3A_183 = arith.constant 128 : i32
    %dma_wait3A_184 = arith.constant 0 : i32
    %dma_wait3A_185 = tpu.memref_slice %arg7[%dma_wait3A_183, %dma_wait3A_184] : memref<1024x32xf32, #tpu.memory_space<vmem>> -> memref<128x32xf32, #tpu.memory_space<vmem>>
    %dma_wait3A_186 = arith.constant 0 : i32
    %dma_wait3A_187 = tpu.memref_slice %arg6[%dma_wait3A_182, %dma_wait3A_186] : memref<40x128xi32, #tpu.memory_space<vmem>> -> memref<1x128xi32, #tpu.memory_space<vmem>>
    %dma_wait3A_188 = tpu.memref_squeeze %dma_wait3A_187 : memref<1x128xi32, #tpu.memory_space<vmem>> -> memref<128xi32, #tpu.memory_space<vmem>>
    %dma_wait3A_189 = arith.constant 0 : i32
    %dma_wait3A_190 = arith.constant 0 : i32
    %dma_wait3A_191 = tpu.memref_slice %arg2[%dma_wait3A_189, %dma_wait3A_190] : memref<1048576x32xf32, #tpu.memory_space<hbm>> -> memref<1048576x32xf32, #tpu.memory_space<hbm>>
    tpu.wait_indirect_dma semaphore(%arg9 : memref<!tpu.dma_semaphore, #tpu.memory_space<semaphore_mem>>) src(%dma_wait3A_191 : memref<1048576x32xf32, #tpu.memory_space<hbm>>) dst(%dma_wait3A_185 : memref<128x32xf32, #tpu.memory_space<vmem>>)
    %dma_wait3A_192 = arith.constant 34 : i32
    %dma_wait3A_193 = arith.constant 256 : i32
    %dma_wait3A_194 = arith.constant 0 : i32
    %dma_wait3A_195 = tpu.memref_slice %arg7[%dma_wait3A_193, %dma_wait3A_194] : memref<1024x32xf32, #tpu.memory_space<vmem>> -> memref<128x32xf32, #tpu.memory_space<vmem>>
    %dma_wait3A_196 = arith.constant 0 : i32
    %dma_wait3A_197 = tpu.memref_slice %arg6[%dma_wait3A_192, %dma_wait3A_196] : memref<40x128xi32, #tpu.memory_space<vmem>> -> memref<1x128xi32, #tpu.memory_space<vmem>>
    %dma_wait3A_198 = tpu.memref_squeeze %dma_wait3A_197 : memref<1x128xi32, #tpu.memory_space<vmem>> -> memref<128xi32, #tpu.memory_space<vmem>>
    %dma_wait3A_199 = arith.constant 0 : i32
    %dma_wait3A_200 = arith.constant 0 : i32
    %dma_wait3A_201 = tpu.memref_slice %arg2[%dma_wait3A_199, %dma_wait3A_200] : memref<1048576x32xf32, #tpu.memory_space<hbm>> -> memref<1048576x32xf32, #tpu.memory_space<hbm>>
    tpu.wait_indirect_dma semaphore(%arg9 : memref<!tpu.dma_semaphore, #tpu.memory_space<semaphore_mem>>) src(%dma_wait3A_201 : memref<1048576x32xf32, #tpu.memory_space<hbm>>) dst(%dma_wait3A_195 : memref<128x32xf32, #tpu.memory_space<vmem>>)
    %dma_wait3A_202 = arith.constant 35 : i32
    %dma_wait3A_203 = arith.constant 384 : i32
    %dma_wait3A_204 = arith.constant 0 : i32
    %dma_wait3A_205 = tpu.memref_slice %arg7[%dma_wait3A_203, %dma_wait3A_204] : memref<1024x32xf32, #tpu.memory_space<vmem>> -> memref<128x32xf32, #tpu.memory_space<vmem>>
    %dma_wait3A_206 = arith.constant 0 : i32
    %dma_wait3A_207 = tpu.memref_slice %arg6[%dma_wait3A_202, %dma_wait3A_206] : memref<40x128xi32, #tpu.memory_space<vmem>> -> memref<1x128xi32, #tpu.memory_space<vmem>>
    %dma_wait3A_208 = tpu.memref_squeeze %dma_wait3A_207 : memref<1x128xi32, #tpu.memory_space<vmem>> -> memref<128xi32, #tpu.memory_space<vmem>>
    %dma_wait3A_209 = arith.constant 0 : i32
    %dma_wait3A_210 = arith.constant 0 : i32
    %dma_wait3A_211 = tpu.memref_slice %arg2[%dma_wait3A_209, %dma_wait3A_210] : memref<1048576x32xf32, #tpu.memory_space<hbm>> -> memref<1048576x32xf32, #tpu.memory_space<hbm>>
    tpu.wait_indirect_dma semaphore(%arg9 : memref<!tpu.dma_semaphore, #tpu.memory_space<semaphore_mem>>) src(%dma_wait3A_211 : memref<1048576x32xf32, #tpu.memory_space<hbm>>) dst(%dma_wait3A_205 : memref<128x32xf32, #tpu.memory_space<vmem>>)
    %dma_wait3A_212 = arith.constant 36 : i32
    %dma_wait3A_213 = arith.constant 512 : i32
    %dma_wait3A_214 = arith.constant 0 : i32
    %dma_wait3A_215 = tpu.memref_slice %arg7[%dma_wait3A_213, %dma_wait3A_214] : memref<1024x32xf32, #tpu.memory_space<vmem>> -> memref<128x32xf32, #tpu.memory_space<vmem>>
    %dma_wait3A_216 = arith.constant 0 : i32
    %dma_wait3A_217 = tpu.memref_slice %arg6[%dma_wait3A_212, %dma_wait3A_216] : memref<40x128xi32, #tpu.memory_space<vmem>> -> memref<1x128xi32, #tpu.memory_space<vmem>>
    %dma_wait3A_218 = tpu.memref_squeeze %dma_wait3A_217 : memref<1x128xi32, #tpu.memory_space<vmem>> -> memref<128xi32, #tpu.memory_space<vmem>>
    %dma_wait3A_219 = arith.constant 0 : i32
    %dma_wait3A_220 = arith.constant 0 : i32
    %dma_wait3A_221 = tpu.memref_slice %arg2[%dma_wait3A_219, %dma_wait3A_220] : memref<1048576x32xf32, #tpu.memory_space<hbm>> -> memref<1048576x32xf32, #tpu.memory_space<hbm>>
    tpu.wait_indirect_dma semaphore(%arg9 : memref<!tpu.dma_semaphore, #tpu.memory_space<semaphore_mem>>) src(%dma_wait3A_221 : memref<1048576x32xf32, #tpu.memory_space<hbm>>) dst(%dma_wait3A_215 : memref<128x32xf32, #tpu.memory_space<vmem>>)
    %dma_wait3A_222 = arith.constant 37 : i32
    %dma_wait3A_223 = arith.constant 640 : i32
    %dma_wait3A_224 = arith.constant 0 : i32
    %dma_wait3A_225 = tpu.memref_slice %arg7[%dma_wait3A_223, %dma_wait3A_224] : memref<1024x32xf32, #tpu.memory_space<vmem>> -> memref<128x32xf32, #tpu.memory_space<vmem>>
    %dma_wait3A_226 = arith.constant 0 : i32
    %dma_wait3A_227 = tpu.memref_slice %arg6[%dma_wait3A_222, %dma_wait3A_226] : memref<40x128xi32, #tpu.memory_space<vmem>> -> memref<1x128xi32, #tpu.memory_space<vmem>>
    %dma_wait3A_228 = tpu.memref_squeeze %dma_wait3A_227 : memref<1x128xi32, #tpu.memory_space<vmem>> -> memref<128xi32, #tpu.memory_space<vmem>>
    %dma_wait3A_229 = arith.constant 0 : i32
    %dma_wait3A_230 = arith.constant 0 : i32
    %dma_wait3A_231 = tpu.memref_slice %arg2[%dma_wait3A_229, %dma_wait3A_230] : memref<1048576x32xf32, #tpu.memory_space<hbm>> -> memref<1048576x32xf32, #tpu.memory_space<hbm>>
    tpu.wait_indirect_dma semaphore(%arg9 : memref<!tpu.dma_semaphore, #tpu.memory_space<semaphore_mem>>) src(%dma_wait3A_231 : memref<1048576x32xf32, #tpu.memory_space<hbm>>) dst(%dma_wait3A_225 : memref<128x32xf32, #tpu.memory_space<vmem>>)
    %dma_wait3A_232 = arith.constant 38 : i32
    %dma_wait3A_233 = arith.constant 768 : i32
    %dma_wait3A_234 = arith.constant 0 : i32
    %dma_wait3A_235 = tpu.memref_slice %arg7[%dma_wait3A_233, %dma_wait3A_234] : memref<1024x32xf32, #tpu.memory_space<vmem>> -> memref<128x32xf32, #tpu.memory_space<vmem>>
    %dma_wait3A_236 = arith.constant 0 : i32
    %dma_wait3A_237 = tpu.memref_slice %arg6[%dma_wait3A_232, %dma_wait3A_236] : memref<40x128xi32, #tpu.memory_space<vmem>> -> memref<1x128xi32, #tpu.memory_space<vmem>>
    %dma_wait3A_238 = tpu.memref_squeeze %dma_wait3A_237 : memref<1x128xi32, #tpu.memory_space<vmem>> -> memref<128xi32, #tpu.memory_space<vmem>>
    %dma_wait3A_239 = arith.constant 0 : i32
    %dma_wait3A_240 = arith.constant 0 : i32
    %dma_wait3A_241 = tpu.memref_slice %arg2[%dma_wait3A_239, %dma_wait3A_240] : memref<1048576x32xf32, #tpu.memory_space<hbm>> -> memref<1048576x32xf32, #tpu.memory_space<hbm>>
    tpu.wait_indirect_dma semaphore(%arg9 : memref<!tpu.dma_semaphore, #tpu.memory_space<semaphore_mem>>) src(%dma_wait3A_241 : memref<1048576x32xf32, #tpu.memory_space<hbm>>) dst(%dma_wait3A_235 : memref<128x32xf32, #tpu.memory_space<vmem>>)
    %dma_wait3A_242 = arith.constant 39 : i32
    %dma_wait3A_243 = arith.constant 896 : i32
    %dma_wait3A_244 = arith.constant 0 : i32
    %dma_wait3A_245 = tpu.memref_slice %arg7[%dma_wait3A_243, %dma_wait3A_244] : memref<1024x32xf32, #tpu.memory_space<vmem>> -> memref<128x32xf32, #tpu.memory_space<vmem>>
    %dma_wait3A_246 = arith.constant 0 : i32
    %dma_wait3A_247 = tpu.memref_slice %arg6[%dma_wait3A_242, %dma_wait3A_246] : memref<40x128xi32, #tpu.memory_space<vmem>> -> memref<1x128xi32, #tpu.memory_space<vmem>>
    %dma_wait3A_248 = tpu.memref_squeeze %dma_wait3A_247 : memref<1x128xi32, #tpu.memory_space<vmem>> -> memref<128xi32, #tpu.memory_space<vmem>>
    %dma_wait3A_249 = arith.constant 0 : i32
    %dma_wait3A_250 = arith.constant 0 : i32
    %dma_wait3A_251 = tpu.memref_slice %arg2[%dma_wait3A_249, %dma_wait3A_250] : memref<1048576x32xf32, #tpu.memory_space<hbm>> -> memref<1048576x32xf32, #tpu.memory_space<hbm>>
    tpu.wait_indirect_dma semaphore(%arg9 : memref<!tpu.dma_semaphore, #tpu.memory_space<semaphore_mem>>) src(%dma_wait3A_251 : memref<1048576x32xf32, #tpu.memory_space<hbm>>) dst(%dma_wait3A_245 : memref<128x32xf32, #tpu.memory_space<vmem>>)
    %mul3A_252 = arith.constant 1024 : i32
    %mul3A_253 = arith.muli %add3A, %mul3A_252 : i32
    %add3A_254 = arith.constant 131072 : i32
    %add3A_255 = arith.addi %add3A_254, %mul3A_253 : i32
    "tpu.region"() ({
      %run_scoped3A = tpu.sem_alloc : memref<!tpu.dma_semaphore, #tpu.memory_space<semaphore_mem>>
      %dma_start3A_256 = arith.constant 0 : i32
      %dma_start3A_257 = tpu.memref_slice %arg4[%add3A_255, %dma_start3A_256] : memref<163840x32xf32, #tpu.memory_space<hbm>> -> memref<1024x32xf32, #tpu.memory_space<hbm>>
      %dma_start3A_258 = arith.constant 0 : i32
      %dma_start3A_259 = tpu.memref_slice %arg4[%add3A_255, %dma_start3A_258] : memref<163840x32xf32, #tpu.memory_space<hbm>> -> memref<1024x32xf32, #tpu.memory_space<hbm>>
      tpu.enqueue_dma source(%arg7 : memref<1024x32xf32, #tpu.memory_space<vmem>>) target(%dma_start3A_259 : memref<1024x32xf32, #tpu.memory_space<hbm>>) target_semaphore(%run_scoped3A : memref<!tpu.dma_semaphore, #tpu.memory_space<semaphore_mem>>)
      %dma_wait3A_260 = arith.constant 0 : i32
      %dma_wait3A_261 = tpu.memref_slice %arg4[%add3A_255, %dma_wait3A_260] : memref<163840x32xf32, #tpu.memory_space<hbm>> -> memref<1024x32xf32, #tpu.memory_space<hbm>>
      %dma_wait3A_262 = arith.constant 0 : i32
      %dma_wait3A_263 = tpu.memref_slice %arg4[%add3A_255, %dma_wait3A_262] : memref<163840x32xf32, #tpu.memory_space<hbm>> -> memref<1024x32xf32, #tpu.memory_space<hbm>>
      tpu.wait_dma2 semaphore(%run_scoped3A : memref<!tpu.dma_semaphore, #tpu.memory_space<semaphore_mem>>) src(%arg7 : memref<1024x32xf32, #tpu.memory_space<vmem>>) dst(%dma_wait3A_263 : memref<1024x32xf32, #tpu.memory_space<hbm>>)
      tpu.yield
    }) : () -> ()
    return
  }
}

#map = affine_map<(d0, d1) -> (0, 0)>
module attributes {stable_mosaic.version = 14 : i64} {
  func.func @_g(%arg0: i32, %arg1: i32, %arg2: memref<1048576x32xf32, #tpu.memory_space<hbm>>, %arg3: memref<2560x128xi32, #tpu.memory_space<hbm>>, %arg4: memref<163840x32xf32, #tpu.memory_space<hbm>>, %arg5: memref<40x128xi32, #tpu.memory_space<vmem>>, %arg6: memref<40x128xi32, #tpu.memory_space<vmem>>, %arg7: memref<1024x32xf32, #tpu.memory_space<vmem>>, %arg8: memref<1024x32xf32, #tpu.memory_space<vmem>>, %arg9: memref<!tpu.dma_semaphore, #tpu.memory_space<semaphore_mem>>, %arg10: memref<!tpu.dma_semaphore, #tpu.memory_space<semaphore_mem>>) attributes {dimension_semantics = [#tpu.dimension_semantics<core_parallel>, #tpu.dimension_semantics<subcore_parallel>], iteration_bounds = array<i64: 2, 16>, scalar_prefetch = 0 : i64, scratch_operands = 6 : i64, tpu.core_type = #tpu.core_type<sc_vector_subcore>, window_params = [{transform_indices = #map}, {transform_indices = #map}, {transform_indices = #map}]} {
    %mul3A = arith.constant 2 : i32
    %mul3A_0 = arith.muli %arg1, %mul3A : i32
    %add3A = arith.addi %mul3A_0, %arg0 : i32
    %mul3A_1 = arith.constant 40 : i32
    %mul3A_2 = arith.muli %add3A, %mul3A_1 : i32
    %add3A_3 = arith.constant 1280 : i32
    %add3A_4 = arith.addi %add3A_3, %mul3A_2 : i32
    "tpu.region"() ({
      %run_scoped3A = tpu.sem_alloc : memref<!tpu.dma_semaphore, #tpu.memory_space<semaphore_mem>>
      %dma_start3A_256 = arith.constant 0 : i32
      %dma_start3A_257 = tpu.memref_slice %arg3[%add3A_4, %dma_start3A_256] : memref<2560x128xi32, #tpu.memory_space<hbm>> -> memref<40x128xi32, #tpu.memory_space<hbm>>
      %dma_start3A_258 = arith.constant 0 : i32
      %dma_start3A_259 = tpu.memref_slice %arg3[%add3A_4, %dma_start3A_258] : memref<2560x128xi32, #tpu.memory_space<hbm>> -> memref<40x128xi32, #tpu.memory_space<hbm>>
      tpu.enqueue_dma source(%dma_start3A_259 : memref<40x128xi32, #tpu.memory_space<hbm>>) target(%arg5 : memref<40x128xi32, #tpu.memory_space<vmem>>) target_semaphore(%run_scoped3A : memref<!tpu.dma_semaphore, #tpu.memory_space<semaphore_mem>>)
      %dma_wait3A_260 = arith.constant 0 : i32
      %dma_wait3A_261 = tpu.memref_slice %arg3[%add3A_4, %dma_wait3A_260] : memref<2560x128xi32, #tpu.memory_space<hbm>> -> memref<40x128xi32, #tpu.memory_space<hbm>>
      %dma_wait3A_262 = arith.constant 0 : i32
      %dma_wait3A_263 = tpu.memref_slice %arg3[%add3A_4, %dma_wait3A_262] : memref<2560x128xi32, #tpu.memory_space<hbm>> -> memref<40x128xi32, #tpu.memory_space<hbm>>
      tpu.wait_dma2 semaphore(%run_scoped3A : memref<!tpu.dma_semaphore, #tpu.memory_space<semaphore_mem>>) src(%dma_wait3A_263 : memref<40x128xi32, #tpu.memory_space<hbm>>) dst(%arg5 : memref<40x128xi32, #tpu.memory_space<vmem>>)
      tpu.yield
    }) : () -> ()
    %iota3A = tpu.iota {dimensions = array<i32: 0>} : vector<16xi32>
    %scan3A = arith.constant 0 : i32
    %scan3A_5 = arith.constant 320 : i32
    %scan3A_6 = arith.addi %scan3A, %scan3A_5 : i32
    %scan3A_7 = arith.constant 1 : i32
    scf.for %scan3A_256 = %scan3A to %scan3A_6 step %scan3A_7  : i32 {
      %mul3A_257 = arith.constant 16 : i32
      %mul3A_258 = arith.muli %scan3A_256, %mul3A_257 : i32
      %add3A_259 = vector.broadcast %mul3A_258 : i32 to vector<16xi32>
      %add3A_260 = arith.addi %add3A_259, %iota3A : vector<16xi32>
      %shift_right_logical3A = arith.constant 10 : i32
      %shift_right_logical3A_261 = vector.broadcast %shift_right_logical3A : i32 to vector<16xi32>
      %shift_right_logical3A_262 = arith.shrui %add3A_260, %shift_right_logical3A_261 : vector<16xi32>
      %and3A = arith.constant 1023 : i32
      %and3A_263 = vector.broadcast %and3A : i32 to vector<16xi32>
      %and3A_264 = arith.andi %add3A_260, %and3A_263 : vector<16xi32>
      %shift_right_logical3A_265 = arith.constant 2 : i32
      %shift_right_logical3A_266 = vector.broadcast %shift_right_logical3A_265 : i32 to vector<16xi32>
      %shift_right_logical3A_267 = arith.shrui %and3A_264, %shift_right_logical3A_266 : vector<16xi32>
      %mul3A_268 = arith.constant 20 : i32
      %mul3A_269 = vector.broadcast %mul3A_268 : i32 to vector<16xi32>
      %mul3A_270 = arith.muli %shift_right_logical3A_267, %mul3A_269 : vector<16xi32>
      %mul3A_271 = arith.constant 4 : i32
      %mul3A_272 = vector.broadcast %mul3A_271 : i32 to vector<16xi32>
      %mul3A_273 = arith.muli %shift_right_logical3A_262, %mul3A_272 : vector<16xi32>
      %add3A_274 = arith.addi %mul3A_270, %mul3A_273 : vector<16xi32>
      %and3A_275 = arith.constant 3 : i32
      %and3A_276 = vector.broadcast %and3A_275 : i32 to vector<16xi32>
      %and3A_277 = arith.andi %and3A_264, %and3A_276 : vector<16xi32>
      %add3A_278 = arith.addi %add3A_274, %and3A_277 : vector<16xi32>
      %shift_right_logical3A_279 = arith.constant 7 : i32
      %shift_right_logical3A_280 = vector.broadcast %shift_right_logical3A_279 : i32 to vector<16xi32>
      %shift_right_logical3A_281 = arith.shrui %add3A_278, %shift_right_logical3A_280 : vector<16xi32>
      %and3A_282 = arith.constant 127 : i32
      %and3A_283 = vector.broadcast %and3A_282 : i32 to vector<16xi32>
      %and3A_284 = arith.andi %add3A_278, %and3A_283 : vector<16xi32>
      %gather3A = tpu.vector_load_idx %arg5[%shift_right_logical3A_281, %and3A_284] : memref<40x128xi32, #tpu.memory_space<vmem>>[vector<16xi32>, vector<16xi32>], vector<16xi32>,
      %and3A_285 = arith.constant 262143 : i32
      %and3A_286 = vector.broadcast %and3A_285 : i32 to vector<16xi32>
      %and3A_287 = arith.andi %gather3A, %and3A_286 : vector<16xi32>
      %mul3A_288 = arith.constant 4 : i32
      %mul3A_289 = vector.broadcast %mul3A_288 : i32 to vector<16xi32>
      %mul3A_290 = arith.muli %and3A_287, %mul3A_289 : vector<16xi32>
      %shift_right_logical3A_291 = arith.constant 18 : i32
      %shift_right_logical3A_292 = vector.broadcast %shift_right_logical3A_291 : i32 to vector<16xi32>
      %shift_right_logical3A_293 = arith.shrui %gather3A, %shift_right_logical3A_292 : vector<16xi32>
      %add3A_294 = arith.addi %mul3A_290, %shift_right_logical3A_293 : vector<16xi32>
      %jit3A = arith.constant 8 : i32
      %div3A = arith.divsi %scan3A_256, %jit3A : i32
      %sign3A = arith.constant 0 : i32
      %sign3A_295 = arith.cmpi sgt, %scan3A_256, %sign3A : i32
      %sign3A_296 = arith.extui %sign3A_295 : i1 to i32
      %sign3A_297 = arith.constant 0 : i32
      %sign3A_298 = arith.cmpi slt, %scan3A_256, %sign3A_297 : i32
      %sign3A_299 = arith.extui %sign3A_298 : i1 to i32
      %sign3A_300 = arith.subi %sign3A_296, %sign3A_299 : i32
      %sign3A_301 = arith.constant 0 : i32
      %sign3A_302 = arith.cmpi sgt, %jit3A, %sign3A_301 : i32
      %sign3A_303 = arith.extui %sign3A_302 : i1 to i32
      %sign3A_304 = arith.constant 0 : i32
      %sign3A_305 = arith.cmpi slt, %jit3A, %sign3A_304 : i32
      %sign3A_306 = arith.extui %sign3A_305 : i1 to i32
      %sign3A_307 = arith.subi %sign3A_303, %sign3A_306 : i32
      %ne3A = arith.cmpi ne, %sign3A_300, %sign3A_307 : i32
      %rem3A = arith.remsi %scan3A_256, %jit3A : i32
      %ne3A_308 = arith.constant 0 : i32
      %ne3A_309 = arith.cmpi ne, %rem3A, %ne3A_308 : i32
      %and3A_310 = arith.andi %ne3A, %ne3A_309 : i1
      %sub3A = arith.constant 1 : i32
      %sub3A_311 = arith.subi %div3A, %sub3A : i32
      %select_n3A = arith.select %and3A_310, %sub3A_311, %div3A : i32
      %jit3A_312 = arith.constant 8 : i32
      %eq3A = arith.constant 0 : i32
      %eq3A_313 = arith.cmpi eq, %jit3A_312, %eq3A : i32
      %jit3A_314 = arith.constant 1 : i32
      %select_n3A_315 = arith.select %eq3A_313, %jit3A_314, %jit3A_312 : i32
      %rem3A_316 = arith.remsi %scan3A_256, %select_n3A_315 : i32
      %ne3A_317 = arith.constant 0 : i32
      %ne3A_318 = arith.cmpi ne, %rem3A_316, %ne3A_317 : i32
      %lt3A = arith.constant 0 : i32
      %lt3A_319 = arith.cmpi slt, %rem3A_316, %lt3A : i32
      %lt3A_320 = arith.constant 0 : i32
      %lt3A_321 = arith.cmpi slt, %select_n3A_315, %lt3A_320 : i32
      %ne3A_322 = arith.xori %lt3A_319, %lt3A_321 : i1
      %and3A_323 = arith.andi %ne3A_322, %ne3A_318 : i1
      %add3A_324 = arith.addi %rem3A_316, %select_n3A_315 : i32
      %select_n3A_325 = arith.select %and3A_323, %add3A_324, %rem3A_316 : i32
      %mul3A_326 = arith.constant 16 : i32
      %mul3A_327 = arith.muli %select_n3A_325, %mul3A_326 : i32
      %swap3A = arith.index_cast %select_n3A : i32 to index
      %swap3A_328 = arith.index_cast %mul3A_327 : i32 to index
      %swap3A_329 = tpu.vector_load %arg6[%swap3A, %swap3A_328] {strides = array<i32>} : memref<40x128xi32, #tpu.memory_space<vmem>>, vector<16xi32>,
      tpu.vector_store %arg6[%swap3A, %swap3A_328], %add3A_294 {strides = array<i32>} : memref<40x128xi32, #tpu.memory_space<vmem>>, vector<16xi32>,
    }
    %scan3A_8 = arith.constant 320 : i32
    %dma_start3A = arith.constant 0 : i32
    %dma_start3A_9 = arith.constant 0 : i32
    %dma_start3A_10 = arith.constant 0 : i32
    %dma_start3A_11 = tpu.memref_slice %arg7[%dma_start3A_9, %dma_start3A_10] : memref<1024x32xf32, #tpu.memory_space<vmem>> -> memref<128x32xf32, #tpu.memory_space<vmem>>
    %dma_start3A_12 = arith.constant 0 : i32
    %dma_start3A_13 = tpu.memref_slice %arg6[%dma_start3A, %dma_start3A_12] : memref<40x128xi32, #tpu.memory_space<vmem>> -> memref<1x128xi32, #tpu.memory_space<vmem>>
    %dma_start3A_14 = tpu.memref_squeeze %dma_start3A_13 : memref<1x128xi32, #tpu.memory_space<vmem>> -> memref<128xi32, #tpu.memory_space<vmem>>
    %dma_start3A_15 = arith.constant 0 : i32
    %dma_start3A_16 = arith.constant 0 : i32
    %dma_start3A_17 = tpu.memref_slice %arg2[%dma_start3A_15, %dma_start3A_16] : memref<1048576x32xf32, #tpu.memory_space<hbm>> -> memref<1048576x32xf32, #tpu.memory_space<hbm>>
    tpu.enqueue_indirect_dma source(%dma_start3A_17 : memref<1048576x32xf32, #tpu.memory_space<hbm>>) target(%dma_start3A_11 : memref<128x32xf32, #tpu.memory_space<vmem>>) offsets(%dma_start3A_14 : memref<128xi32, #tpu.memory_space<vmem>>) semaphore(%arg9 : memref<!tpu.dma_semaphore, #tpu.memory_space<semaphore_mem>>)
    %dma_start3A_18 = arith.constant 1 : i32
    %dma_start3A_19 = arith.constant 128 : i32
    %dma_start3A_20 = arith.constant 0 : i32
    %dma_start3A_21 = tpu.memref_slice %arg7[%dma_start3A_19, %dma_start3A_20] : memref<1024x32xf32, #tpu.memory_space<vmem>> -> memref<128x32xf32, #tpu.memory_space<vmem>>
    %dma_start3A_22 = arith.constant 0 : i32
    %dma_start3A_23 = tpu.memref_slice %arg6[%dma_start3A_18, %dma_start3A_22] : memref<40x128xi32, #tpu.memory_space<vmem>> -> memref<1x128xi32, #tpu.memory_space<vmem>>
    %dma_start3A_24 = tpu.memref_squeeze %dma_start3A_23 : memref<1x128xi32, #tpu.memory_space<vmem>> -> memref<128xi32, #tpu.memory_space<vmem>>
    %dma_start3A_25 = arith.constant 0 : i32
    %dma_start3A_26 = arith.constant 0 : i32
    %dma_start3A_27 = tpu.memref_slice %arg2[%dma_start3A_25, %dma_start3A_26] : memref<1048576x32xf32, #tpu.memory_space<hbm>> -> memref<1048576x32xf32, #tpu.memory_space<hbm>>
    tpu.enqueue_indirect_dma source(%dma_start3A_27 : memref<1048576x32xf32, #tpu.memory_space<hbm>>) target(%dma_start3A_21 : memref<128x32xf32, #tpu.memory_space<vmem>>) offsets(%dma_start3A_24 : memref<128xi32, #tpu.memory_space<vmem>>) semaphore(%arg9 : memref<!tpu.dma_semaphore, #tpu.memory_space<semaphore_mem>>)
    %dma_start3A_28 = arith.constant 2 : i32
    %dma_start3A_29 = arith.constant 256 : i32
    %dma_start3A_30 = arith.constant 0 : i32
    %dma_start3A_31 = tpu.memref_slice %arg7[%dma_start3A_29, %dma_start3A_30] : memref<1024x32xf32, #tpu.memory_space<vmem>> -> memref<128x32xf32, #tpu.memory_space<vmem>>
    %dma_start3A_32 = arith.constant 0 : i32
    %dma_start3A_33 = tpu.memref_slice %arg6[%dma_start3A_28, %dma_start3A_32] : memref<40x128xi32, #tpu.memory_space<vmem>> -> memref<1x128xi32, #tpu.memory_space<vmem>>
    %dma_start3A_34 = tpu.memref_squeeze %dma_start3A_33 : memref<1x128xi32, #tpu.memory_space<vmem>> -> memref<128xi32, #tpu.memory_space<vmem>>
    %dma_start3A_35 = arith.constant 0 : i32
    %dma_start3A_36 = arith.constant 0 : i32
    %dma_start3A_37 = tpu.memref_slice %arg2[%dma_start3A_35, %dma_start3A_36] : memref<1048576x32xf32, #tpu.memory_space<hbm>> -> memref<1048576x32xf32, #tpu.memory_space<hbm>>
    tpu.enqueue_indirect_dma source(%dma_start3A_37 : memref<1048576x32xf32, #tpu.memory_space<hbm>>) target(%dma_start3A_31 : memref<128x32xf32, #tpu.memory_space<vmem>>) offsets(%dma_start3A_34 : memref<128xi32, #tpu.memory_space<vmem>>) semaphore(%arg9 : memref<!tpu.dma_semaphore, #tpu.memory_space<semaphore_mem>>)
    %dma_start3A_38 = arith.constant 3 : i32
    %dma_start3A_39 = arith.constant 384 : i32
    %dma_start3A_40 = arith.constant 0 : i32
    %dma_start3A_41 = tpu.memref_slice %arg7[%dma_start3A_39, %dma_start3A_40] : memref<1024x32xf32, #tpu.memory_space<vmem>> -> memref<128x32xf32, #tpu.memory_space<vmem>>
    %dma_start3A_42 = arith.constant 0 : i32
    %dma_start3A_43 = tpu.memref_slice %arg6[%dma_start3A_38, %dma_start3A_42] : memref<40x128xi32, #tpu.memory_space<vmem>> -> memref<1x128xi32, #tpu.memory_space<vmem>>
    %dma_start3A_44 = tpu.memref_squeeze %dma_start3A_43 : memref<1x128xi32, #tpu.memory_space<vmem>> -> memref<128xi32, #tpu.memory_space<vmem>>
    %dma_start3A_45 = arith.constant 0 : i32
    %dma_start3A_46 = arith.constant 0 : i32
    %dma_start3A_47 = tpu.memref_slice %arg2[%dma_start3A_45, %dma_start3A_46] : memref<1048576x32xf32, #tpu.memory_space<hbm>> -> memref<1048576x32xf32, #tpu.memory_space<hbm>>
    tpu.enqueue_indirect_dma source(%dma_start3A_47 : memref<1048576x32xf32, #tpu.memory_space<hbm>>) target(%dma_start3A_41 : memref<128x32xf32, #tpu.memory_space<vmem>>) offsets(%dma_start3A_44 : memref<128xi32, #tpu.memory_space<vmem>>) semaphore(%arg9 : memref<!tpu.dma_semaphore, #tpu.memory_space<semaphore_mem>>)
    %dma_start3A_48 = arith.constant 4 : i32
    %dma_start3A_49 = arith.constant 512 : i32
    %dma_start3A_50 = arith.constant 0 : i32
    %dma_start3A_51 = tpu.memref_slice %arg7[%dma_start3A_49, %dma_start3A_50] : memref<1024x32xf32, #tpu.memory_space<vmem>> -> memref<128x32xf32, #tpu.memory_space<vmem>>
    %dma_start3A_52 = arith.constant 0 : i32
    %dma_start3A_53 = tpu.memref_slice %arg6[%dma_start3A_48, %dma_start3A_52] : memref<40x128xi32, #tpu.memory_space<vmem>> -> memref<1x128xi32, #tpu.memory_space<vmem>>
    %dma_start3A_54 = tpu.memref_squeeze %dma_start3A_53 : memref<1x128xi32, #tpu.memory_space<vmem>> -> memref<128xi32, #tpu.memory_space<vmem>>
    %dma_start3A_55 = arith.constant 0 : i32
    %dma_start3A_56 = arith.constant 0 : i32
    %dma_start3A_57 = tpu.memref_slice %arg2[%dma_start3A_55, %dma_start3A_56] : memref<1048576x32xf32, #tpu.memory_space<hbm>> -> memref<1048576x32xf32, #tpu.memory_space<hbm>>
    tpu.enqueue_indirect_dma source(%dma_start3A_57 : memref<1048576x32xf32, #tpu.memory_space<hbm>>) target(%dma_start3A_51 : memref<128x32xf32, #tpu.memory_space<vmem>>) offsets(%dma_start3A_54 : memref<128xi32, #tpu.memory_space<vmem>>) semaphore(%arg9 : memref<!tpu.dma_semaphore, #tpu.memory_space<semaphore_mem>>)
    %dma_start3A_58 = arith.constant 5 : i32
    %dma_start3A_59 = arith.constant 640 : i32
    %dma_start3A_60 = arith.constant 0 : i32
    %dma_start3A_61 = tpu.memref_slice %arg7[%dma_start3A_59, %dma_start3A_60] : memref<1024x32xf32, #tpu.memory_space<vmem>> -> memref<128x32xf32, #tpu.memory_space<vmem>>
    %dma_start3A_62 = arith.constant 0 : i32
    %dma_start3A_63 = tpu.memref_slice %arg6[%dma_start3A_58, %dma_start3A_62] : memref<40x128xi32, #tpu.memory_space<vmem>> -> memref<1x128xi32, #tpu.memory_space<vmem>>
    %dma_start3A_64 = tpu.memref_squeeze %dma_start3A_63 : memref<1x128xi32, #tpu.memory_space<vmem>> -> memref<128xi32, #tpu.memory_space<vmem>>
    %dma_start3A_65 = arith.constant 0 : i32
    %dma_start3A_66 = arith.constant 0 : i32
    %dma_start3A_67 = tpu.memref_slice %arg2[%dma_start3A_65, %dma_start3A_66] : memref<1048576x32xf32, #tpu.memory_space<hbm>> -> memref<1048576x32xf32, #tpu.memory_space<hbm>>
    tpu.enqueue_indirect_dma source(%dma_start3A_67 : memref<1048576x32xf32, #tpu.memory_space<hbm>>) target(%dma_start3A_61 : memref<128x32xf32, #tpu.memory_space<vmem>>) offsets(%dma_start3A_64 : memref<128xi32, #tpu.memory_space<vmem>>) semaphore(%arg9 : memref<!tpu.dma_semaphore, #tpu.memory_space<semaphore_mem>>)
    %dma_start3A_68 = arith.constant 6 : i32
    %dma_start3A_69 = arith.constant 768 : i32
    %dma_start3A_70 = arith.constant 0 : i32
    %dma_start3A_71 = tpu.memref_slice %arg7[%dma_start3A_69, %dma_start3A_70] : memref<1024x32xf32, #tpu.memory_space<vmem>> -> memref<128x32xf32, #tpu.memory_space<vmem>>
    %dma_start3A_72 = arith.constant 0 : i32
    %dma_start3A_73 = tpu.memref_slice %arg6[%dma_start3A_68, %dma_start3A_72] : memref<40x128xi32, #tpu.memory_space<vmem>> -> memref<1x128xi32, #tpu.memory_space<vmem>>
    %dma_start3A_74 = tpu.memref_squeeze %dma_start3A_73 : memref<1x128xi32, #tpu.memory_space<vmem>> -> memref<128xi32, #tpu.memory_space<vmem>>
    %dma_start3A_75 = arith.constant 0 : i32
    %dma_start3A_76 = arith.constant 0 : i32
    %dma_start3A_77 = tpu.memref_slice %arg2[%dma_start3A_75, %dma_start3A_76] : memref<1048576x32xf32, #tpu.memory_space<hbm>> -> memref<1048576x32xf32, #tpu.memory_space<hbm>>
    tpu.enqueue_indirect_dma source(%dma_start3A_77 : memref<1048576x32xf32, #tpu.memory_space<hbm>>) target(%dma_start3A_71 : memref<128x32xf32, #tpu.memory_space<vmem>>) offsets(%dma_start3A_74 : memref<128xi32, #tpu.memory_space<vmem>>) semaphore(%arg9 : memref<!tpu.dma_semaphore, #tpu.memory_space<semaphore_mem>>)
    %dma_start3A_78 = arith.constant 7 : i32
    %dma_start3A_79 = arith.constant 896 : i32
    %dma_start3A_80 = arith.constant 0 : i32
    %dma_start3A_81 = tpu.memref_slice %arg7[%dma_start3A_79, %dma_start3A_80] : memref<1024x32xf32, #tpu.memory_space<vmem>> -> memref<128x32xf32, #tpu.memory_space<vmem>>
    %dma_start3A_82 = arith.constant 0 : i32
    %dma_start3A_83 = tpu.memref_slice %arg6[%dma_start3A_78, %dma_start3A_82] : memref<40x128xi32, #tpu.memory_space<vmem>> -> memref<1x128xi32, #tpu.memory_space<vmem>>
    %dma_start3A_84 = tpu.memref_squeeze %dma_start3A_83 : memref<1x128xi32, #tpu.memory_space<vmem>> -> memref<128xi32, #tpu.memory_space<vmem>>
    %dma_start3A_85 = arith.constant 0 : i32
    %dma_start3A_86 = arith.constant 0 : i32
    %dma_start3A_87 = tpu.memref_slice %arg2[%dma_start3A_85, %dma_start3A_86] : memref<1048576x32xf32, #tpu.memory_space<hbm>> -> memref<1048576x32xf32, #tpu.memory_space<hbm>>
    tpu.enqueue_indirect_dma source(%dma_start3A_87 : memref<1048576x32xf32, #tpu.memory_space<hbm>>) target(%dma_start3A_81 : memref<128x32xf32, #tpu.memory_space<vmem>>) offsets(%dma_start3A_84 : memref<128xi32, #tpu.memory_space<vmem>>) semaphore(%arg9 : memref<!tpu.dma_semaphore, #tpu.memory_space<semaphore_mem>>)
    %dma_start3A_88 = arith.constant 8 : i32
    %dma_start3A_89 = arith.constant 0 : i32
    %dma_start3A_90 = arith.constant 0 : i32
    %dma_start3A_91 = tpu.memref_slice %arg8[%dma_start3A_89, %dma_start3A_90] : memref<1024x32xf32, #tpu.memory_space<vmem>> -> memref<128x32xf32, #tpu.memory_space<vmem>>
    %dma_start3A_92 = arith.constant 0 : i32
    %dma_start3A_93 = tpu.memref_slice %arg6[%dma_start3A_88, %dma_start3A_92] : memref<40x128xi32, #tpu.memory_space<vmem>> -> memref<1x128xi32, #tpu.memory_space<vmem>>
    %dma_start3A_94 = tpu.memref_squeeze %dma_start3A_93 : memref<1x128xi32, #tpu.memory_space<vmem>> -> memref<128xi32, #tpu.memory_space<vmem>>
    %dma_start3A_95 = arith.constant 0 : i32
    %dma_start3A_96 = arith.constant 0 : i32
    %dma_start3A_97 = tpu.memref_slice %arg2[%dma_start3A_95, %dma_start3A_96] : memref<1048576x32xf32, #tpu.memory_space<hbm>> -> memref<1048576x32xf32, #tpu.memory_space<hbm>>
    tpu.enqueue_indirect_dma source(%dma_start3A_97 : memref<1048576x32xf32, #tpu.memory_space<hbm>>) target(%dma_start3A_91 : memref<128x32xf32, #tpu.memory_space<vmem>>) offsets(%dma_start3A_94 : memref<128xi32, #tpu.memory_space<vmem>>) semaphore(%arg10 : memref<!tpu.dma_semaphore, #tpu.memory_space<semaphore_mem>>)
    %dma_start3A_98 = arith.constant 9 : i32
    %dma_start3A_99 = arith.constant 128 : i32
    %dma_start3A_100 = arith.constant 0 : i32
    %dma_start3A_101 = tpu.memref_slice %arg8[%dma_start3A_99, %dma_start3A_100] : memref<1024x32xf32, #tpu.memory_space<vmem>> -> memref<128x32xf32, #tpu.memory_space<vmem>>
    %dma_start3A_102 = arith.constant 0 : i32
    %dma_start3A_103 = tpu.memref_slice %arg6[%dma_start3A_98, %dma_start3A_102] : memref<40x128xi32, #tpu.memory_space<vmem>> -> memref<1x128xi32, #tpu.memory_space<vmem>>
    %dma_start3A_104 = tpu.memref_squeeze %dma_start3A_103 : memref<1x128xi32, #tpu.memory_space<vmem>> -> memref<128xi32, #tpu.memory_space<vmem>>
    %dma_start3A_105 = arith.constant 0 : i32
    %dma_start3A_106 = arith.constant 0 : i32
    %dma_start3A_107 = tpu.memref_slice %arg2[%dma_start3A_105, %dma_start3A_106] : memref<1048576x32xf32, #tpu.memory_space<hbm>> -> memref<1048576x32xf32, #tpu.memory_space<hbm>>
    tpu.enqueue_indirect_dma source(%dma_start3A_107 : memref<1048576x32xf32, #tpu.memory_space<hbm>>) target(%dma_start3A_101 : memref<128x32xf32, #tpu.memory_space<vmem>>) offsets(%dma_start3A_104 : memref<128xi32, #tpu.memory_space<vmem>>) semaphore(%arg10 : memref<!tpu.dma_semaphore, #tpu.memory_space<semaphore_mem>>)
    %dma_start3A_108 = arith.constant 10 : i32
    %dma_start3A_109 = arith.constant 256 : i32
    %dma_start3A_110 = arith.constant 0 : i32
    %dma_start3A_111 = tpu.memref_slice %arg8[%dma_start3A_109, %dma_start3A_110] : memref<1024x32xf32, #tpu.memory_space<vmem>> -> memref<128x32xf32, #tpu.memory_space<vmem>>
    %dma_start3A_112 = arith.constant 0 : i32
    %dma_start3A_113 = tpu.memref_slice %arg6[%dma_start3A_108, %dma_start3A_112] : memref<40x128xi32, #tpu.memory_space<vmem>> -> memref<1x128xi32, #tpu.memory_space<vmem>>
    %dma_start3A_114 = tpu.memref_squeeze %dma_start3A_113 : memref<1x128xi32, #tpu.memory_space<vmem>> -> memref<128xi32, #tpu.memory_space<vmem>>
    %dma_start3A_115 = arith.constant 0 : i32
    %dma_start3A_116 = arith.constant 0 : i32
    %dma_start3A_117 = tpu.memref_slice %arg2[%dma_start3A_115, %dma_start3A_116] : memref<1048576x32xf32, #tpu.memory_space<hbm>> -> memref<1048576x32xf32, #tpu.memory_space<hbm>>
    tpu.enqueue_indirect_dma source(%dma_start3A_117 : memref<1048576x32xf32, #tpu.memory_space<hbm>>) target(%dma_start3A_111 : memref<128x32xf32, #tpu.memory_space<vmem>>) offsets(%dma_start3A_114 : memref<128xi32, #tpu.memory_space<vmem>>) semaphore(%arg10 : memref<!tpu.dma_semaphore, #tpu.memory_space<semaphore_mem>>)
    %dma_start3A_118 = arith.constant 11 : i32
    %dma_start3A_119 = arith.constant 384 : i32
    %dma_start3A_120 = arith.constant 0 : i32
    %dma_start3A_121 = tpu.memref_slice %arg8[%dma_start3A_119, %dma_start3A_120] : memref<1024x32xf32, #tpu.memory_space<vmem>> -> memref<128x32xf32, #tpu.memory_space<vmem>>
    %dma_start3A_122 = arith.constant 0 : i32
    %dma_start3A_123 = tpu.memref_slice %arg6[%dma_start3A_118, %dma_start3A_122] : memref<40x128xi32, #tpu.memory_space<vmem>> -> memref<1x128xi32, #tpu.memory_space<vmem>>
    %dma_start3A_124 = tpu.memref_squeeze %dma_start3A_123 : memref<1x128xi32, #tpu.memory_space<vmem>> -> memref<128xi32, #tpu.memory_space<vmem>>
    %dma_start3A_125 = arith.constant 0 : i32
    %dma_start3A_126 = arith.constant 0 : i32
    %dma_start3A_127 = tpu.memref_slice %arg2[%dma_start3A_125, %dma_start3A_126] : memref<1048576x32xf32, #tpu.memory_space<hbm>> -> memref<1048576x32xf32, #tpu.memory_space<hbm>>
    tpu.enqueue_indirect_dma source(%dma_start3A_127 : memref<1048576x32xf32, #tpu.memory_space<hbm>>) target(%dma_start3A_121 : memref<128x32xf32, #tpu.memory_space<vmem>>) offsets(%dma_start3A_124 : memref<128xi32, #tpu.memory_space<vmem>>) semaphore(%arg10 : memref<!tpu.dma_semaphore, #tpu.memory_space<semaphore_mem>>)
    %dma_start3A_128 = arith.constant 12 : i32
    %dma_start3A_129 = arith.constant 512 : i32
    %dma_start3A_130 = arith.constant 0 : i32
    %dma_start3A_131 = tpu.memref_slice %arg8[%dma_start3A_129, %dma_start3A_130] : memref<1024x32xf32, #tpu.memory_space<vmem>> -> memref<128x32xf32, #tpu.memory_space<vmem>>
    %dma_start3A_132 = arith.constant 0 : i32
    %dma_start3A_133 = tpu.memref_slice %arg6[%dma_start3A_128, %dma_start3A_132] : memref<40x128xi32, #tpu.memory_space<vmem>> -> memref<1x128xi32, #tpu.memory_space<vmem>>
    %dma_start3A_134 = tpu.memref_squeeze %dma_start3A_133 : memref<1x128xi32, #tpu.memory_space<vmem>> -> memref<128xi32, #tpu.memory_space<vmem>>
    %dma_start3A_135 = arith.constant 0 : i32
    %dma_start3A_136 = arith.constant 0 : i32
    %dma_start3A_137 = tpu.memref_slice %arg2[%dma_start3A_135, %dma_start3A_136] : memref<1048576x32xf32, #tpu.memory_space<hbm>> -> memref<1048576x32xf32, #tpu.memory_space<hbm>>
    tpu.enqueue_indirect_dma source(%dma_start3A_137 : memref<1048576x32xf32, #tpu.memory_space<hbm>>) target(%dma_start3A_131 : memref<128x32xf32, #tpu.memory_space<vmem>>) offsets(%dma_start3A_134 : memref<128xi32, #tpu.memory_space<vmem>>) semaphore(%arg10 : memref<!tpu.dma_semaphore, #tpu.memory_space<semaphore_mem>>)
    %dma_start3A_138 = arith.constant 13 : i32
    %dma_start3A_139 = arith.constant 640 : i32
    %dma_start3A_140 = arith.constant 0 : i32
    %dma_start3A_141 = tpu.memref_slice %arg8[%dma_start3A_139, %dma_start3A_140] : memref<1024x32xf32, #tpu.memory_space<vmem>> -> memref<128x32xf32, #tpu.memory_space<vmem>>
    %dma_start3A_142 = arith.constant 0 : i32
    %dma_start3A_143 = tpu.memref_slice %arg6[%dma_start3A_138, %dma_start3A_142] : memref<40x128xi32, #tpu.memory_space<vmem>> -> memref<1x128xi32, #tpu.memory_space<vmem>>
    %dma_start3A_144 = tpu.memref_squeeze %dma_start3A_143 : memref<1x128xi32, #tpu.memory_space<vmem>> -> memref<128xi32, #tpu.memory_space<vmem>>
    %dma_start3A_145 = arith.constant 0 : i32
    %dma_start3A_146 = arith.constant 0 : i32
    %dma_start3A_147 = tpu.memref_slice %arg2[%dma_start3A_145, %dma_start3A_146] : memref<1048576x32xf32, #tpu.memory_space<hbm>> -> memref<1048576x32xf32, #tpu.memory_space<hbm>>
    tpu.enqueue_indirect_dma source(%dma_start3A_147 : memref<1048576x32xf32, #tpu.memory_space<hbm>>) target(%dma_start3A_141 : memref<128x32xf32, #tpu.memory_space<vmem>>) offsets(%dma_start3A_144 : memref<128xi32, #tpu.memory_space<vmem>>) semaphore(%arg10 : memref<!tpu.dma_semaphore, #tpu.memory_space<semaphore_mem>>)
    %dma_start3A_148 = arith.constant 14 : i32
    %dma_start3A_149 = arith.constant 768 : i32
    %dma_start3A_150 = arith.constant 0 : i32
    %dma_start3A_151 = tpu.memref_slice %arg8[%dma_start3A_149, %dma_start3A_150] : memref<1024x32xf32, #tpu.memory_space<vmem>> -> memref<128x32xf32, #tpu.memory_space<vmem>>
    %dma_start3A_152 = arith.constant 0 : i32
    %dma_start3A_153 = tpu.memref_slice %arg6[%dma_start3A_148, %dma_start3A_152] : memref<40x128xi32, #tpu.memory_space<vmem>> -> memref<1x128xi32, #tpu.memory_space<vmem>>
    %dma_start3A_154 = tpu.memref_squeeze %dma_start3A_153 : memref<1x128xi32, #tpu.memory_space<vmem>> -> memref<128xi32, #tpu.memory_space<vmem>>
    %dma_start3A_155 = arith.constant 0 : i32
    %dma_start3A_156 = arith.constant 0 : i32
    %dma_start3A_157 = tpu.memref_slice %arg2[%dma_start3A_155, %dma_start3A_156] : memref<1048576x32xf32, #tpu.memory_space<hbm>> -> memref<1048576x32xf32, #tpu.memory_space<hbm>>
    tpu.enqueue_indirect_dma source(%dma_start3A_157 : memref<1048576x32xf32, #tpu.memory_space<hbm>>) target(%dma_start3A_151 : memref<128x32xf32, #tpu.memory_space<vmem>>) offsets(%dma_start3A_154 : memref<128xi32, #tpu.memory_space<vmem>>) semaphore(%arg10 : memref<!tpu.dma_semaphore, #tpu.memory_space<semaphore_mem>>)
    %dma_start3A_158 = arith.constant 15 : i32
    %dma_start3A_159 = arith.constant 896 : i32
    %dma_start3A_160 = arith.constant 0 : i32
    %dma_start3A_161 = tpu.memref_slice %arg8[%dma_start3A_159, %dma_start3A_160] : memref<1024x32xf32, #tpu.memory_space<vmem>> -> memref<128x32xf32, #tpu.memory_space<vmem>>
    %dma_start3A_162 = arith.constant 0 : i32
    %dma_start3A_163 = tpu.memref_slice %arg6[%dma_start3A_158, %dma_start3A_162] : memref<40x128xi32, #tpu.memory_space<vmem>> -> memref<1x128xi32, #tpu.memory_space<vmem>>
    %dma_start3A_164 = tpu.memref_squeeze %dma_start3A_163 : memref<1x128xi32, #tpu.memory_space<vmem>> -> memref<128xi32, #tpu.memory_space<vmem>>
    %dma_start3A_165 = arith.constant 0 : i32
    %dma_start3A_166 = arith.constant 0 : i32
    %dma_start3A_167 = tpu.memref_slice %arg2[%dma_start3A_165, %dma_start3A_166] : memref<1048576x32xf32, #tpu.memory_space<hbm>> -> memref<1048576x32xf32, #tpu.memory_space<hbm>>
    tpu.enqueue_indirect_dma source(%dma_start3A_167 : memref<1048576x32xf32, #tpu.memory_space<hbm>>) target(%dma_start3A_161 : memref<128x32xf32, #tpu.memory_space<vmem>>) offsets(%dma_start3A_164 : memref<128xi32, #tpu.memory_space<vmem>>) semaphore(%arg10 : memref<!tpu.dma_semaphore, #tpu.memory_space<semaphore_mem>>)
    %scan3A_168 = arith.constant 0 : i32
    %scan3A_169 = arith.constant 2 : i32
    %scan3A_170 = arith.addi %scan3A_168, %scan3A_169 : i32
    %scan3A_171 = arith.constant 1 : i32
    scf.for %scan3A_256 = %scan3A_168 to %scan3A_170 step %scan3A_171  : i32 {
      %mul3A_257 = arith.constant 2 : i32
      %mul3A_258 = arith.muli %scan3A_256, %mul3A_257 : i32
      %mul3A_259 = arith.constant 8 : i32
      %mul3A_260 = arith.muli %mul3A_258, %mul3A_259 : i32
      %add3A_261 = arith.constant 0 : i32
      %add3A_262 = arith.addi %mul3A_260, %add3A_261 : i32
      %mul3A_263 = arith.constant 8 : i32
      %mul3A_264 = arith.muli %mul3A_258, %mul3A_263 : i32
      %add3A_265 = arith.constant 1 : i32
      %add3A_266 = arith.addi %mul3A_264, %add3A_265 : i32
      %mul3A_267 = arith.constant 8 : i32
      %mul3A_268 = arith.muli %mul3A_258, %mul3A_267 : i32
      %add3A_269 = arith.constant 2 : i32
      %add3A_270 = arith.addi %mul3A_268, %add3A_269 : i32
      %mul3A_271 = arith.constant 8 : i32
      %mul3A_272 = arith.muli %mul3A_258, %mul3A_271 : i32
      %add3A_273 = arith.constant 3 : i32
      %add3A_274 = arith.addi %mul3A_272, %add3A_273 : i32
      %mul3A_275 = arith.constant 8 : i32
      %mul3A_276 = arith.muli %mul3A_258, %mul3A_275 : i32
      %add3A_277 = arith.constant 4 : i32
      %add3A_278 = arith.addi %mul3A_276, %add3A_277 : i32
      %mul3A_279 = arith.constant 8 : i32
      %mul3A_280 = arith.muli %mul3A_258, %mul3A_279 : i32
      %add3A_281 = arith.constant 5 : i32
      %add3A_282 = arith.addi %mul3A_280, %add3A_281 : i32
      %mul3A_283 = arith.constant 8 : i32
      %mul3A_284 = arith.muli %mul3A_258, %mul3A_283 : i32
      %add3A_285 = arith.constant 6 : i32
      %add3A_286 = arith.addi %mul3A_284, %add3A_285 : i32
      %mul3A_287 = arith.constant 8 : i32
      %mul3A_288 = arith.muli %mul3A_258, %mul3A_287 : i32
      %add3A_289 = arith.constant 7 : i32
      %add3A_290 = arith.addi %mul3A_288, %add3A_289 : i32
      %dma_wait3A_291 = arith.constant 0 : i32
      %dma_wait3A_292 = arith.constant 0 : i32
      %dma_wait3A_293 = tpu.memref_slice %arg7[%dma_wait3A_291, %dma_wait3A_292] : memref<1024x32xf32, #tpu.memory_space<vmem>> -> memref<128x32xf32, #tpu.memory_space<vmem>>
      %dma_wait3A_294 = arith.constant 0 : i32
      %dma_wait3A_295 = tpu.memref_slice %arg6[%add3A_262, %dma_wait3A_294] : memref<40x128xi32, #tpu.memory_space<vmem>> -> memref<1x128xi32, #tpu.memory_space<vmem>>
      %dma_wait3A_296 = tpu.memref_squeeze %dma_wait3A_295 : memref<1x128xi32, #tpu.memory_space<vmem>> -> memref<128xi32, #tpu.memory_space<vmem>>
      %dma_wait3A_297 = arith.constant 0 : i32
      %dma_wait3A_298 = arith.constant 0 : i32
      %dma_wait3A_299 = tpu.memref_slice %arg2[%dma_wait3A_297, %dma_wait3A_298] : memref<1048576x32xf32, #tpu.memory_space<hbm>> -> memref<1048576x32xf32, #tpu.memory_space<hbm>>
      tpu.wait_indirect_dma semaphore(%arg9 : memref<!tpu.dma_semaphore, #tpu.memory_space<semaphore_mem>>) src(%dma_wait3A_299 : memref<1048576x32xf32, #tpu.memory_space<hbm>>) dst(%dma_wait3A_293 : memref<128x32xf32, #tpu.memory_space<vmem>>)
      %dma_wait3A_300 = arith.constant 128 : i32
      %dma_wait3A_301 = arith.constant 0 : i32
      %dma_wait3A_302 = tpu.memref_slice %arg7[%dma_wait3A_300, %dma_wait3A_301] : memref<1024x32xf32, #tpu.memory_space<vmem>> -> memref<128x32xf32, #tpu.memory_space<vmem>>
      %dma_wait3A_303 = arith.constant 0 : i32
      %dma_wait3A_304 = tpu.memref_slice %arg6[%add3A_266, %dma_wait3A_303] : memref<40x128xi32, #tpu.memory_space<vmem>> -> memref<1x128xi32, #tpu.memory_space<vmem>>
      %dma_wait3A_305 = tpu.memref_squeeze %dma_wait3A_304 : memref<1x128xi32, #tpu.memory_space<vmem>> -> memref<128xi32, #tpu.memory_space<vmem>>
      %dma_wait3A_306 = arith.constant 0 : i32
      %dma_wait3A_307 = arith.constant 0 : i32
      %dma_wait3A_308 = tpu.memref_slice %arg2[%dma_wait3A_306, %dma_wait3A_307] : memref<1048576x32xf32, #tpu.memory_space<hbm>> -> memref<1048576x32xf32, #tpu.memory_space<hbm>>
      tpu.wait_indirect_dma semaphore(%arg9 : memref<!tpu.dma_semaphore, #tpu.memory_space<semaphore_mem>>) src(%dma_wait3A_308 : memref<1048576x32xf32, #tpu.memory_space<hbm>>) dst(%dma_wait3A_302 : memref<128x32xf32, #tpu.memory_space<vmem>>)
      %dma_wait3A_309 = arith.constant 256 : i32
      %dma_wait3A_310 = arith.constant 0 : i32
      %dma_wait3A_311 = tpu.memref_slice %arg7[%dma_wait3A_309, %dma_wait3A_310] : memref<1024x32xf32, #tpu.memory_space<vmem>> -> memref<128x32xf32, #tpu.memory_space<vmem>>
      %dma_wait3A_312 = arith.constant 0 : i32
      %dma_wait3A_313 = tpu.memref_slice %arg6[%add3A_270, %dma_wait3A_312] : memref<40x128xi32, #tpu.memory_space<vmem>> -> memref<1x128xi32, #tpu.memory_space<vmem>>
      %dma_wait3A_314 = tpu.memref_squeeze %dma_wait3A_313 : memref<1x128xi32, #tpu.memory_space<vmem>> -> memref<128xi32, #tpu.memory_space<vmem>>
      %dma_wait3A_315 = arith.constant 0 : i32
      %dma_wait3A_316 = arith.constant 0 : i32
      %dma_wait3A_317 = tpu.memref_slice %arg2[%dma_wait3A_315, %dma_wait3A_316] : memref<1048576x32xf32, #tpu.memory_space<hbm>> -> memref<1048576x32xf32, #tpu.memory_space<hbm>>
      tpu.wait_indirect_dma semaphore(%arg9 : memref<!tpu.dma_semaphore, #tpu.memory_space<semaphore_mem>>) src(%dma_wait3A_317 : memref<1048576x32xf32, #tpu.memory_space<hbm>>) dst(%dma_wait3A_311 : memref<128x32xf32, #tpu.memory_space<vmem>>)
      %dma_wait3A_318 = arith.constant 384 : i32
      %dma_wait3A_319 = arith.constant 0 : i32
      %dma_wait3A_320 = tpu.memref_slice %arg7[%dma_wait3A_318, %dma_wait3A_319] : memref<1024x32xf32, #tpu.memory_space<vmem>> -> memref<128x32xf32, #tpu.memory_space<vmem>>
      %dma_wait3A_321 = arith.constant 0 : i32
      %dma_wait3A_322 = tpu.memref_slice %arg6[%add3A_274, %dma_wait3A_321] : memref<40x128xi32, #tpu.memory_space<vmem>> -> memref<1x128xi32, #tpu.memory_space<vmem>>
      %dma_wait3A_323 = tpu.memref_squeeze %dma_wait3A_322 : memref<1x128xi32, #tpu.memory_space<vmem>> -> memref<128xi32, #tpu.memory_space<vmem>>
      %dma_wait3A_324 = arith.constant 0 : i32
      %dma_wait3A_325 = arith.constant 0 : i32
      %dma_wait3A_326 = tpu.memref_slice %arg2[%dma_wait3A_324, %dma_wait3A_325] : memref<1048576x32xf32, #tpu.memory_space<hbm>> -> memref<1048576x32xf32, #tpu.memory_space<hbm>>
      tpu.wait_indirect_dma semaphore(%arg9 : memref<!tpu.dma_semaphore, #tpu.memory_space<semaphore_mem>>) src(%dma_wait3A_326 : memref<1048576x32xf32, #tpu.memory_space<hbm>>) dst(%dma_wait3A_320 : memref<128x32xf32, #tpu.memory_space<vmem>>)
      %dma_wait3A_327 = arith.constant 512 : i32
      %dma_wait3A_328 = arith.constant 0 : i32
      %dma_wait3A_329 = tpu.memref_slice %arg7[%dma_wait3A_327, %dma_wait3A_328] : memref<1024x32xf32, #tpu.memory_space<vmem>> -> memref<128x32xf32, #tpu.memory_space<vmem>>
      %dma_wait3A_330 = arith.constant 0 : i32
      %dma_wait3A_331 = tpu.memref_slice %arg6[%add3A_278, %dma_wait3A_330] : memref<40x128xi32, #tpu.memory_space<vmem>> -> memref<1x128xi32, #tpu.memory_space<vmem>>
      %dma_wait3A_332 = tpu.memref_squeeze %dma_wait3A_331 : memref<1x128xi32, #tpu.memory_space<vmem>> -> memref<128xi32, #tpu.memory_space<vmem>>
      %dma_wait3A_333 = arith.constant 0 : i32
      %dma_wait3A_334 = arith.constant 0 : i32
      %dma_wait3A_335 = tpu.memref_slice %arg2[%dma_wait3A_333, %dma_wait3A_334] : memref<1048576x32xf32, #tpu.memory_space<hbm>> -> memref<1048576x32xf32, #tpu.memory_space<hbm>>
      tpu.wait_indirect_dma semaphore(%arg9 : memref<!tpu.dma_semaphore, #tpu.memory_space<semaphore_mem>>) src(%dma_wait3A_335 : memref<1048576x32xf32, #tpu.memory_space<hbm>>) dst(%dma_wait3A_329 : memref<128x32xf32, #tpu.memory_space<vmem>>)
      %dma_wait3A_336 = arith.constant 640 : i32
      %dma_wait3A_337 = arith.constant 0 : i32
      %dma_wait3A_338 = tpu.memref_slice %arg7[%dma_wait3A_336, %dma_wait3A_337] : memref<1024x32xf32, #tpu.memory_space<vmem>> -> memref<128x32xf32, #tpu.memory_space<vmem>>
      %dma_wait3A_339 = arith.constant 0 : i32
      %dma_wait3A_340 = tpu.memref_slice %arg6[%add3A_282, %dma_wait3A_339] : memref<40x128xi32, #tpu.memory_space<vmem>> -> memref<1x128xi32, #tpu.memory_space<vmem>>
      %dma_wait3A_341 = tpu.memref_squeeze %dma_wait3A_340 : memref<1x128xi32, #tpu.memory_space<vmem>> -> memref<128xi32, #tpu.memory_space<vmem>>
      %dma_wait3A_342 = arith.constant 0 : i32
      %dma_wait3A_343 = arith.constant 0 : i32
      %dma_wait3A_344 = tpu.memref_slice %arg2[%dma_wait3A_342, %dma_wait3A_343] : memref<1048576x32xf32, #tpu.memory_space<hbm>> -> memref<1048576x32xf32, #tpu.memory_space<hbm>>
      tpu.wait_indirect_dma semaphore(%arg9 : memref<!tpu.dma_semaphore, #tpu.memory_space<semaphore_mem>>) src(%dma_wait3A_344 : memref<1048576x32xf32, #tpu.memory_space<hbm>>) dst(%dma_wait3A_338 : memref<128x32xf32, #tpu.memory_space<vmem>>)
      %dma_wait3A_345 = arith.constant 768 : i32
      %dma_wait3A_346 = arith.constant 0 : i32
      %dma_wait3A_347 = tpu.memref_slice %arg7[%dma_wait3A_345, %dma_wait3A_346] : memref<1024x32xf32, #tpu.memory_space<vmem>> -> memref<128x32xf32, #tpu.memory_space<vmem>>
      %dma_wait3A_348 = arith.constant 0 : i32
      %dma_wait3A_349 = tpu.memref_slice %arg6[%add3A_286, %dma_wait3A_348] : memref<40x128xi32, #tpu.memory_space<vmem>> -> memref<1x128xi32, #tpu.memory_space<vmem>>
      %dma_wait3A_350 = tpu.memref_squeeze %dma_wait3A_349 : memref<1x128xi32, #tpu.memory_space<vmem>> -> memref<128xi32, #tpu.memory_space<vmem>>
      %dma_wait3A_351 = arith.constant 0 : i32
      %dma_wait3A_352 = arith.constant 0 : i32
      %dma_wait3A_353 = tpu.memref_slice %arg2[%dma_wait3A_351, %dma_wait3A_352] : memref<1048576x32xf32, #tpu.memory_space<hbm>> -> memref<1048576x32xf32, #tpu.memory_space<hbm>>
      tpu.wait_indirect_dma semaphore(%arg9 : memref<!tpu.dma_semaphore, #tpu.memory_space<semaphore_mem>>) src(%dma_wait3A_353 : memref<1048576x32xf32, #tpu.memory_space<hbm>>) dst(%dma_wait3A_347 : memref<128x32xf32, #tpu.memory_space<vmem>>)
      %dma_wait3A_354 = arith.constant 896 : i32
      %dma_wait3A_355 = arith.constant 0 : i32
      %dma_wait3A_356 = tpu.memref_slice %arg7[%dma_wait3A_354, %dma_wait3A_355] : memref<1024x32xf32, #tpu.memory_space<vmem>> -> memref<128x32xf32, #tpu.memory_space<vmem>>
      %dma_wait3A_357 = arith.constant 0 : i32
      %dma_wait3A_358 = tpu.memref_slice %arg6[%add3A_290, %dma_wait3A_357] : memref<40x128xi32, #tpu.memory_space<vmem>> -> memref<1x128xi32, #tpu.memory_space<vmem>>
      %dma_wait3A_359 = tpu.memref_squeeze %dma_wait3A_358 : memref<1x128xi32, #tpu.memory_space<vmem>> -> memref<128xi32, #tpu.memory_space<vmem>>
      %dma_wait3A_360 = arith.constant 0 : i32
      %dma_wait3A_361 = arith.constant 0 : i32
      %dma_wait3A_362 = tpu.memref_slice %arg2[%dma_wait3A_360, %dma_wait3A_361] : memref<1048576x32xf32, #tpu.memory_space<hbm>> -> memref<1048576x32xf32, #tpu.memory_space<hbm>>
      tpu.wait_indirect_dma semaphore(%arg9 : memref<!tpu.dma_semaphore, #tpu.memory_space<semaphore_mem>>) src(%dma_wait3A_362 : memref<1048576x32xf32, #tpu.memory_space<hbm>>) dst(%dma_wait3A_356 : memref<128x32xf32, #tpu.memory_space<vmem>>)
      %mul3A_363 = arith.constant 32768 : i32
      %mul3A_364 = arith.muli %mul3A_258, %mul3A_363 : i32
      %mul3A_365 = arith.constant 1024 : i32
      %mul3A_366 = arith.muli %add3A, %mul3A_365 : i32
      %add3A_367 = arith.addi %mul3A_364, %mul3A_366 : i32
      "tpu.region"() ({
        %run_scoped3A = tpu.sem_alloc : memref<!tpu.dma_semaphore, #tpu.memory_space<semaphore_mem>>
        %dma_start3A_587 = arith.constant 0 : i32
        %dma_start3A_588 = tpu.memref_slice %arg4[%add3A_367, %dma_start3A_587] : memref<163840x32xf32, #tpu.memory_space<hbm>> -> memref<1024x32xf32, #tpu.memory_space<hbm>>
        %dma_start3A_589 = arith.constant 0 : i32
        %dma_start3A_590 = tpu.memref_slice %arg4[%add3A_367, %dma_start3A_589] : memref<163840x32xf32, #tpu.memory_space<hbm>> -> memref<1024x32xf32, #tpu.memory_space<hbm>>
        tpu.enqueue_dma source(%arg7 : memref<1024x32xf32, #tpu.memory_space<vmem>>) target(%dma_start3A_590 : memref<1024x32xf32, #tpu.memory_space<hbm>>) target_semaphore(%run_scoped3A : memref<!tpu.dma_semaphore, #tpu.memory_space<semaphore_mem>>)
        %dma_wait3A_591 = arith.constant 0 : i32
        %dma_wait3A_592 = tpu.memref_slice %arg4[%add3A_367, %dma_wait3A_591] : memref<163840x32xf32, #tpu.memory_space<hbm>> -> memref<1024x32xf32, #tpu.memory_space<hbm>>
        %dma_wait3A_593 = arith.constant 0 : i32
        %dma_wait3A_594 = tpu.memref_slice %arg4[%add3A_367, %dma_wait3A_593] : memref<163840x32xf32, #tpu.memory_space<hbm>> -> memref<1024x32xf32, #tpu.memory_space<hbm>>
        tpu.wait_dma2 semaphore(%run_scoped3A : memref<!tpu.dma_semaphore, #tpu.memory_space<semaphore_mem>>) src(%arg7 : memref<1024x32xf32, #tpu.memory_space<vmem>>) dst(%dma_wait3A_594 : memref<1024x32xf32, #tpu.memory_space<hbm>>)
        tpu.yield
      }) : () -> ()
      %add3A_368 = arith.constant 2 : i32
      %add3A_369 = arith.addi %mul3A_258, %add3A_368 : i32
      %mul3A_370 = arith.constant 8 : i32
      %mul3A_371 = arith.muli %add3A_369, %mul3A_370 : i32
      %add3A_372 = arith.constant 0 : i32
      %add3A_373 = arith.addi %mul3A_371, %add3A_372 : i32
      %mul3A_374 = arith.constant 8 : i32
      %mul3A_375 = arith.muli %add3A_369, %mul3A_374 : i32
      %add3A_376 = arith.constant 1 : i32
      %add3A_377 = arith.addi %mul3A_375, %add3A_376 : i32
      %mul3A_378 = arith.constant 8 : i32
      %mul3A_379 = arith.muli %add3A_369, %mul3A_378 : i32
      %add3A_380 = arith.constant 2 : i32
      %add3A_381 = arith.addi %mul3A_379, %add3A_380 : i32
      %mul3A_382 = arith.constant 8 : i32
      %mul3A_383 = arith.muli %add3A_369, %mul3A_382 : i32
      %add3A_384 = arith.constant 3 : i32
      %add3A_385 = arith.addi %mul3A_383, %add3A_384 : i32
      %mul3A_386 = arith.constant 8 : i32
      %mul3A_387 = arith.muli %add3A_369, %mul3A_386 : i32
      %add3A_388 = arith.constant 4 : i32
      %add3A_389 = arith.addi %mul3A_387, %add3A_388 : i32
      %mul3A_390 = arith.constant 8 : i32
      %mul3A_391 = arith.muli %add3A_369, %mul3A_390 : i32
      %add3A_392 = arith.constant 5 : i32
      %add3A_393 = arith.addi %mul3A_391, %add3A_392 : i32
      %mul3A_394 = arith.constant 8 : i32
      %mul3A_395 = arith.muli %add3A_369, %mul3A_394 : i32
      %add3A_396 = arith.constant 6 : i32
      %add3A_397 = arith.addi %mul3A_395, %add3A_396 : i32
      %mul3A_398 = arith.constant 8 : i32
      %mul3A_399 = arith.muli %add3A_369, %mul3A_398 : i32
      %add3A_400 = arith.constant 7 : i32
      %add3A_401 = arith.addi %mul3A_399, %add3A_400 : i32
      %dma_start3A_402 = arith.constant 0 : i32
      %dma_start3A_403 = arith.constant 0 : i32
      %dma_start3A_404 = tpu.memref_slice %arg7[%dma_start3A_402, %dma_start3A_403] : memref<1024x32xf32, #tpu.memory_space<vmem>> -> memref<128x32xf32, #tpu.memory_space<vmem>>
      %dma_start3A_405 = arith.constant 0 : i32
      %dma_start3A_406 = tpu.memref_slice %arg6[%add3A_373, %dma_start3A_405] : memref<40x128xi32, #tpu.memory_space<vmem>> -> memref<1x128xi32, #tpu.memory_space<vmem>>
      %dma_start3A_407 = tpu.memref_squeeze %dma_start3A_406 : memref<1x128xi32, #tpu.memory_space<vmem>> -> memref<128xi32, #tpu.memory_space<vmem>>
      %dma_start3A_408 = arith.constant 0 : i32
      %dma_start3A_409 = arith.constant 0 : i32
      %dma_start3A_410 = tpu.memref_slice %arg2[%dma_start3A_408, %dma_start3A_409] : memref<1048576x32xf32, #tpu.memory_space<hbm>> -> memref<1048576x32xf32, #tpu.memory_space<hbm>>
      tpu.enqueue_indirect_dma source(%dma_start3A_410 : memref<1048576x32xf32, #tpu.memory_space<hbm>>) target(%dma_start3A_404 : memref<128x32xf32, #tpu.memory_space<vmem>>) offsets(%dma_start3A_407 : memref<128xi32, #tpu.memory_space<vmem>>) semaphore(%arg9 : memref<!tpu.dma_semaphore, #tpu.memory_space<semaphore_mem>>)
      %dma_start3A_411 = arith.constant 128 : i32
      %dma_start3A_412 = arith.constant 0 : i32
      %dma_start3A_413 = tpu.memref_slice %arg7[%dma_start3A_411, %dma_start3A_412] : memref<1024x32xf32, #tpu.memory_space<vmem>> -> memref<128x32xf32, #tpu.memory_space<vmem>>
      %dma_start3A_414 = arith.constant 0 : i32
      %dma_start3A_415 = tpu.memref_slice %arg6[%add3A_377, %dma_start3A_414] : memref<40x128xi32, #tpu.memory_space<vmem>> -> memref<1x128xi32, #tpu.memory_space<vmem>>
      %dma_start3A_416 = tpu.memref_squeeze %dma_start3A_415 : memref<1x128xi32, #tpu.memory_space<vmem>> -> memref<128xi32, #tpu.memory_space<vmem>>
      %dma_start3A_417 = arith.constant 0 : i32
      %dma_start3A_418 = arith.constant 0 : i32
      %dma_start3A_419 = tpu.memref_slice %arg2[%dma_start3A_417, %dma_start3A_418] : memref<1048576x32xf32, #tpu.memory_space<hbm>> -> memref<1048576x32xf32, #tpu.memory_space<hbm>>
      tpu.enqueue_indirect_dma source(%dma_start3A_419 : memref<1048576x32xf32, #tpu.memory_space<hbm>>) target(%dma_start3A_413 : memref<128x32xf32, #tpu.memory_space<vmem>>) offsets(%dma_start3A_416 : memref<128xi32, #tpu.memory_space<vmem>>) semaphore(%arg9 : memref<!tpu.dma_semaphore, #tpu.memory_space<semaphore_mem>>)
      %dma_start3A_420 = arith.constant 256 : i32
      %dma_start3A_421 = arith.constant 0 : i32
      %dma_start3A_422 = tpu.memref_slice %arg7[%dma_start3A_420, %dma_start3A_421] : memref<1024x32xf32, #tpu.memory_space<vmem>> -> memref<128x32xf32, #tpu.memory_space<vmem>>
      %dma_start3A_423 = arith.constant 0 : i32
      %dma_start3A_424 = tpu.memref_slice %arg6[%add3A_381, %dma_start3A_423] : memref<40x128xi32, #tpu.memory_space<vmem>> -> memref<1x128xi32, #tpu.memory_space<vmem>>
      %dma_start3A_425 = tpu.memref_squeeze %dma_start3A_424 : memref<1x128xi32, #tpu.memory_space<vmem>> -> memref<128xi32, #tpu.memory_space<vmem>>
      %dma_start3A_426 = arith.constant 0 : i32
      %dma_start3A_427 = arith.constant 0 : i32
      %dma_start3A_428 = tpu.memref_slice %arg2[%dma_start3A_426, %dma_start3A_427] : memref<1048576x32xf32, #tpu.memory_space<hbm>> -> memref<1048576x32xf32, #tpu.memory_space<hbm>>
      tpu.enqueue_indirect_dma source(%dma_start3A_428 : memref<1048576x32xf32, #tpu.memory_space<hbm>>) target(%dma_start3A_422 : memref<128x32xf32, #tpu.memory_space<vmem>>) offsets(%dma_start3A_425 : memref<128xi32, #tpu.memory_space<vmem>>) semaphore(%arg9 : memref<!tpu.dma_semaphore, #tpu.memory_space<semaphore_mem>>)
      %dma_start3A_429 = arith.constant 384 : i32
      %dma_start3A_430 = arith.constant 0 : i32
      %dma_start3A_431 = tpu.memref_slice %arg7[%dma_start3A_429, %dma_start3A_430] : memref<1024x32xf32, #tpu.memory_space<vmem>> -> memref<128x32xf32, #tpu.memory_space<vmem>>
      %dma_start3A_432 = arith.constant 0 : i32
      %dma_start3A_433 = tpu.memref_slice %arg6[%add3A_385, %dma_start3A_432] : memref<40x128xi32, #tpu.memory_space<vmem>> -> memref<1x128xi32, #tpu.memory_space<vmem>>
      %dma_start3A_434 = tpu.memref_squeeze %dma_start3A_433 : memref<1x128xi32, #tpu.memory_space<vmem>> -> memref<128xi32, #tpu.memory_space<vmem>>
      %dma_start3A_435 = arith.constant 0 : i32
      %dma_start3A_436 = arith.constant 0 : i32
      %dma_start3A_437 = tpu.memref_slice %arg2[%dma_start3A_435, %dma_start3A_436] : memref<1048576x32xf32, #tpu.memory_space<hbm>> -> memref<1048576x32xf32, #tpu.memory_space<hbm>>
      tpu.enqueue_indirect_dma source(%dma_start3A_437 : memref<1048576x32xf32, #tpu.memory_space<hbm>>) target(%dma_start3A_431 : memref<128x32xf32, #tpu.memory_space<vmem>>) offsets(%dma_start3A_434 : memref<128xi32, #tpu.memory_space<vmem>>) semaphore(%arg9 : memref<!tpu.dma_semaphore, #tpu.memory_space<semaphore_mem>>)
      %dma_start3A_438 = arith.constant 512 : i32
      %dma_start3A_439 = arith.constant 0 : i32
      %dma_start3A_440 = tpu.memref_slice %arg7[%dma_start3A_438, %dma_start3A_439] : memref<1024x32xf32, #tpu.memory_space<vmem>> -> memref<128x32xf32, #tpu.memory_space<vmem>>
      %dma_start3A_441 = arith.constant 0 : i32
      %dma_start3A_442 = tpu.memref_slice %arg6[%add3A_389, %dma_start3A_441] : memref<40x128xi32, #tpu.memory_space<vmem>> -> memref<1x128xi32, #tpu.memory_space<vmem>>
      %dma_start3A_443 = tpu.memref_squeeze %dma_start3A_442 : memref<1x128xi32, #tpu.memory_space<vmem>> -> memref<128xi32, #tpu.memory_space<vmem>>
      %dma_start3A_444 = arith.constant 0 : i32
      %dma_start3A_445 = arith.constant 0 : i32
      %dma_start3A_446 = tpu.memref_slice %arg2[%dma_start3A_444, %dma_start3A_445] : memref<1048576x32xf32, #tpu.memory_space<hbm>> -> memref<1048576x32xf32, #tpu.memory_space<hbm>>
      tpu.enqueue_indirect_dma source(%dma_start3A_446 : memref<1048576x32xf32, #tpu.memory_space<hbm>>) target(%dma_start3A_440 : memref<128x32xf32, #tpu.memory_space<vmem>>) offsets(%dma_start3A_443 : memref<128xi32, #tpu.memory_space<vmem>>) semaphore(%arg9 : memref<!tpu.dma_semaphore, #tpu.memory_space<semaphore_mem>>)
      %dma_start3A_447 = arith.constant 640 : i32
      %dma_start3A_448 = arith.constant 0 : i32
      %dma_start3A_449 = tpu.memref_slice %arg7[%dma_start3A_447, %dma_start3A_448] : memref<1024x32xf32, #tpu.memory_space<vmem>> -> memref<128x32xf32, #tpu.memory_space<vmem>>
      %dma_start3A_450 = arith.constant 0 : i32
      %dma_start3A_451 = tpu.memref_slice %arg6[%add3A_393, %dma_start3A_450] : memref<40x128xi32, #tpu.memory_space<vmem>> -> memref<1x128xi32, #tpu.memory_space<vmem>>
      %dma_start3A_452 = tpu.memref_squeeze %dma_start3A_451 : memref<1x128xi32, #tpu.memory_space<vmem>> -> memref<128xi32, #tpu.memory_space<vmem>>
      %dma_start3A_453 = arith.constant 0 : i32
      %dma_start3A_454 = arith.constant 0 : i32
      %dma_start3A_455 = tpu.memref_slice %arg2[%dma_start3A_453, %dma_start3A_454] : memref<1048576x32xf32, #tpu.memory_space<hbm>> -> memref<1048576x32xf32, #tpu.memory_space<hbm>>
      tpu.enqueue_indirect_dma source(%dma_start3A_455 : memref<1048576x32xf32, #tpu.memory_space<hbm>>) target(%dma_start3A_449 : memref<128x32xf32, #tpu.memory_space<vmem>>) offsets(%dma_start3A_452 : memref<128xi32, #tpu.memory_space<vmem>>) semaphore(%arg9 : memref<!tpu.dma_semaphore, #tpu.memory_space<semaphore_mem>>)
      %dma_start3A_456 = arith.constant 768 : i32
      %dma_start3A_457 = arith.constant 0 : i32
      %dma_start3A_458 = tpu.memref_slice %arg7[%dma_start3A_456, %dma_start3A_457] : memref<1024x32xf32, #tpu.memory_space<vmem>> -> memref<128x32xf32, #tpu.memory_space<vmem>>
      %dma_start3A_459 = arith.constant 0 : i32
      %dma_start3A_460 = tpu.memref_slice %arg6[%add3A_397, %dma_start3A_459] : memref<40x128xi32, #tpu.memory_space<vmem>> -> memref<1x128xi32, #tpu.memory_space<vmem>>
      %dma_start3A_461 = tpu.memref_squeeze %dma_start3A_460 : memref<1x128xi32, #tpu.memory_space<vmem>> -> memref<128xi32, #tpu.memory_space<vmem>>
      %dma_start3A_462 = arith.constant 0 : i32
      %dma_start3A_463 = arith.constant 0 : i32
      %dma_start3A_464 = tpu.memref_slice %arg2[%dma_start3A_462, %dma_start3A_463] : memref<1048576x32xf32, #tpu.memory_space<hbm>> -> memref<1048576x32xf32, #tpu.memory_space<hbm>>
      tpu.enqueue_indirect_dma source(%dma_start3A_464 : memref<1048576x32xf32, #tpu.memory_space<hbm>>) target(%dma_start3A_458 : memref<128x32xf32, #tpu.memory_space<vmem>>) offsets(%dma_start3A_461 : memref<128xi32, #tpu.memory_space<vmem>>) semaphore(%arg9 : memref<!tpu.dma_semaphore, #tpu.memory_space<semaphore_mem>>)
      %dma_start3A_465 = arith.constant 896 : i32
      %dma_start3A_466 = arith.constant 0 : i32
      %dma_start3A_467 = tpu.memref_slice %arg7[%dma_start3A_465, %dma_start3A_466] : memref<1024x32xf32, #tpu.memory_space<vmem>> -> memref<128x32xf32, #tpu.memory_space<vmem>>
      %dma_start3A_468 = arith.constant 0 : i32
      %dma_start3A_469 = tpu.memref_slice %arg6[%add3A_401, %dma_start3A_468] : memref<40x128xi32, #tpu.memory_space<vmem>> -> memref<1x128xi32, #tpu.memory_space<vmem>>
      %dma_start3A_470 = tpu.memref_squeeze %dma_start3A_469 : memref<1x128xi32, #tpu.memory_space<vmem>> -> memref<128xi32, #tpu.memory_space<vmem>>
      %dma_start3A_471 = arith.constant 0 : i32
      %dma_start3A_472 = arith.constant 0 : i32
      %dma_start3A_473 = tpu.memref_slice %arg2[%dma_start3A_471, %dma_start3A_472] : memref<1048576x32xf32, #tpu.memory_space<hbm>> -> memref<1048576x32xf32, #tpu.memory_space<hbm>>
      tpu.enqueue_indirect_dma source(%dma_start3A_473 : memref<1048576x32xf32, #tpu.memory_space<hbm>>) target(%dma_start3A_467 : memref<128x32xf32, #tpu.memory_space<vmem>>) offsets(%dma_start3A_470 : memref<128xi32, #tpu.memory_space<vmem>>) semaphore(%arg9 : memref<!tpu.dma_semaphore, #tpu.memory_space<semaphore_mem>>)
      %add3A_474 = arith.constant 1 : i32
      %add3A_475 = arith.addi %mul3A_258, %add3A_474 : i32
      %mul3A_476 = arith.constant 8 : i32
      %mul3A_477 = arith.muli %add3A_475, %mul3A_476 : i32
      %add3A_478 = arith.constant 0 : i32
      %add3A_479 = arith.addi %mul3A_477, %add3A_478 : i32
      %mul3A_480 = arith.constant 8 : i32
      %mul3A_481 = arith.muli %add3A_475, %mul3A_480 : i32
      %add3A_482 = arith.constant 1 : i32
      %add3A_483 = arith.addi %mul3A_481, %add3A_482 : i32
      %mul3A_484 = arith.constant 8 : i32
      %mul3A_485 = arith.muli %add3A_475, %mul3A_484 : i32
      %add3A_486 = arith.constant 2 : i32
      %add3A_487 = arith.addi %mul3A_485, %add3A_486 : i32
      %mul3A_488 = arith.constant 8 : i32
      %mul3A_489 = arith.muli %add3A_475, %mul3A_488 : i32
      %add3A_490 = arith.constant 3 : i32
      %add3A_491 = arith.addi %mul3A_489, %add3A_490 : i32
      %mul3A_492 = arith.constant 8 : i32
      %mul3A_493 = arith.muli %add3A_475, %mul3A_492 : i32
      %add3A_494 = arith.constant 4 : i32
      %add3A_495 = arith.addi %mul3A_493, %add3A_494 : i32
      %mul3A_496 = arith.constant 8 : i32
      %mul3A_497 = arith.muli %add3A_475, %mul3A_496 : i32
      %add3A_498 = arith.constant 5 : i32
      %add3A_499 = arith.addi %mul3A_497, %add3A_498 : i32
      %mul3A_500 = arith.constant 8 : i32
      %mul3A_501 = arith.muli %add3A_475, %mul3A_500 : i32
      %add3A_502 = arith.constant 6 : i32
      %add3A_503 = arith.addi %mul3A_501, %add3A_502 : i32
      %mul3A_504 = arith.constant 8 : i32
      %mul3A_505 = arith.muli %add3A_475, %mul3A_504 : i32
      %add3A_506 = arith.constant 7 : i32
      %add3A_507 = arith.addi %mul3A_505, %add3A_506 : i32
      %dma_wait3A_508 = arith.constant 0 : i32
      %dma_wait3A_509 = arith.constant 0 : i32
      %dma_wait3A_510 = tpu.memref_slice %arg8[%dma_wait3A_508, %dma_wait3A_509] : memref<1024x32xf32, #tpu.memory_space<vmem>> -> memref<128x32xf32, #tpu.memory_space<vmem>>
      %dma_wait3A_511 = arith.constant 0 : i32
      %dma_wait3A_512 = tpu.memref_slice %arg6[%add3A_479, %dma_wait3A_511] : memref<40x128xi32, #tpu.memory_space<vmem>> -> memref<1x128xi32, #tpu.memory_space<vmem>>
      %dma_wait3A_513 = tpu.memref_squeeze %dma_wait3A_512 : memref<1x128xi32, #tpu.memory_space<vmem>> -> memref<128xi32, #tpu.memory_space<vmem>>
      %dma_wait3A_514 = arith.constant 0 : i32
      %dma_wait3A_515 = arith.constant 0 : i32
      %dma_wait3A_516 = tpu.memref_slice %arg2[%dma_wait3A_514, %dma_wait3A_515] : memref<1048576x32xf32, #tpu.memory_space<hbm>> -> memref<1048576x32xf32, #tpu.memory_space<hbm>>
      tpu.wait_indirect_dma semaphore(%arg10 : memref<!tpu.dma_semaphore, #tpu.memory_space<semaphore_mem>>) src(%dma_wait3A_516 : memref<1048576x32xf32, #tpu.memory_space<hbm>>) dst(%dma_wait3A_510 : memref<128x32xf32, #tpu.memory_space<vmem>>)
      %dma_wait3A_517 = arith.constant 128 : i32
      %dma_wait3A_518 = arith.constant 0 : i32
      %dma_wait3A_519 = tpu.memref_slice %arg8[%dma_wait3A_517, %dma_wait3A_518] : memref<1024x32xf32, #tpu.memory_space<vmem>> -> memref<128x32xf32, #tpu.memory_space<vmem>>
      %dma_wait3A_520 = arith.constant 0 : i32
      %dma_wait3A_521 = tpu.memref_slice %arg6[%add3A_483, %dma_wait3A_520] : memref<40x128xi32, #tpu.memory_space<vmem>> -> memref<1x128xi32, #tpu.memory_space<vmem>>
      %dma_wait3A_522 = tpu.memref_squeeze %dma_wait3A_521 : memref<1x128xi32, #tpu.memory_space<vmem>> -> memref<128xi32, #tpu.memory_space<vmem>>
      %dma_wait3A_523 = arith.constant 0 : i32
      %dma_wait3A_524 = arith.constant 0 : i32
      %dma_wait3A_525 = tpu.memref_slice %arg2[%dma_wait3A_523, %dma_wait3A_524] : memref<1048576x32xf32, #tpu.memory_space<hbm>> -> memref<1048576x32xf32, #tpu.memory_space<hbm>>
      tpu.wait_indirect_dma semaphore(%arg10 : memref<!tpu.dma_semaphore, #tpu.memory_space<semaphore_mem>>) src(%dma_wait3A_525 : memref<1048576x32xf32, #tpu.memory_space<hbm>>) dst(%dma_wait3A_519 : memref<128x32xf32, #tpu.memory_space<vmem>>)
      %dma_wait3A_526 = arith.constant 256 : i32
      %dma_wait3A_527 = arith.constant 0 : i32
      %dma_wait3A_528 = tpu.memref_slice %arg8[%dma_wait3A_526, %dma_wait3A_527] : memref<1024x32xf32, #tpu.memory_space<vmem>> -> memref<128x32xf32, #tpu.memory_space<vmem>>
      %dma_wait3A_529 = arith.constant 0 : i32
      %dma_wait3A_530 = tpu.memref_slice %arg6[%add3A_487, %dma_wait3A_529] : memref<40x128xi32, #tpu.memory_space<vmem>> -> memref<1x128xi32, #tpu.memory_space<vmem>>
      %dma_wait3A_531 = tpu.memref_squeeze %dma_wait3A_530 : memref<1x128xi32, #tpu.memory_space<vmem>> -> memref<128xi32, #tpu.memory_space<vmem>>
      %dma_wait3A_532 = arith.constant 0 : i32
      %dma_wait3A_533 = arith.constant 0 : i32
      %dma_wait3A_534 = tpu.memref_slice %arg2[%dma_wait3A_532, %dma_wait3A_533] : memref<1048576x32xf32, #tpu.memory_space<hbm>> -> memref<1048576x32xf32, #tpu.memory_space<hbm>>
      tpu.wait_indirect_dma semaphore(%arg10 : memref<!tpu.dma_semaphore, #tpu.memory_space<semaphore_mem>>) src(%dma_wait3A_534 : memref<1048576x32xf32, #tpu.memory_space<hbm>>) dst(%dma_wait3A_528 : memref<128x32xf32, #tpu.memory_space<vmem>>)
      %dma_wait3A_535 = arith.constant 384 : i32
      %dma_wait3A_536 = arith.constant 0 : i32
      %dma_wait3A_537 = tpu.memref_slice %arg8[%dma_wait3A_535, %dma_wait3A_536] : memref<1024x32xf32, #tpu.memory_space<vmem>> -> memref<128x32xf32, #tpu.memory_space<vmem>>
      %dma_wait3A_538 = arith.constant 0 : i32
      %dma_wait3A_539 = tpu.memref_slice %arg6[%add3A_491, %dma_wait3A_538] : memref<40x128xi32, #tpu.memory_space<vmem>> -> memref<1x128xi32, #tpu.memory_space<vmem>>
      %dma_wait3A_540 = tpu.memref_squeeze %dma_wait3A_539 : memref<1x128xi32, #tpu.memory_space<vmem>> -> memref<128xi32, #tpu.memory_space<vmem>>
      %dma_wait3A_541 = arith.constant 0 : i32
      %dma_wait3A_542 = arith.constant 0 : i32
      %dma_wait3A_543 = tpu.memref_slice %arg2[%dma_wait3A_541, %dma_wait3A_542] : memref<1048576x32xf32, #tpu.memory_space<hbm>> -> memref<1048576x32xf32, #tpu.memory_space<hbm>>
      tpu.wait_indirect_dma semaphore(%arg10 : memref<!tpu.dma_semaphore, #tpu.memory_space<semaphore_mem>>) src(%dma_wait3A_543 : memref<1048576x32xf32, #tpu.memory_space<hbm>>) dst(%dma_wait3A_537 : memref<128x32xf32, #tpu.memory_space<vmem>>)
      %dma_wait3A_544 = arith.constant 512 : i32
      %dma_wait3A_545 = arith.constant 0 : i32
      %dma_wait3A_546 = tpu.memref_slice %arg8[%dma_wait3A_544, %dma_wait3A_545] : memref<1024x32xf32, #tpu.memory_space<vmem>> -> memref<128x32xf32, #tpu.memory_space<vmem>>
      %dma_wait3A_547 = arith.constant 0 : i32
      %dma_wait3A_548 = tpu.memref_slice %arg6[%add3A_495, %dma_wait3A_547] : memref<40x128xi32, #tpu.memory_space<vmem>> -> memref<1x128xi32, #tpu.memory_space<vmem>>
      %dma_wait3A_549 = tpu.memref_squeeze %dma_wait3A_548 : memref<1x128xi32, #tpu.memory_space<vmem>> -> memref<128xi32, #tpu.memory_space<vmem>>
      %dma_wait3A_550 = arith.constant 0 : i32
      %dma_wait3A_551 = arith.constant 0 : i32
      %dma_wait3A_552 = tpu.memref_slice %arg2[%dma_wait3A_550, %dma_wait3A_551] : memref<1048576x32xf32, #tpu.memory_space<hbm>> -> memref<1048576x32xf32, #tpu.memory_space<hbm>>
      tpu.wait_indirect_dma semaphore(%arg10 : memref<!tpu.dma_semaphore, #tpu.memory_space<semaphore_mem>>) src(%dma_wait3A_552 : memref<1048576x32xf32, #tpu.memory_space<hbm>>) dst(%dma_wait3A_546 : memref<128x32xf32, #tpu.memory_space<vmem>>)
      %dma_wait3A_553 = arith.constant 640 : i32
      %dma_wait3A_554 = arith.constant 0 : i32
      %dma_wait3A_555 = tpu.memref_slice %arg8[%dma_wait3A_553, %dma_wait3A_554] : memref<1024x32xf32, #tpu.memory_space<vmem>> -> memref<128x32xf32, #tpu.memory_space<vmem>>
      %dma_wait3A_556 = arith.constant 0 : i32
      %dma_wait3A_557 = tpu.memref_slice %arg6[%add3A_499, %dma_wait3A_556] : memref<40x128xi32, #tpu.memory_space<vmem>> -> memref<1x128xi32, #tpu.memory_space<vmem>>
      %dma_wait3A_558 = tpu.memref_squeeze %dma_wait3A_557 : memref<1x128xi32, #tpu.memory_space<vmem>> -> memref<128xi32, #tpu.memory_space<vmem>>
      %dma_wait3A_559 = arith.constant 0 : i32
      %dma_wait3A_560 = arith.constant 0 : i32
      %dma_wait3A_561 = tpu.memref_slice %arg2[%dma_wait3A_559, %dma_wait3A_560] : memref<1048576x32xf32, #tpu.memory_space<hbm>> -> memref<1048576x32xf32, #tpu.memory_space<hbm>>
      tpu.wait_indirect_dma semaphore(%arg10 : memref<!tpu.dma_semaphore, #tpu.memory_space<semaphore_mem>>) src(%dma_wait3A_561 : memref<1048576x32xf32, #tpu.memory_space<hbm>>) dst(%dma_wait3A_555 : memref<128x32xf32, #tpu.memory_space<vmem>>)
      %dma_wait3A_562 = arith.constant 768 : i32
      %dma_wait3A_563 = arith.constant 0 : i32
      %dma_wait3A_564 = tpu.memref_slice %arg8[%dma_wait3A_562, %dma_wait3A_563] : memref<1024x32xf32, #tpu.memory_space<vmem>> -> memref<128x32xf32, #tpu.memory_space<vmem>>
      %dma_wait3A_565 = arith.constant 0 : i32
      %dma_wait3A_566 = tpu.memref_slice %arg6[%add3A_503, %dma_wait3A_565] : memref<40x128xi32, #tpu.memory_space<vmem>> -> memref<1x128xi32, #tpu.memory_space<vmem>>
      %dma_wait3A_567 = tpu.memref_squeeze %dma_wait3A_566 : memref<1x128xi32, #tpu.memory_space<vmem>> -> memref<128xi32, #tpu.memory_space<vmem>>
      %dma_wait3A_568 = arith.constant 0 : i32
      %dma_wait3A_569 = arith.constant 0 : i32
      %dma_wait3A_570 = tpu.memref_slice %arg2[%dma_wait3A_568, %dma_wait3A_569] : memref<1048576x32xf32, #tpu.memory_space<hbm>> -> memref<1048576x32xf32, #tpu.memory_space<hbm>>
      tpu.wait_indirect_dma semaphore(%arg10 : memref<!tpu.dma_semaphore, #tpu.memory_space<semaphore_mem>>) src(%dma_wait3A_570 : memref<1048576x32xf32, #tpu.memory_space<hbm>>) dst(%dma_wait3A_564 : memref<128x32xf32, #tpu.memory_space<vmem>>)
      %dma_wait3A_571 = arith.constant 896 : i32
      %dma_wait3A_572 = arith.constant 0 : i32
      %dma_wait3A_573 = tpu.memref_slice %arg8[%dma_wait3A_571, %dma_wait3A_572] : memref<1024x32xf32, #tpu.memory_space<vmem>> -> memref<128x32xf32, #tpu.memory_space<vmem>>
      %dma_wait3A_574 = arith.constant 0 : i32
      %dma_wait3A_575 = tpu.memref_slice %arg6[%add3A_507, %dma_wait3A_574] : memref<40x128xi32, #tpu.memory_space<vmem>> -> memref<1x128xi32, #tpu.memory_space<vmem>>
      %dma_wait3A_576 = tpu.memref_squeeze %dma_wait3A_575 : memref<1x128xi32, #tpu.memory_space<vmem>> -> memref<128xi32, #tpu.memory_space<vmem>>
      %dma_wait3A_577 = arith.constant 0 : i32
      %dma_wait3A_578 = arith.constant 0 : i32
      %dma_wait3A_579 = tpu.memref_slice %arg2[%dma_wait3A_577, %dma_wait3A_578] : memref<1048576x32xf32, #tpu.memory_space<hbm>> -> memref<1048576x32xf32, #tpu.memory_space<hbm>>
      tpu.wait_indirect_dma semaphore(%arg10 : memref<!tpu.dma_semaphore, #tpu.memory_space<semaphore_mem>>) src(%dma_wait3A_579 : memref<1048576x32xf32, #tpu.memory_space<hbm>>) dst(%dma_wait3A_573 : memref<128x32xf32, #tpu.memory_space<vmem>>)
      %mul3A_580 = arith.constant 32768 : i32
      %mul3A_581 = arith.muli %add3A_475, %mul3A_580 : i32
      %mul3A_582 = arith.constant 1024 : i32
      %mul3A_583 = arith.muli %add3A, %mul3A_582 : i32
      %add3A_584 = arith.addi %mul3A_581, %mul3A_583 : i32
      "tpu.region"() ({
        %run_scoped3A = tpu.sem_alloc : memref<!tpu.dma_semaphore, #tpu.memory_space<semaphore_mem>>
        %dma_start3A_587 = arith.constant 0 : i32
        %dma_start3A_588 = tpu.memref_slice %arg4[%add3A_584, %dma_start3A_587] : memref<163840x32xf32, #tpu.memory_space<hbm>> -> memref<1024x32xf32, #tpu.memory_space<hbm>>
        %dma_start3A_589 = arith.constant 0 : i32
        %dma_start3A_590 = tpu.memref_slice %arg4[%add3A_584, %dma_start3A_589] : memref<163840x32xf32, #tpu.memory_space<hbm>> -> memref<1024x32xf32, #tpu.memory_space<hbm>>
        tpu.enqueue_dma source(%arg8 : memref<1024x32xf32, #tpu.memory_space<vmem>>) target(%dma_start3A_590 : memref<1024x32xf32, #tpu.memory_space<hbm>>) target_semaphore(%run_scoped3A : memref<!tpu.dma_semaphore, #tpu.memory_space<semaphore_mem>>)
        %dma_wait3A_591 = arith.constant 0 : i32
        %dma_wait3A_592 = tpu.memref_slice %arg4[%add3A_584, %dma_wait3A_591] : memref<163840x32xf32, #tpu.memory_space<hbm>> -> memref<1024x32xf32, #tpu.memory_space<hbm>>
        %dma_wait3A_593 = arith.constant 0 : i32
        %dma_wait3A_594 = tpu.memref_slice %arg4[%add3A_584, %dma_wait3A_593] : memref<163840x32xf32, #tpu.memory_space<hbm>> -> memref<1024x32xf32, #tpu.memory_space<hbm>>
        tpu.wait_dma2 semaphore(%run_scoped3A : memref<!tpu.dma_semaphore, #tpu.memory_space<semaphore_mem>>) src(%arg8 : memref<1024x32xf32, #tpu.memory_space<vmem>>) dst(%dma_wait3A_594 : memref<1024x32xf32, #tpu.memory_space<hbm>>)
        tpu.yield
      }) : () -> ()
      %lt3A = arith.constant 1 : i32
      %lt3A_585 = arith.cmpi slt, %scan3A_256, %lt3A : i32
      %convert_element_type3A = arith.extui %lt3A_585 : i1 to i32
      %cond3A = arith.constant 0 : i32
      %cond3A_586 = arith.cmpi ne, %convert_element_type3A, %cond3A : i32
      scf.if %cond3A_586 {
        %add3A_587 = arith.constant 3 : i32
        %add3A_588 = arith.addi %mul3A_258, %add3A_587 : i32
        %mul3A_589 = arith.constant 8 : i32
        %mul3A_590 = arith.muli %add3A_588, %mul3A_589 : i32
        %add3A_591 = arith.constant 0 : i32
        %add3A_592 = arith.addi %mul3A_590, %add3A_591 : i32
        %mul3A_593 = arith.constant 8 : i32
        %mul3A_594 = arith.muli %add3A_588, %mul3A_593 : i32
        %add3A_595 = arith.constant 1 : i32
        %add3A_596 = arith.addi %mul3A_594, %add3A_595 : i32
        %mul3A_597 = arith.constant 8 : i32
        %mul3A_598 = arith.muli %add3A_588, %mul3A_597 : i32
        %add3A_599 = arith.constant 2 : i32
        %add3A_600 = arith.addi %mul3A_598, %add3A_599 : i32
        %mul3A_601 = arith.constant 8 : i32
        %mul3A_602 = arith.muli %add3A_588, %mul3A_601 : i32
        %add3A_603 = arith.constant 3 : i32
        %add3A_604 = arith.addi %mul3A_602, %add3A_603 : i32
        %mul3A_605 = arith.constant 8 : i32
        %mul3A_606 = arith.muli %add3A_588, %mul3A_605 : i32
        %add3A_607 = arith.constant 4 : i32
        %add3A_608 = arith.addi %mul3A_606, %add3A_607 : i32
        %mul3A_609 = arith.constant 8 : i32
        %mul3A_610 = arith.muli %add3A_588, %mul3A_609 : i32
        %add3A_611 = arith.constant 5 : i32
        %add3A_612 = arith.addi %mul3A_610, %add3A_611 : i32
        %mul3A_613 = arith.constant 8 : i32
        %mul3A_614 = arith.muli %add3A_588, %mul3A_613 : i32
        %add3A_615 = arith.constant 6 : i32
        %add3A_616 = arith.addi %mul3A_614, %add3A_615 : i32
        %mul3A_617 = arith.constant 8 : i32
        %mul3A_618 = arith.muli %add3A_588, %mul3A_617 : i32
        %add3A_619 = arith.constant 7 : i32
        %add3A_620 = arith.addi %mul3A_618, %add3A_619 : i32
        %dma_start3A_621 = arith.constant 0 : i32
        %dma_start3A_622 = arith.constant 0 : i32
        %dma_start3A_623 = tpu.memref_slice %arg8[%dma_start3A_621, %dma_start3A_622] : memref<1024x32xf32, #tpu.memory_space<vmem>> -> memref<128x32xf32, #tpu.memory_space<vmem>>
        %dma_start3A_624 = arith.constant 0 : i32
        %dma_start3A_625 = tpu.memref_slice %arg6[%add3A_592, %dma_start3A_624] : memref<40x128xi32, #tpu.memory_space<vmem>> -> memref<1x128xi32, #tpu.memory_space<vmem>>
        %dma_start3A_626 = tpu.memref_squeeze %dma_start3A_625 : memref<1x128xi32, #tpu.memory_space<vmem>> -> memref<128xi32, #tpu.memory_space<vmem>>
        %dma_start3A_627 = arith.constant 0 : i32
        %dma_start3A_628 = arith.constant 0 : i32
        %dma_start3A_629 = tpu.memref_slice %arg2[%dma_start3A_627, %dma_start3A_628] : memref<1048576x32xf32, #tpu.memory_space<hbm>> -> memref<1048576x32xf32, #tpu.memory_space<hbm>>
        tpu.enqueue_indirect_dma source(%dma_start3A_629 : memref<1048576x32xf32, #tpu.memory_space<hbm>>) target(%dma_start3A_623 : memref<128x32xf32, #tpu.memory_space<vmem>>) offsets(%dma_start3A_626 : memref<128xi32, #tpu.memory_space<vmem>>) semaphore(%arg10 : memref<!tpu.dma_semaphore, #tpu.memory_space<semaphore_mem>>)
        %dma_start3A_630 = arith.constant 128 : i32
        %dma_start3A_631 = arith.constant 0 : i32
        %dma_start3A_632 = tpu.memref_slice %arg8[%dma_start3A_630, %dma_start3A_631] : memref<1024x32xf32, #tpu.memory_space<vmem>> -> memref<128x32xf32, #tpu.memory_space<vmem>>
        %dma_start3A_633 = arith.constant 0 : i32
        %dma_start3A_634 = tpu.memref_slice %arg6[%add3A_596, %dma_start3A_633] : memref<40x128xi32, #tpu.memory_space<vmem>> -> memref<1x128xi32, #tpu.memory_space<vmem>>
        %dma_start3A_635 = tpu.memref_squeeze %dma_start3A_634 : memref<1x128xi32, #tpu.memory_space<vmem>> -> memref<128xi32, #tpu.memory_space<vmem>>
        %dma_start3A_636 = arith.constant 0 : i32
        %dma_start3A_637 = arith.constant 0 : i32
        %dma_start3A_638 = tpu.memref_slice %arg2[%dma_start3A_636, %dma_start3A_637] : memref<1048576x32xf32, #tpu.memory_space<hbm>> -> memref<1048576x32xf32, #tpu.memory_space<hbm>>
        tpu.enqueue_indirect_dma source(%dma_start3A_638 : memref<1048576x32xf32, #tpu.memory_space<hbm>>) target(%dma_start3A_632 : memref<128x32xf32, #tpu.memory_space<vmem>>) offsets(%dma_start3A_635 : memref<128xi32, #tpu.memory_space<vmem>>) semaphore(%arg10 : memref<!tpu.dma_semaphore, #tpu.memory_space<semaphore_mem>>)
        %dma_start3A_639 = arith.constant 256 : i32
        %dma_start3A_640 = arith.constant 0 : i32
        %dma_start3A_641 = tpu.memref_slice %arg8[%dma_start3A_639, %dma_start3A_640] : memref<1024x32xf32, #tpu.memory_space<vmem>> -> memref<128x32xf32, #tpu.memory_space<vmem>>
        %dma_start3A_642 = arith.constant 0 : i32
        %dma_start3A_643 = tpu.memref_slice %arg6[%add3A_600, %dma_start3A_642] : memref<40x128xi32, #tpu.memory_space<vmem>> -> memref<1x128xi32, #tpu.memory_space<vmem>>
        %dma_start3A_644 = tpu.memref_squeeze %dma_start3A_643 : memref<1x128xi32, #tpu.memory_space<vmem>> -> memref<128xi32, #tpu.memory_space<vmem>>
        %dma_start3A_645 = arith.constant 0 : i32
        %dma_start3A_646 = arith.constant 0 : i32
        %dma_start3A_647 = tpu.memref_slice %arg2[%dma_start3A_645, %dma_start3A_646] : memref<1048576x32xf32, #tpu.memory_space<hbm>> -> memref<1048576x32xf32, #tpu.memory_space<hbm>>
        tpu.enqueue_indirect_dma source(%dma_start3A_647 : memref<1048576x32xf32, #tpu.memory_space<hbm>>) target(%dma_start3A_641 : memref<128x32xf32, #tpu.memory_space<vmem>>) offsets(%dma_start3A_644 : memref<128xi32, #tpu.memory_space<vmem>>) semaphore(%arg10 : memref<!tpu.dma_semaphore, #tpu.memory_space<semaphore_mem>>)
        %dma_start3A_648 = arith.constant 384 : i32
        %dma_start3A_649 = arith.constant 0 : i32
        %dma_start3A_650 = tpu.memref_slice %arg8[%dma_start3A_648, %dma_start3A_649] : memref<1024x32xf32, #tpu.memory_space<vmem>> -> memref<128x32xf32, #tpu.memory_space<vmem>>
        %dma_start3A_651 = arith.constant 0 : i32
        %dma_start3A_652 = tpu.memref_slice %arg6[%add3A_604, %dma_start3A_651] : memref<40x128xi32, #tpu.memory_space<vmem>> -> memref<1x128xi32, #tpu.memory_space<vmem>>
        %dma_start3A_653 = tpu.memref_squeeze %dma_start3A_652 : memref<1x128xi32, #tpu.memory_space<vmem>> -> memref<128xi32, #tpu.memory_space<vmem>>
        %dma_start3A_654 = arith.constant 0 : i32
        %dma_start3A_655 = arith.constant 0 : i32
        %dma_start3A_656 = tpu.memref_slice %arg2[%dma_start3A_654, %dma_start3A_655] : memref<1048576x32xf32, #tpu.memory_space<hbm>> -> memref<1048576x32xf32, #tpu.memory_space<hbm>>
        tpu.enqueue_indirect_dma source(%dma_start3A_656 : memref<1048576x32xf32, #tpu.memory_space<hbm>>) target(%dma_start3A_650 : memref<128x32xf32, #tpu.memory_space<vmem>>) offsets(%dma_start3A_653 : memref<128xi32, #tpu.memory_space<vmem>>) semaphore(%arg10 : memref<!tpu.dma_semaphore, #tpu.memory_space<semaphore_mem>>)
        %dma_start3A_657 = arith.constant 512 : i32
        %dma_start3A_658 = arith.constant 0 : i32
        %dma_start3A_659 = tpu.memref_slice %arg8[%dma_start3A_657, %dma_start3A_658] : memref<1024x32xf32, #tpu.memory_space<vmem>> -> memref<128x32xf32, #tpu.memory_space<vmem>>
        %dma_start3A_660 = arith.constant 0 : i32
        %dma_start3A_661 = tpu.memref_slice %arg6[%add3A_608, %dma_start3A_660] : memref<40x128xi32, #tpu.memory_space<vmem>> -> memref<1x128xi32, #tpu.memory_space<vmem>>
        %dma_start3A_662 = tpu.memref_squeeze %dma_start3A_661 : memref<1x128xi32, #tpu.memory_space<vmem>> -> memref<128xi32, #tpu.memory_space<vmem>>
        %dma_start3A_663 = arith.constant 0 : i32
        %dma_start3A_664 = arith.constant 0 : i32
        %dma_start3A_665 = tpu.memref_slice %arg2[%dma_start3A_663, %dma_start3A_664] : memref<1048576x32xf32, #tpu.memory_space<hbm>> -> memref<1048576x32xf32, #tpu.memory_space<hbm>>
        tpu.enqueue_indirect_dma source(%dma_start3A_665 : memref<1048576x32xf32, #tpu.memory_space<hbm>>) target(%dma_start3A_659 : memref<128x32xf32, #tpu.memory_space<vmem>>) offsets(%dma_start3A_662 : memref<128xi32, #tpu.memory_space<vmem>>) semaphore(%arg10 : memref<!tpu.dma_semaphore, #tpu.memory_space<semaphore_mem>>)
        %dma_start3A_666 = arith.constant 640 : i32
        %dma_start3A_667 = arith.constant 0 : i32
        %dma_start3A_668 = tpu.memref_slice %arg8[%dma_start3A_666, %dma_start3A_667] : memref<1024x32xf32, #tpu.memory_space<vmem>> -> memref<128x32xf32, #tpu.memory_space<vmem>>
        %dma_start3A_669 = arith.constant 0 : i32
        %dma_start3A_670 = tpu.memref_slice %arg6[%add3A_612, %dma_start3A_669] : memref<40x128xi32, #tpu.memory_space<vmem>> -> memref<1x128xi32, #tpu.memory_space<vmem>>
        %dma_start3A_671 = tpu.memref_squeeze %dma_start3A_670 : memref<1x128xi32, #tpu.memory_space<vmem>> -> memref<128xi32, #tpu.memory_space<vmem>>
        %dma_start3A_672 = arith.constant 0 : i32
        %dma_start3A_673 = arith.constant 0 : i32
        %dma_start3A_674 = tpu.memref_slice %arg2[%dma_start3A_672, %dma_start3A_673] : memref<1048576x32xf32, #tpu.memory_space<hbm>> -> memref<1048576x32xf32, #tpu.memory_space<hbm>>
        tpu.enqueue_indirect_dma source(%dma_start3A_674 : memref<1048576x32xf32, #tpu.memory_space<hbm>>) target(%dma_start3A_668 : memref<128x32xf32, #tpu.memory_space<vmem>>) offsets(%dma_start3A_671 : memref<128xi32, #tpu.memory_space<vmem>>) semaphore(%arg10 : memref<!tpu.dma_semaphore, #tpu.memory_space<semaphore_mem>>)
        %dma_start3A_675 = arith.constant 768 : i32
        %dma_start3A_676 = arith.constant 0 : i32
        %dma_start3A_677 = tpu.memref_slice %arg8[%dma_start3A_675, %dma_start3A_676] : memref<1024x32xf32, #tpu.memory_space<vmem>> -> memref<128x32xf32, #tpu.memory_space<vmem>>
        %dma_start3A_678 = arith.constant 0 : i32
        %dma_start3A_679 = tpu.memref_slice %arg6[%add3A_616, %dma_start3A_678] : memref<40x128xi32, #tpu.memory_space<vmem>> -> memref<1x128xi32, #tpu.memory_space<vmem>>
        %dma_start3A_680 = tpu.memref_squeeze %dma_start3A_679 : memref<1x128xi32, #tpu.memory_space<vmem>> -> memref<128xi32, #tpu.memory_space<vmem>>
        %dma_start3A_681 = arith.constant 0 : i32
        %dma_start3A_682 = arith.constant 0 : i32
        %dma_start3A_683 = tpu.memref_slice %arg2[%dma_start3A_681, %dma_start3A_682] : memref<1048576x32xf32, #tpu.memory_space<hbm>> -> memref<1048576x32xf32, #tpu.memory_space<hbm>>
        tpu.enqueue_indirect_dma source(%dma_start3A_683 : memref<1048576x32xf32, #tpu.memory_space<hbm>>) target(%dma_start3A_677 : memref<128x32xf32, #tpu.memory_space<vmem>>) offsets(%dma_start3A_680 : memref<128xi32, #tpu.memory_space<vmem>>) semaphore(%arg10 : memref<!tpu.dma_semaphore, #tpu.memory_space<semaphore_mem>>)
        %dma_start3A_684 = arith.constant 896 : i32
        %dma_start3A_685 = arith.constant 0 : i32
        %dma_start3A_686 = tpu.memref_slice %arg8[%dma_start3A_684, %dma_start3A_685] : memref<1024x32xf32, #tpu.memory_space<vmem>> -> memref<128x32xf32, #tpu.memory_space<vmem>>
        %dma_start3A_687 = arith.constant 0 : i32
        %dma_start3A_688 = tpu.memref_slice %arg6[%add3A_620, %dma_start3A_687] : memref<40x128xi32, #tpu.memory_space<vmem>> -> memref<1x128xi32, #tpu.memory_space<vmem>>
        %dma_start3A_689 = tpu.memref_squeeze %dma_start3A_688 : memref<1x128xi32, #tpu.memory_space<vmem>> -> memref<128xi32, #tpu.memory_space<vmem>>
        %dma_start3A_690 = arith.constant 0 : i32
        %dma_start3A_691 = arith.constant 0 : i32
        %dma_start3A_692 = tpu.memref_slice %arg2[%dma_start3A_690, %dma_start3A_691] : memref<1048576x32xf32, #tpu.memory_space<hbm>> -> memref<1048576x32xf32, #tpu.memory_space<hbm>>
        tpu.enqueue_indirect_dma source(%dma_start3A_692 : memref<1048576x32xf32, #tpu.memory_space<hbm>>) target(%dma_start3A_686 : memref<128x32xf32, #tpu.memory_space<vmem>>) offsets(%dma_start3A_689 : memref<128xi32, #tpu.memory_space<vmem>>) semaphore(%arg10 : memref<!tpu.dma_semaphore, #tpu.memory_space<semaphore_mem>>)
      } else {
      }
    }
    %scan3A_172 = arith.constant 2 : i32
    %dma_wait3A = arith.constant 32 : i32
    %dma_wait3A_173 = arith.constant 0 : i32
    %dma_wait3A_174 = arith.constant 0 : i32
    %dma_wait3A_175 = tpu.memref_slice %arg7[%dma_wait3A_173, %dma_wait3A_174] : memref<1024x32xf32, #tpu.memory_space<vmem>> -> memref<128x32xf32, #tpu.memory_space<vmem>>
    %dma_wait3A_176 = arith.constant 0 : i32
    %dma_wait3A_177 = tpu.memref_slice %arg6[%dma_wait3A, %dma_wait3A_176] : memref<40x128xi32, #tpu.memory_space<vmem>> -> memref<1x128xi32, #tpu.memory_space<vmem>>
    %dma_wait3A_178 = tpu.memref_squeeze %dma_wait3A_177 : memref<1x128xi32, #tpu.memory_space<vmem>> -> memref<128xi32, #tpu.memory_space<vmem>>
    %dma_wait3A_179 = arith.constant 0 : i32
    %dma_wait3A_180 = arith.constant 0 : i32
    %dma_wait3A_181 = tpu.memref_slice %arg2[%dma_wait3A_179, %dma_wait3A_180] : memref<1048576x32xf32, #tpu.memory_space<hbm>> -> memref<1048576x32xf32, #tpu.memory_space<hbm>>
    tpu.wait_indirect_dma semaphore(%arg9 : memref<!tpu.dma_semaphore, #tpu.memory_space<semaphore_mem>>) src(%dma_wait3A_181 : memref<1048576x32xf32, #tpu.memory_space<hbm>>) dst(%dma_wait3A_175 : memref<128x32xf32, #tpu.memory_space<vmem>>)
    %dma_wait3A_182 = arith.constant 33 : i32
    %dma_wait3A_183 = arith.constant 128 : i32
    %dma_wait3A_184 = arith.constant 0 : i32
    %dma_wait3A_185 = tpu.memref_slice %arg7[%dma_wait3A_183, %dma_wait3A_184] : memref<1024x32xf32, #tpu.memory_space<vmem>> -> memref<128x32xf32, #tpu.memory_space<vmem>>
    %dma_wait3A_186 = arith.constant 0 : i32
    %dma_wait3A_187 = tpu.memref_slice %arg6[%dma_wait3A_182, %dma_wait3A_186] : memref<40x128xi32, #tpu.memory_space<vmem>> -> memref<1x128xi32, #tpu.memory_space<vmem>>
    %dma_wait3A_188 = tpu.memref_squeeze %dma_wait3A_187 : memref<1x128xi32, #tpu.memory_space<vmem>> -> memref<128xi32, #tpu.memory_space<vmem>>
    %dma_wait3A_189 = arith.constant 0 : i32
    %dma_wait3A_190 = arith.constant 0 : i32
    %dma_wait3A_191 = tpu.memref_slice %arg2[%dma_wait3A_189, %dma_wait3A_190] : memref<1048576x32xf32, #tpu.memory_space<hbm>> -> memref<1048576x32xf32, #tpu.memory_space<hbm>>
    tpu.wait_indirect_dma semaphore(%arg9 : memref<!tpu.dma_semaphore, #tpu.memory_space<semaphore_mem>>) src(%dma_wait3A_191 : memref<1048576x32xf32, #tpu.memory_space<hbm>>) dst(%dma_wait3A_185 : memref<128x32xf32, #tpu.memory_space<vmem>>)
    %dma_wait3A_192 = arith.constant 34 : i32
    %dma_wait3A_193 = arith.constant 256 : i32
    %dma_wait3A_194 = arith.constant 0 : i32
    %dma_wait3A_195 = tpu.memref_slice %arg7[%dma_wait3A_193, %dma_wait3A_194] : memref<1024x32xf32, #tpu.memory_space<vmem>> -> memref<128x32xf32, #tpu.memory_space<vmem>>
    %dma_wait3A_196 = arith.constant 0 : i32
    %dma_wait3A_197 = tpu.memref_slice %arg6[%dma_wait3A_192, %dma_wait3A_196] : memref<40x128xi32, #tpu.memory_space<vmem>> -> memref<1x128xi32, #tpu.memory_space<vmem>>
    %dma_wait3A_198 = tpu.memref_squeeze %dma_wait3A_197 : memref<1x128xi32, #tpu.memory_space<vmem>> -> memref<128xi32, #tpu.memory_space<vmem>>
    %dma_wait3A_199 = arith.constant 0 : i32
    %dma_wait3A_200 = arith.constant 0 : i32
    %dma_wait3A_201 = tpu.memref_slice %arg2[%dma_wait3A_199, %dma_wait3A_200] : memref<1048576x32xf32, #tpu.memory_space<hbm>> -> memref<1048576x32xf32, #tpu.memory_space<hbm>>
    tpu.wait_indirect_dma semaphore(%arg9 : memref<!tpu.dma_semaphore, #tpu.memory_space<semaphore_mem>>) src(%dma_wait3A_201 : memref<1048576x32xf32, #tpu.memory_space<hbm>>) dst(%dma_wait3A_195 : memref<128x32xf32, #tpu.memory_space<vmem>>)
    %dma_wait3A_202 = arith.constant 35 : i32
    %dma_wait3A_203 = arith.constant 384 : i32
    %dma_wait3A_204 = arith.constant 0 : i32
    %dma_wait3A_205 = tpu.memref_slice %arg7[%dma_wait3A_203, %dma_wait3A_204] : memref<1024x32xf32, #tpu.memory_space<vmem>> -> memref<128x32xf32, #tpu.memory_space<vmem>>
    %dma_wait3A_206 = arith.constant 0 : i32
    %dma_wait3A_207 = tpu.memref_slice %arg6[%dma_wait3A_202, %dma_wait3A_206] : memref<40x128xi32, #tpu.memory_space<vmem>> -> memref<1x128xi32, #tpu.memory_space<vmem>>
    %dma_wait3A_208 = tpu.memref_squeeze %dma_wait3A_207 : memref<1x128xi32, #tpu.memory_space<vmem>> -> memref<128xi32, #tpu.memory_space<vmem>>
    %dma_wait3A_209 = arith.constant 0 : i32
    %dma_wait3A_210 = arith.constant 0 : i32
    %dma_wait3A_211 = tpu.memref_slice %arg2[%dma_wait3A_209, %dma_wait3A_210] : memref<1048576x32xf32, #tpu.memory_space<hbm>> -> memref<1048576x32xf32, #tpu.memory_space<hbm>>
    tpu.wait_indirect_dma semaphore(%arg9 : memref<!tpu.dma_semaphore, #tpu.memory_space<semaphore_mem>>) src(%dma_wait3A_211 : memref<1048576x32xf32, #tpu.memory_space<hbm>>) dst(%dma_wait3A_205 : memref<128x32xf32, #tpu.memory_space<vmem>>)
    %dma_wait3A_212 = arith.constant 36 : i32
    %dma_wait3A_213 = arith.constant 512 : i32
    %dma_wait3A_214 = arith.constant 0 : i32
    %dma_wait3A_215 = tpu.memref_slice %arg7[%dma_wait3A_213, %dma_wait3A_214] : memref<1024x32xf32, #tpu.memory_space<vmem>> -> memref<128x32xf32, #tpu.memory_space<vmem>>
    %dma_wait3A_216 = arith.constant 0 : i32
    %dma_wait3A_217 = tpu.memref_slice %arg6[%dma_wait3A_212, %dma_wait3A_216] : memref<40x128xi32, #tpu.memory_space<vmem>> -> memref<1x128xi32, #tpu.memory_space<vmem>>
    %dma_wait3A_218 = tpu.memref_squeeze %dma_wait3A_217 : memref<1x128xi32, #tpu.memory_space<vmem>> -> memref<128xi32, #tpu.memory_space<vmem>>
    %dma_wait3A_219 = arith.constant 0 : i32
    %dma_wait3A_220 = arith.constant 0 : i32
    %dma_wait3A_221 = tpu.memref_slice %arg2[%dma_wait3A_219, %dma_wait3A_220] : memref<1048576x32xf32, #tpu.memory_space<hbm>> -> memref<1048576x32xf32, #tpu.memory_space<hbm>>
    tpu.wait_indirect_dma semaphore(%arg9 : memref<!tpu.dma_semaphore, #tpu.memory_space<semaphore_mem>>) src(%dma_wait3A_221 : memref<1048576x32xf32, #tpu.memory_space<hbm>>) dst(%dma_wait3A_215 : memref<128x32xf32, #tpu.memory_space<vmem>>)
    %dma_wait3A_222 = arith.constant 37 : i32
    %dma_wait3A_223 = arith.constant 640 : i32
    %dma_wait3A_224 = arith.constant 0 : i32
    %dma_wait3A_225 = tpu.memref_slice %arg7[%dma_wait3A_223, %dma_wait3A_224] : memref<1024x32xf32, #tpu.memory_space<vmem>> -> memref<128x32xf32, #tpu.memory_space<vmem>>
    %dma_wait3A_226 = arith.constant 0 : i32
    %dma_wait3A_227 = tpu.memref_slice %arg6[%dma_wait3A_222, %dma_wait3A_226] : memref<40x128xi32, #tpu.memory_space<vmem>> -> memref<1x128xi32, #tpu.memory_space<vmem>>
    %dma_wait3A_228 = tpu.memref_squeeze %dma_wait3A_227 : memref<1x128xi32, #tpu.memory_space<vmem>> -> memref<128xi32, #tpu.memory_space<vmem>>
    %dma_wait3A_229 = arith.constant 0 : i32
    %dma_wait3A_230 = arith.constant 0 : i32
    %dma_wait3A_231 = tpu.memref_slice %arg2[%dma_wait3A_229, %dma_wait3A_230] : memref<1048576x32xf32, #tpu.memory_space<hbm>> -> memref<1048576x32xf32, #tpu.memory_space<hbm>>
    tpu.wait_indirect_dma semaphore(%arg9 : memref<!tpu.dma_semaphore, #tpu.memory_space<semaphore_mem>>) src(%dma_wait3A_231 : memref<1048576x32xf32, #tpu.memory_space<hbm>>) dst(%dma_wait3A_225 : memref<128x32xf32, #tpu.memory_space<vmem>>)
    %dma_wait3A_232 = arith.constant 38 : i32
    %dma_wait3A_233 = arith.constant 768 : i32
    %dma_wait3A_234 = arith.constant 0 : i32
    %dma_wait3A_235 = tpu.memref_slice %arg7[%dma_wait3A_233, %dma_wait3A_234] : memref<1024x32xf32, #tpu.memory_space<vmem>> -> memref<128x32xf32, #tpu.memory_space<vmem>>
    %dma_wait3A_236 = arith.constant 0 : i32
    %dma_wait3A_237 = tpu.memref_slice %arg6[%dma_wait3A_232, %dma_wait3A_236] : memref<40x128xi32, #tpu.memory_space<vmem>> -> memref<1x128xi32, #tpu.memory_space<vmem>>
    %dma_wait3A_238 = tpu.memref_squeeze %dma_wait3A_237 : memref<1x128xi32, #tpu.memory_space<vmem>> -> memref<128xi32, #tpu.memory_space<vmem>>
    %dma_wait3A_239 = arith.constant 0 : i32
    %dma_wait3A_240 = arith.constant 0 : i32
    %dma_wait3A_241 = tpu.memref_slice %arg2[%dma_wait3A_239, %dma_wait3A_240] : memref<1048576x32xf32, #tpu.memory_space<hbm>> -> memref<1048576x32xf32, #tpu.memory_space<hbm>>
    tpu.wait_indirect_dma semaphore(%arg9 : memref<!tpu.dma_semaphore, #tpu.memory_space<semaphore_mem>>) src(%dma_wait3A_241 : memref<1048576x32xf32, #tpu.memory_space<hbm>>) dst(%dma_wait3A_235 : memref<128x32xf32, #tpu.memory_space<vmem>>)
    %dma_wait3A_242 = arith.constant 39 : i32
    %dma_wait3A_243 = arith.constant 896 : i32
    %dma_wait3A_244 = arith.constant 0 : i32
    %dma_wait3A_245 = tpu.memref_slice %arg7[%dma_wait3A_243, %dma_wait3A_244] : memref<1024x32xf32, #tpu.memory_space<vmem>> -> memref<128x32xf32, #tpu.memory_space<vmem>>
    %dma_wait3A_246 = arith.constant 0 : i32
    %dma_wait3A_247 = tpu.memref_slice %arg6[%dma_wait3A_242, %dma_wait3A_246] : memref<40x128xi32, #tpu.memory_space<vmem>> -> memref<1x128xi32, #tpu.memory_space<vmem>>
    %dma_wait3A_248 = tpu.memref_squeeze %dma_wait3A_247 : memref<1x128xi32, #tpu.memory_space<vmem>> -> memref<128xi32, #tpu.memory_space<vmem>>
    %dma_wait3A_249 = arith.constant 0 : i32
    %dma_wait3A_250 = arith.constant 0 : i32
    %dma_wait3A_251 = tpu.memref_slice %arg2[%dma_wait3A_249, %dma_wait3A_250] : memref<1048576x32xf32, #tpu.memory_space<hbm>> -> memref<1048576x32xf32, #tpu.memory_space<hbm>>
    tpu.wait_indirect_dma semaphore(%arg9 : memref<!tpu.dma_semaphore, #tpu.memory_space<semaphore_mem>>) src(%dma_wait3A_251 : memref<1048576x32xf32, #tpu.memory_space<hbm>>) dst(%dma_wait3A_245 : memref<128x32xf32, #tpu.memory_space<vmem>>)
    %mul3A_252 = arith.constant 1024 : i32
    %mul3A_253 = arith.muli %add3A, %mul3A_252 : i32
    %add3A_254 = arith.constant 131072 : i32
    %add3A_255 = arith.addi %add3A_254, %mul3A_253 : i32
    "tpu.region"() ({
      %run_scoped3A = tpu.sem_alloc : memref<!tpu.dma_semaphore, #tpu.memory_space<semaphore_mem>>
      %dma_start3A_256 = arith.constant 0 : i32
      %dma_start3A_257 = tpu.memref_slice %arg4[%add3A_255, %dma_start3A_256] : memref<163840x32xf32, #tpu.memory_space<hbm>> -> memref<1024x32xf32, #tpu.memory_space<hbm>>
      %dma_start3A_258 = arith.constant 0 : i32
      %dma_start3A_259 = tpu.memref_slice %arg4[%add3A_255, %dma_start3A_258] : memref<163840x32xf32, #tpu.memory_space<hbm>> -> memref<1024x32xf32, #tpu.memory_space<hbm>>
      tpu.enqueue_dma source(%arg7 : memref<1024x32xf32, #tpu.memory_space<vmem>>) target(%dma_start3A_259 : memref<1024x32xf32, #tpu.memory_space<hbm>>) target_semaphore(%run_scoped3A : memref<!tpu.dma_semaphore, #tpu.memory_space<semaphore_mem>>)
      %dma_wait3A_260 = arith.constant 0 : i32
      %dma_wait3A_261 = tpu.memref_slice %arg4[%add3A_255, %dma_wait3A_260] : memref<163840x32xf32, #tpu.memory_space<hbm>> -> memref<1024x32xf32, #tpu.memory_space<hbm>>
      %dma_wait3A_262 = arith.constant 0 : i32
      %dma_wait3A_263 = tpu.memref_slice %arg4[%add3A_255, %dma_wait3A_262] : memref<163840x32xf32, #tpu.memory_space<hbm>> -> memref<1024x32xf32, #tpu.memory_space<hbm>>
      tpu.wait_dma2 semaphore(%run_scoped3A : memref<!tpu.dma_semaphore, #tpu.memory_space<semaphore_mem>>) src(%arg7 : memref<1024x32xf32, #tpu.memory_space<vmem>>) dst(%dma_wait3A_263 : memref<1024x32xf32, #tpu.memory_space<hbm>>)
      tpu.yield
    }) : () -> ()
    return
  }
}

module attributes {stable_mosaic.version = 14 : i64} {
  func.func @_transpose_body(%arg0: i32, %arg1: memref<32x16384xf32, #tpu.memory_space<vmem>>, %arg2: memref<32x16384xf32, #tpu.memory_space<vmem>>, %arg3: memref<32x16384xf32, #tpu.memory_space<vmem>>, %arg4: memref<32x16384xf32, #tpu.memory_space<vmem>>, %arg5: memref<16384x128xf32, #tpu.memory_space<vmem>>) attributes {dimension_semantics = [#tpu.dimension_semantics<arbitrary>], iteration_bounds = array<i64: 16>, scalar_prefetch = 0 : i64, scratch_operands = 0 : i64, tpu.core_type = #tpu.core_type<tc>, window_params = [{transform_indices = @transform_0, window_bounds = array<i64: 32, 16384>}, {transform_indices = @transform_1, window_bounds = array<i64: 32, 16384>}, {transform_indices = @transform_2, window_bounds = array<i64: 32, 16384>}, {transform_indices = @transform_3, window_bounds = array<i64: 32, 16384>}, {transform_indices = @transform_4, window_bounds = array<i64: 16384, 128>}]} {
    %get3A = arith.constant 0 : index
    %get3A_0 = arith.constant 0 : index
    %get3A_1 = vector.load %arg1[%get3A, %get3A_0] : memref<32x16384xf32, #tpu.memory_space<vmem>>, vector<32x16384xf32>
    %get3A_2 = arith.constant 0 : index
    %get3A_3 = arith.constant 0 : index
    %get3A_4 = vector.load %arg2[%get3A_2, %get3A_3] : memref<32x16384xf32, #tpu.memory_space<vmem>>, vector<32x16384xf32>
    %get3A_5 = arith.constant 0 : index
    %get3A_6 = arith.constant 0 : index
    %get3A_7 = vector.load %arg3[%get3A_5, %get3A_6] : memref<32x16384xf32, #tpu.memory_space<vmem>>, vector<32x16384xf32>
    %get3A_8 = arith.constant 0 : index
    %get3A_9 = arith.constant 0 : index
    %get3A_10 = vector.load %arg4[%get3A_8, %get3A_9] : memref<32x16384xf32, #tpu.memory_space<vmem>>, vector<32x16384xf32>
    %concatenate3A = tpu.concatenate %get3A_1, %get3A_4, %get3A_7, %get3A_10 in 0 : vector<32x16384xf32>, vector<32x16384xf32>, vector<32x16384xf32>, vector<32x16384xf32> -> vector<128x16384xf32>
    %transpose3A = tpu.transpose %concatenate3A, [1, 0] : vector<128x16384xf32> -> vector<16384x128xf32>
    %swap3A = arith.constant 0 : index
    %swap3A_11 = arith.constant 0 : index
    %swap3A_12 = vector.load %arg5[%swap3A, %swap3A_11] : memref<16384x128xf32, #tpu.memory_space<vmem>>, vector<16384x128xf32>
    tpu.vector_store %arg5[%swap3A, %swap3A_11], %transpose3A {strides = array<i32>} : memref<16384x128xf32, #tpu.memory_space<vmem>>, vector<16384x128xf32>,
    return
  }
  func.func @transform_0(%arg0: i32) -> (i32, i32) {
    %add3A = arith.constant 0 : i32
    %add3A_0 = arith.addi %add3A, %arg0 : i32
    %min3A = arith.constant 61 : i32
    %min3A_1 = arith.minsi %add3A_0, %min3A : i32
    %c0_i32 = arith.constant 0 : i32
    %c0_i32_2 = arith.constant 0 : i32
    return %c0_i32, %min3A_1 : i32, i32
  }
  func.func @transform_1(%arg0: i32) -> (i32, i32) {
    %add3A = arith.constant 16 : i32
    %add3A_0 = arith.addi %add3A, %arg0 : i32
    %min3A = arith.constant 61 : i32
    %min3A_1 = arith.minsi %add3A_0, %min3A : i32
    %c0_i32 = arith.constant 0 : i32
    %c0_i32_2 = arith.constant 0 : i32
    return %c0_i32, %min3A_1 : i32, i32
  }
  func.func @transform_2(%arg0: i32) -> (i32, i32) {
    %add3A = arith.constant 32 : i32
    %add3A_0 = arith.addi %add3A, %arg0 : i32
    %min3A = arith.constant 61 : i32
    %min3A_1 = arith.minsi %add3A_0, %min3A : i32
    %c0_i32 = arith.constant 0 : i32
    %c0_i32_2 = arith.constant 0 : i32
    return %c0_i32, %min3A_1 : i32, i32
  }
  func.func @transform_3(%arg0: i32) -> (i32, i32) {
    %add3A = arith.constant 48 : i32
    %add3A_0 = arith.addi %add3A, %arg0 : i32
    %min3A = arith.constant 61 : i32
    %min3A_1 = arith.minsi %add3A_0, %min3A : i32
    %c0_i32 = arith.constant 0 : i32
    %c0_i32_2 = arith.constant 0 : i32
    return %c0_i32, %min3A_1 : i32, i32
  }
  func.func @transform_4(%arg0: i32) -> (i32, i32) {
    %c0_i32 = arith.constant 0 : i32
    %c0_i32_0 = arith.constant 0 : i32
    return %arg0, %c0_i32 : i32, i32
  }
}

module attributes {stable_mosaic.version = 14 : i64} {
  func.func @_mlp_body(%arg0: i32, %arg1: memref<2048x128xf32, #tpu.memory_space<vmem>>, %arg2: memref<2048x128xf32, #tpu.memory_space<vmem>>, %arg3: memref<2048x128xf32, #tpu.memory_space<vmem>>, %arg4: memref<2048x128xf32, #tpu.memory_space<vmem>>, %arg5: memref<2048x128xf32, #tpu.memory_space<vmem>>, %arg6: memref<640x128xf32, #tpu.memory_space<vmem>>, %arg7: memref<1x128xf32, #tpu.memory_space<vmem>>, %arg8: memref<128x64xf32, #tpu.memory_space<vmem>>, %arg9: memref<1x64xf32, #tpu.memory_space<vmem>>, %arg10: memref<64x9xf32, #tpu.memory_space<vmem>>, %arg11: memref<1x9xf32, #tpu.memory_space<vmem>>, %arg12: memref<2048x9xf32, #tpu.memory_space<vmem>>) attributes {dimension_semantics = [#tpu.dimension_semantics<arbitrary>], iteration_bounds = array<i64: 4>, scalar_prefetch = 0 : i64, scratch_operands = 0 : i64, tpu.core_type = #tpu.core_type<tc>, window_params = [{transform_indices = @transform_0, window_bounds = array<i64: 2048, 128>}, {transform_indices = @transform_1, window_bounds = array<i64: 2048, 128>}, {transform_indices = @transform_2, window_bounds = array<i64: 2048, 128>}, {transform_indices = @transform_3, window_bounds = array<i64: 2048, 128>}, {transform_indices = @transform_4, window_bounds = array<i64: 2048, 128>}, {pipeline_mode = #tpu.pipeline_mode<synchronous>, transform_indices = @transform_5, window_bounds = array<i64: 640, 128>}, {pipeline_mode = #tpu.pipeline_mode<synchronous>, transform_indices = @transform_6, window_bounds = array<i64: 1, 128>}, {pipeline_mode = #tpu.pipeline_mode<synchronous>, transform_indices = @transform_7, window_bounds = array<i64: 128, 64>}, {pipeline_mode = #tpu.pipeline_mode<synchronous>, transform_indices = @transform_8, window_bounds = array<i64: 1, 64>}, {pipeline_mode = #tpu.pipeline_mode<synchronous>, transform_indices = @transform_9, window_bounds = array<i64: 64, 9>}, {pipeline_mode = #tpu.pipeline_mode<synchronous>, transform_indices = @transform_10, window_bounds = array<i64: 1, 9>}, {transform_indices = @transform_11, window_bounds = array<i64: 2048, 9>}]} {
    %get3A = arith.constant 0 : index
    %get3A_0 = arith.constant 0 : index
    %get3A_1 = vector.load %arg6[%get3A, %get3A_0] : memref<640x128xf32, #tpu.memory_space<vmem>>, vector<640x128xf32>
    %slice3A = vector.extract_strided_slice %get3A_1 {offsets = [0, 0], sizes = [128, 128], strides = [1, 1]} : vector<640x128xf32> to vector<128x128xf32>
    %get3A_2 = arith.constant 0 : index
    %get3A_3 = arith.constant 0 : index
    %get3A_4 = vector.load %arg1[%get3A_2, %get3A_3] : memref<2048x128xf32, #tpu.memory_space<vmem>>, vector<2048x128xf32>
    %dot_general3A = arith.constant dense<0.000000e+00> : vector<2048x128xf32>
    %dot_general3A_5 = tpu.matmul %get3A_4, %slice3A, %dot_general3A {dimension_numbers = #tpu.dot_dimension_numbers<[1], [0], [0], [1], [0, 0, 1, 1], [], []>, transpose_lhs_hint = false} : vector<2048x128xf32>, vector<128x128xf32>, vector<2048x128xf32> -> vector<2048x128xf32>
    %slice3A_6 = vector.extract_strided_slice %get3A_1 {offsets = [128, 0], sizes = [128, 128], strides = [1, 1]} : vector<640x128xf32> to vector<128x128xf32>
    %get3A_7 = arith.constant 0 : index
    %get3A_8 = arith.constant 0 : index
    %get3A_9 = vector.load %arg2[%get3A_7, %get3A_8] : memref<2048x128xf32, #tpu.memory_space<vmem>>, vector<2048x128xf32>
    %dot_general3A_10 = arith.constant dense<0.000000e+00> : vector<2048x128xf32>
    %dot_general3A_11 = tpu.matmul %get3A_9, %slice3A_6, %dot_general3A_10 {dimension_numbers = #tpu.dot_dimension_numbers<[1], [0], [0], [1], [0, 0, 1, 1], [], []>, transpose_lhs_hint = false} : vector<2048x128xf32>, vector<128x128xf32>, vector<2048x128xf32> -> vector<2048x128xf32>
    %add3A = arith.addf %dot_general3A_5, %dot_general3A_11 : vector<2048x128xf32>
    %slice3A_12 = vector.extract_strided_slice %get3A_1 {offsets = [256, 0], sizes = [128, 128], strides = [1, 1]} : vector<640x128xf32> to vector<128x128xf32>
    %get3A_13 = arith.constant 0 : index
    %get3A_14 = arith.constant 0 : index
    %get3A_15 = vector.load %arg3[%get3A_13, %get3A_14] : memref<2048x128xf32, #tpu.memory_space<vmem>>, vector<2048x128xf32>
    %dot_general3A_16 = arith.constant dense<0.000000e+00> : vector<2048x128xf32>
    %dot_general3A_17 = tpu.matmul %get3A_15, %slice3A_12, %dot_general3A_16 {dimension_numbers = #tpu.dot_dimension_numbers<[1], [0], [0], [1], [0, 0, 1, 1], [], []>, transpose_lhs_hint = false} : vector<2048x128xf32>, vector<128x128xf32>, vector<2048x128xf32> -> vector<2048x128xf32>
    %add3A_18 = arith.addf %add3A, %dot_general3A_17 : vector<2048x128xf32>
    %slice3A_19 = vector.extract_strided_slice %get3A_1 {offsets = [384, 0], sizes = [128, 128], strides = [1, 1]} : vector<640x128xf32> to vector<128x128xf32>
    %get3A_20 = arith.constant 0 : index
    %get3A_21 = arith.constant 0 : index
    %get3A_22 = vector.load %arg4[%get3A_20, %get3A_21] : memref<2048x128xf32, #tpu.memory_space<vmem>>, vector<2048x128xf32>
    %dot_general3A_23 = arith.constant dense<0.000000e+00> : vector<2048x128xf32>
    %dot_general3A_24 = tpu.matmul %get3A_22, %slice3A_19, %dot_general3A_23 {dimension_numbers = #tpu.dot_dimension_numbers<[1], [0], [0], [1], [0, 0, 1, 1], [], []>, transpose_lhs_hint = false} : vector<2048x128xf32>, vector<128x128xf32>, vector<2048x128xf32> -> vector<2048x128xf32>
    %add3A_25 = arith.addf %add3A_18, %dot_general3A_24 : vector<2048x128xf32>
    %slice3A_26 = vector.extract_strided_slice %get3A_1 {offsets = [512, 0], sizes = [128, 128], strides = [1, 1]} : vector<640x128xf32> to vector<128x128xf32>
    %get3A_27 = arith.constant 0 : index
    %get3A_28 = arith.constant 0 : index
    %get3A_29 = vector.load %arg5[%get3A_27, %get3A_28] : memref<2048x128xf32, #tpu.memory_space<vmem>>, vector<2048x128xf32>
    %dot_general3A_30 = arith.constant dense<0.000000e+00> : vector<2048x128xf32>
    %dot_general3A_31 = tpu.matmul %get3A_29, %slice3A_26, %dot_general3A_30 {dimension_numbers = #tpu.dot_dimension_numbers<[1], [0], [0], [1], [0, 0, 1, 1], [], []>, transpose_lhs_hint = false} : vector<2048x128xf32>, vector<128x128xf32>, vector<2048x128xf32> -> vector<2048x128xf32>
    %add3A_32 = arith.addf %add3A_25, %dot_general3A_31 : vector<2048x128xf32>
    %get3A_33 = arith.constant 0 : index
    %get3A_34 = arith.constant 0 : index
    %get3A_35 = vector.load %arg7[%get3A_33, %get3A_34] : memref<1x128xf32, #tpu.memory_space<vmem>>, vector<1x128xf32>
    %add3A_36 = vector.broadcast %get3A_35 : vector<1x128xf32> to vector<2048x128xf32>
    %add3A_37 = arith.addf %add3A_32, %add3A_36 : vector<2048x128xf32>
    %max3A = arith.constant 0.000000e+00 : f32
    %max3A_38 = vector.broadcast %max3A : f32 to vector<2048x128xf32>
    %max3A_39 = arith.maximumf %add3A_37, %max3A_38 : vector<2048x128xf32>
    %get3A_40 = arith.constant 0 : index
    %get3A_41 = arith.constant 0 : index
    %get3A_42 = vector.load %arg8[%get3A_40, %get3A_41] : memref<128x64xf32, #tpu.memory_space<vmem>>, vector<128x64xf32>
    %dot_general3A_43 = arith.constant dense<0.000000e+00> : vector<2048x64xf32>
    %dot_general3A_44 = tpu.matmul %max3A_39, %get3A_42, %dot_general3A_43 {dimension_numbers = #tpu.dot_dimension_numbers<[1], [0], [0], [1], [0, 0, 1, 1], [], []>, transpose_lhs_hint = false} : vector<2048x128xf32>, vector<128x64xf32>, vector<2048x64xf32> -> vector<2048x64xf32>
    %get3A_45 = arith.constant 0 : index
    %get3A_46 = arith.constant 0 : index
    %get3A_47 = vector.load %arg9[%get3A_45, %get3A_46] : memref<1x64xf32, #tpu.memory_space<vmem>>, vector<1x64xf32>
    %add3A_48 = vector.broadcast %get3A_47 : vector<1x64xf32> to vector<2048x64xf32>
    %add3A_49 = arith.addf %dot_general3A_44, %add3A_48 : vector<2048x64xf32>
    %max3A_50 = arith.constant 0.000000e+00 : f32
    %max3A_51 = vector.broadcast %max3A_50 : f32 to vector<2048x64xf32>
    %max3A_52 = arith.maximumf %add3A_49, %max3A_51 : vector<2048x64xf32>
    %get3A_53 = arith.constant 0 : index
    %get3A_54 = arith.constant 0 : index
    %get3A_55 = vector.load %arg10[%get3A_53, %get3A_54] : memref<64x9xf32, #tpu.memory_space<vmem>>, vector<64x9xf32>
    %dot_general3A_56 = arith.constant dense<0.000000e+00> : vector<2048x9xf32>
    %dot_general3A_57 = tpu.matmul %max3A_52, %get3A_55, %dot_general3A_56 {dimension_numbers = #tpu.dot_dimension_numbers<[1], [0], [0], [1], [0, 0, 1, 1], [], []>, transpose_lhs_hint = false} : vector<2048x64xf32>, vector<64x9xf32>, vector<2048x9xf32> -> vector<2048x9xf32>
    %get3A_58 = arith.constant 0 : index
    %get3A_59 = arith.constant 0 : index
    %get3A_60 = vector.load %arg11[%get3A_58, %get3A_59] : memref<1x9xf32, #tpu.memory_space<vmem>>, vector<1x9xf32>
    %add3A_61 = vector.broadcast %get3A_60 : vector<1x9xf32> to vector<2048x9xf32>
    %add3A_62 = arith.addf %dot_general3A_57, %add3A_61 : vector<2048x9xf32>
    %swap3A = arith.constant 0 : index
    %swap3A_63 = arith.constant 0 : index
    %swap3A_64 = vector.load %arg12[%swap3A, %swap3A_63] : memref<2048x9xf32, #tpu.memory_space<vmem>>, vector<2048x9xf32>
    tpu.vector_store %arg12[%swap3A, %swap3A_63], %add3A_62 {strides = array<i32>} : memref<2048x9xf32, #tpu.memory_space<vmem>>, vector<2048x9xf32>,
    return
  }
  func.func @transform_0(%arg0: i32) -> (i32, i32) {
    %add3A = arith.constant 0 : i32
    %add3A_0 = arith.addi %add3A, %arg0 : i32
    %c0_i32 = arith.constant 0 : i32
    %c0_i32_1 = arith.constant 0 : i32
    return %add3A_0, %c0_i32 : i32, i32
  }
  func.func @transform_1(%arg0: i32) -> (i32, i32) {
    %add3A = arith.constant 4 : i32
    %add3A_0 = arith.addi %add3A, %arg0 : i32
    %c0_i32 = arith.constant 0 : i32
    %c0_i32_1 = arith.constant 0 : i32
    return %add3A_0, %c0_i32 : i32, i32
  }
  func.func @transform_2(%arg0: i32) -> (i32, i32) {
    %add3A = arith.constant 8 : i32
    %add3A_0 = arith.addi %add3A, %arg0 : i32
    %c0_i32 = arith.constant 0 : i32
    %c0_i32_1 = arith.constant 0 : i32
    return %add3A_0, %c0_i32 : i32, i32
  }
  func.func @transform_3(%arg0: i32) -> (i32, i32) {
    %add3A = arith.constant 12 : i32
    %add3A_0 = arith.addi %add3A, %arg0 : i32
    %c0_i32 = arith.constant 0 : i32
    %c0_i32_1 = arith.constant 0 : i32
    return %add3A_0, %c0_i32 : i32, i32
  }
  func.func @transform_4(%arg0: i32) -> (i32, i32) {
    %add3A = arith.constant 16 : i32
    %add3A_0 = arith.addi %add3A, %arg0 : i32
    %c0_i32 = arith.constant 0 : i32
    %c0_i32_1 = arith.constant 0 : i32
    return %add3A_0, %c0_i32 : i32, i32
  }
  func.func @transform_5(%arg0: i32) -> (i32, i32) {
    %c0_i32 = arith.constant 0 : i32
    %c0_i32_0 = arith.constant 0 : i32
    %c0_i32_1 = arith.constant 0 : i32
    return %c0_i32, %c0_i32_0 : i32, i32
  }
  func.func @transform_6(%arg0: i32) -> (i32, i32) {
    %c0_i32 = arith.constant 0 : i32
    %c0_i32_0 = arith.constant 0 : i32
    %c0_i32_1 = arith.constant 0 : i32
    return %c0_i32, %c0_i32_0 : i32, i32
  }
  func.func @transform_7(%arg0: i32) -> (i32, i32) {
    %c0_i32 = arith.constant 0 : i32
    %c0_i32_0 = arith.constant 0 : i32
    %c0_i32_1 = arith.constant 0 : i32
    return %c0_i32, %c0_i32_0 : i32, i32
  }
  func.func @transform_8(%arg0: i32) -> (i32, i32) {
    %c0_i32 = arith.constant 0 : i32
    %c0_i32_0 = arith.constant 0 : i32
    %c0_i32_1 = arith.constant 0 : i32
    return %c0_i32, %c0_i32_0 : i32, i32
  }
  func.func @transform_9(%arg0: i32) -> (i32, i32) {
    %c0_i32 = arith.constant 0 : i32
    %c0_i32_0 = arith.constant 0 : i32
    %c0_i32_1 = arith.constant 0 : i32
    return %c0_i32, %c0_i32_0 : i32, i32
  }
  func.func @transform_10(%arg0: i32) -> (i32, i32) {
    %c0_i32 = arith.constant 0 : i32
    %c0_i32_0 = arith.constant 0 : i32
    %c0_i32_1 = arith.constant 0 : i32
    return %c0_i32, %c0_i32_0 : i32, i32
  }
  func.func @transform_11(%arg0: i32) -> (i32, i32) {
    %c0_i32 = arith.constant 0 : i32
    %c0_i32_0 = arith.constant 0 : i32
    return %arg0, %c0_i32 : i32, i32
  }
}

</mosaic_0001>

<sc_bundles>
// kernel: kernel.10.cloned.1.call-start
scs
__scs_entry_jumppad:
0x0: {  	(pc) =	sbr.rel $0x88, $3  }
0x1: {  	(tag) =	ssettag $0x0;
	lr =	simm.s32 $0x1  }
0x2: {  	[smem:$0x3F99] =	sst lr;
	_ =	strace $0xD0000000  }
0x3: {  	_ = 	snop  }
0x4: {  	_ = 	snop  }
0x5: {  	_ = 	snop  }
0x6: {  	_ = 	snop  }
0x7: {  	_ = 	snop  }
__scs_overlays_trampoline_lowered:
0x8: {  	[smem:$0x3FA8] =	sst s0  }
0x9: {  	[smem:$0x3FA9] =	sst s1  }
0xa: {  	[smem:$0x3FAA] =	sst s2  }
0xb: {  	[smem:$0x3FAB] =	sst s3  }
0xc: {  	[smem:$0x3FAC] =	sst s4  }
0xd: {  	[smem:$0x3FAD] =	sst s5  }
0xe: {  	[smem:$0x3FAE] =	sst s6  }
0xf: {  	[smem:$0x3FAF] =	sst s7  }
0x10: {  	[smem:$0x3FB0] =	sst s8  }
0x11: {  	[smem:$0x3FB1] =	sst s9;
	s0 =	simm.s32 @!p0 $0x0  }
0x12: {  	s1 =	sld [smem:$0x3F97];
	s0 =	simm.s32 @p0 $0x1  }
0x13: {  	[smem:$0x3FB2] =	sst s0;
	s0 =	simm.s32 @!p1 $0x0  }
0x14: {  	s2 =	sld [smem:$0x3F96];
	s0 =	simm.s32 @p1 $0x1  }
0x15: {  	[smem:$0x3FB3] =	sst s0;
	s0 =	simm.s32 @!p2 $0x0  }
0x16: {  	s3 =	sld [smem:$0x3FDB];
	s0 =	simm.s32 @p2 $0x1  }
0x17: {  	s4 =	simm.s32 $0x1BF5;
	[smem:$0x3FB5] =	sst s0  }
0x18: {  	s0 =	sld [smem:$0x3F98];
	_ =	swait.ge [sflag:s4], $0x0  }
0x19: {  	s7 =	sld [smem:$0x3F99]  }
0x1a: {  	s8 =	sadd.s32 $0xFFFFE003, lr  }
0x1b: {  	s9 =	sadd.s32 $0xFFFFFEF7, lr;
	s5 =	simm.s32 $0xFFFFFFFF;
	p2 =	slt.u32 s8, $0xFFFFF086  }
0x1c: {  	p1 =	slt.u32 s9, $0xF7A;
	s5 =	simm.s32 @!p2 $0x0  }
0x1d: {  	s5 =	simm.s32 @p1 $0x1;
	p0 =	seq.s32 s7, s2  }
0x1e: {  	s7 =	smul.u32 @!p0 $0xF7A, s2;
	p2 =	seq.s32 @!p0 s5, $0x0  }
0x1f: {  	s9 =	smul.u32 $0xF7A, s1;
	s8 =	simm.s32 @!p0 $0x1BF5;
	p2 =	por !p2, p0  }
0x20: {  	[sflag:s8] =	ssyncset.s32 @!p0 $0xFFFFF086;
	s6 =	sadd.s32 @!p0 s3, s7;
	s7 =	simm.s32 @!p0 $0x108  }
0x21: {  	s3 =	sadd.s32 s3, s9;
	s6 =	sadd.s32 @!p0 $0x88, s6;
	s7 =	simm.s32 @p2 $0x1082  }
0x22: {  	[simem:s7], [sflag:s8] =	dma.local @!p0 [hbm:s6], $0xF7A  }
0x23: {  	s9 =	sor.u32 $0xD0000000, s2;
	s6 =	simm.s32 $0x108;
	_ =	swait.ge @!p0 [sflag:s8], $0x0  }
0x24: {  	s3 =	sadd.s32 $0x88, s3;
	s6 =	simm.s32 @!p1 $0x1082;
	[sflag:s4] =	ssyncset.s32 $0xFFFFF086  }
0x25: {  	[simem:s6], [sflag:s4] =	dma.local [hbm:s3], $0xF7A  }
0x26: {  	[smem:$0x3F99] =	sst s1;
	(tag) =	ssettag s2;
	_ =	strace s9  }
0x27: {  	s1 =	sld [smem:$0x3FA9]  }
0x28: {  	s2 =	sld [smem:$0x3FAA]  }
0x29: {  	s4 =	sld [smem:$0x3FAC]  }
0x2a: {  	p0 =	seq.s32 s5, $0x0;
	s5 =	sld [smem:$0x3FAD]  }
0x2b: {  	s6 =	sld [smem:$0x3FAE]  }
0x2c: {  	s7 =	sld [smem:$0x3FAF]  }
0x2d: {  	s3 =	simm.s32 $0x108;
	s8 =	sld [smem:$0x3FB0]  }
0x2e: {  	s3 =	simm.s32 @!p0 $0x1082;
	s9 =	sld [smem:$0x3FB1]  }
0x2f: {  	lr =	sadd.s32 s0, s3;
	s0 =	sld [smem:$0x3FA8]  }
0x30: {  	s3 =	sld [smem:$0x3FAB]  }
0x31: {  	[smem:$0x3FB4] =	sst s10  }
0x32: {  	s10 =	sld [smem:$0x3FB2];
	_ =	sdelay $0x3  }
0x33: {  	p0 =	seq.s32 s10, $0x1;
	s10 =	sld [smem:$0x3FB4];
	_ =	sdelay $0x3  }
0x34: {  	[smem:$0x3FB4] =	sst s10  }
0x35: {  	s10 =	sld [smem:$0x3FB3];
	_ =	sdelay $0x3  }
0x36: {  	p1 =	seq.s32 s10, $0x1;
	s10 =	sld [smem:$0x3FB4];
	_ =	sdelay $0x3  }
0x37: {  	[smem:$0x3FB4] =	sst s10  }
0x38: {  	s10 =	sld [smem:$0x3FB5]  }
0x39: {  	_ = 	snop;
	(pc) =	sbr.ind lr, $3  }
0x3a: {  	_ = 	snop  }
0x3b: {  	_ = 	snop  }
0x3c: {  	p2 =	seq.s32 s10, $0x1;
	s10 =	sld [smem:$0x3FB4]  }
0x3d: {  	_ =	shalt  }
0x3e: {  	_ =	shalt  }
0x3f: {  	_ =	shalt  }
0x40: {  	_ =	shalt  }
0x41: {  	_ =	shalt  }
0x42: {  	_ =	shalt  }
0x43: {  	_ =	shalt  }
0x44: {  	_ =	shalt  }
0x45: {  	_ =	shalt  }
0x46: {  	_ =	shalt  }
0x47: {  	_ =	shalt  }
0x48: {  	_ =	shalt  }
0x49: {  	_ =	shalt  }
0x4a: {  	_ =	shalt  }
0x4b: {  	_ =	shalt  }
0x4c: {  	_ =	shalt  }
0x4d: {  	_ =	shalt  }
0x4e: {  	_ =	shalt  }
0x4f: {  	_ =	shalt  }
0x50: {  	_ =	shalt  }
0x51: {  	_ =	shalt  }
0x52: {  	_ =	shalt  }
0x53: {  	_ =	shalt  }
0x54: {  	_ =	shalt  }
0x55: {  	_ =	shalt  }
0x56: {  	_ =	shalt  }
0x57: {  	_ =	shalt  }
0x58: {  	_ =	shalt  }
0x59: {  	_ =	shalt  }
0x5a: {  	_ =	shalt  }
0x5b: {  	_ =	shalt  }
0x5c: {  	_ =	shalt  }
0x5d: {  	_ =	shalt  }
0x5e: {  	_ =	shalt  }
0x5f: {  	_ =	shalt  }
0x60: {  	_ =	shalt  }
0x61: {  	_ =	shalt  }
0x62: {  	_ =	shalt  }
0x63: {  	_ =	shalt  }
0x64: {  	_ =	shalt  }
0x65: {  	_ =	shalt  }
0x66: {  	_ =	shalt  }
0x67: {  	_ =	shalt  }
0x68: {  	_ =	shalt  }
0x69: {  	_ =	shalt  }
0x6a: {  	_ =	shalt  }
0x6b: {  	_ =	shalt  }
0x6c: {  	_ =	shalt  }
0x6d: {  	_ =	shalt  }
0x6e: {  	_ =	shalt  }
0x6f: {  	_ =	shalt  }
0x70: {  	_ =	shalt  }
0x71: {  	_ =	shalt  }
0x72: {  	_ =	shalt  }
0x73: {  	_ =	shalt  }
0x74: {  	_ =	shalt  }
0x75: {  	_ =	shalt  }
0x76: {  	_ =	shalt  }
0x77: {  	_ =	shalt  }
0x78: {  	_ =	shalt  }
0x79: {  	_ =	shalt  }
0x7a: {  	_ =	shalt  }
0x7b: {  	_ =	shalt  }
0x7c: {  	_ =	shalt  }
0x7d: {  	_ =	shalt  }
0x7e: {  	_ =	shalt  }
0x7f: {  	_ =	shalt  }
0x80: {  	_ =	shalt  }
0x81: {  	_ =	shalt  }
0x82: {  	_ =	shalt  }
0x83: {  	_ =	shalt  }
0x84: {  	_ =	shalt  }
0x85: {  	_ =	shalt  }
0x86: {  	_ =	shalt  }
0x87: {  	_ =	shalt  }
.Lfunc_end0:
.L_simem_size_0:
called_computation.1_lowered:
.L_overlay_start_0:
0x88: {  	s2 =	sld [smem:$0x3FD9]  }
0x89: {  	s3 =	sld [smem:$0x3FFE];
	_ =	sdelay $0x1  }
0x8a: {  	s1 =	srdreg.scid  }
0x8b: {  	s0 =	sand.u32 $0x1, s1  }
0x8c: {  	s16 =	sshll.u32 s0, $0xA;
	s2 =	sadd.s32 s3, s2  }
0x8d: {  	s2 =	sadd.s32 s2, s16  }
0x8e: {  	[smem:$0x3FC0] =	sst s2  }
0x8f: {  	_ = 	snop  }
0x90: {  	(tm) =	ssettm $0x1  }
0x91: {  	s17 =	sld [smem:$0x3FFB];
	_ =	sdelay $0x3  }
0x92: {  	_ =	strace s17  }
0x93: {  	s2 =	sld [smem:$0x3FFC];
	_ =	sdelay $0x3  }
0x94: {  	_ =	strace s2  }
0x95: {  	s2 =	sld [smem:$0x3FFD];
	_ =	sdelay $0x3  }
0x96: {  	_ =	strace s2  }
0x97: {  	_ =	strace $0x8FFFFFFF  }
0x98: {  	s18 =	sld [smem:$0x3FDB];
	_ =	sdelay $0x1  }
0x99: {  	s19 =	simm.s32 $_scs_section_size  }
0x9a: {  	s4 =	simm.s32 $_size__tile_overlayer_lowered;
	s5 =	simm.s32 $_tile_overlayer_lowered  }
0x9b: {  	s22 =	simm.s32 $0x1BFF;
	s21 =	sshll.u32 s5, $0x1;
	s2 =	sadd.s32 s19, s18  }
0x9c: {  	s6 =	simm.s32 $0x0;
	s20 =	sshll.u32 s4, $0x1;
	s4 =	sadd.s32 s21, s2  }
0x9d: {  	[timem:s6], [sflag:s22] =	dma.local [hbm:s4], s20  }
0x9e: {  	_ =	swait.ge [sflag:s22], s20  }
0x9f: {  	s3 =	ssub.s32 $0x0, s20;
	[sflag:s22] =	ssyncset.done $0x0  }
0xa0: {  	[sflag:s22] =	ssyncadd.s32 s3;
	_ =	sdelay $0x1  }
0xa1: {  	s23 =	simm.s32 $0x1B8B  }
0xa2: {  	_ =	swait.ge [sflag:s23], $0x1  }
0xa3: {  	[sflag:s23] =	ssyncset.done $0x0  }
0xa4: {  	s25 =	simm.s32 $0x1B8E;
	s24 =	sld [smem:$0x3FFE];
	[sflag:s23] =	ssyncadd.s32 $0xFFFFFFFF  }
0xa5: {  	s26 =	simm.s32 $execute0_lowered;
	[smem:$0x3FD2] =	sst s25  }
0xa6: {  	s4 =	sshll.u32 s26, $0x1;
	_ =	strace $0x80000046;
	[dreg:$0x1] =	wrdreg $0xFFFFFFFF  }
0xa7: {  	s28 =	simm.s32 $_size_execute0_lowered;
	s2 =	sadd.s32 s2, s4;
	[dreg:$0x0] =	wrdreg $0x0  }
0xa8: {  	s4 =	sshll.u32 s28, $0x1;
	[dreg:$0x2] =	wrdreg s2  }
0xa9: {  	[dreg:$0x3] =	wrdreg s4  }
0xaa: {  	[dreg:$0x4] =	wrdreg $0xC0  }
0xab: {  	_ =	task [dreg:s6], $0x5FFFF  }
0xac: {  	[dreg:$0x1] =	wrdreg $0xFFFFFFFF  }
0xad: {  	[dreg:$0x0] =	wrdreg $0x60  }
0xae: {  	[dreg:$0x2] =	wrdreg s24  }
0xaf: {  	[dreg:$0x3] =	wrdreg $0xA  }
0xb0: {  	_ =	task.clear_ibuf [dreg:s6], $0x4FFFF;
	_ =	strace $0x90000046  }
0xb1: {  	s29 =	simm.s32 $0xA;
	_ =	strace $0x80000048  }
0xb2: {  	_ =	swait.ge [sflag:s29], $0x1  }
0xb3: {  	[sflag:s29] =	ssyncadd.s32 $0xFFFFFFFF  }
0xb4: {  	_ =	strace $0x90000048  }
0xb5: {  	_ =	sfence  }
0xb6: {  	s30 =	sld [smem:$0x0];
	_ =	sdelay $0x2  }
0xb7: {  	s31 =	sshll.u32 s1, $0xD;
	s1 =	sshrl.u32 s1, $0x2  }
0xb8: {  	s3 =	sand.u32 $0x4000, s31;
	s1 =	sadd.s32 s1, s30  }
0xb9: {  	s0 =	sor.u32 s3, s0;
	s1 =	sshll.u32 s1, $0x11  }
0xba: {  	s0 =	sor.u32 s1, s0  }
0xbb: {  	s0 =	sadd.s32 $0x8F2B, s0  }
0xbc: {  	[sflag:s0] =	ssyncadd.remote.s32 $0x1  }
0xbd: {  	_ =	sfence.sel $0xFFFF  }
0xbe: {  	[dreg:$0x0] =	wrdreg $0xFFFFFFFF;
	(pc) =	sbr.abs _section_cstart, $3  }
0xbf: {  	[dreg:$0x1] =	wrdreg $0xFFFFFFFF  }
0xc0: {  	_ =	task.clear_ibuf [dreg:s6], $0x2FFFF;
	_ =	strace $0x9FFFFFFF  }
0xc1: {  	(tm) =	ssettm $0x7FFFFFFF  }
tec
execute0_lowered:
.L_overlay_start_1:
0x0: {  	(tag) =	ssettag $0x1  }
0x1: {  	s0 =	rddreg [dreg:$0x0]  }
0x2: {  	s1 =	srdreg.scid;
	s3 =	stileid.u32  }
0x3: {  	s2 =	simm.s32 $0x0;
	s11 =	simm.s32 $0x3;
	s12 =	simm.s32 $0x80  }
0x4: {  	s14 =	simm.s32 $0x2800;
	s16 =	simm.s32 $0x3800;
	s18 =	simm.s32 $0x4800  }
0x5: {  	s20 =	simm.s32 $0x5800;
	s22 =	simm.s32 $0x6800;
	s29 =	simm.s32 $0x9800  }
0x6: {  	s31 =	simm.s32 $0xA800;
	s15 =	simm.s32 $0xC800;
	s19 =	simm.s32 $0xD800  }
0x7: {  	s23 =	simm.s32 $0xE800;
	s28 =	simm.s32 $0xF800;
	s17 =	simm.s32 $0x11800  }
0x8: {  	s21 =	simm.s32 $0x1;
	s13 =	simm.s32 $0x2;
	s1 =	sand.u32 $0x1, s1  }
0x9: {  	s3 =	sshll.u32 s3, $0x1;
	[smem:$0x7FF] =	sst s2;
	s6 =	sadd.s32 $0x40B400, s0  }
0xa: {  	s4 =	sor.u32 s1, s3;
	_ =	strace $0x80000047;
	s1 =	ssub.s32 $0x2, s1  }
0xb: {  	s5 =	smul.u32 $0x1400, s4;
	s7 =	sshrl.u32 s1, $0x1;
	s8 =	sshll.u32 s4, $0xC  }
0xc: {  	s3 =	sadd.s32 $0xB400, s0;
	s1 =	ssub.s32 s1, s7;
	s4 =	sadd.s32 s6, s8  }
0xd: {  	s26 =	sor.u32 $0x40000, s8;
	s5 =	sshrl.u32 s5, $0x3;
	s24 =	sadd.s32 $0x80000, s4  }
0xe: {  	s1 =	smax.u32 s1, $0x1;
	s30 =	sadd.s32 s6, s26;
	[dreg:$0x3] =	wrdreg s24  }
0xf: {  	s5 =	sadd.s32 s0, s5;
	s0 =	sadd.s32 $0x42B400, s0;
	[dreg:$0x4] =	wrdreg s1  }
0x10: {  	[dreg:$0x6] =	wrdreg s30;
	s24 =	simm.s32 $0x7800;
	s5 =	sadd.s32 $0x6400, s5  }
0x11: {  	s1 =	simm.s32 $0xB800;
	s25 =	sadd.s32 s8, s0;
	[dreg:$0x2] =	wrdreg s5  }
0x12: {  	v0 =	vlaneseq.u32;
	s0 =	sadd.s32 s26, s0;
	s26 =	simm.s32 $0x8800;
	[dreg:$0x5] =	wrdreg s25  }
0x13: {  	v1 =	vand.u32 $0x3, v0;
	[dreg:$0x7] =	wrdreg s0;
	s0 =	simm.s32 $0x10800;
	s25 =	simm.s32 $0x0  }
.LBB2_1:
0x14: {  	v2 =	vor.u32 s2, v0  }
0x15: {  	v2 =	vshrl.u32 v2, $0x2  }
0x16: {  	v3 =	vmov s2;
	v2 =	vand.u32 $0xFF, v2  }
0x17: {  	v3 =	vshrl.u32 v3, $0x8;
	v2 =	vmul.u32 $0x14, v2  }
0x18: {  	v3 =	vand.u32 $0x1C, v3  }
0x19: {  	v2 =	vadd.s32 v3, v2  }
0x1a: {  	s5 =	rddreg [dreg:$0x2];
	v2 =	vor.u32 v1, v2  }
0x1b: {  	[tilespmem:s2], [sflag:$0x3] =	stream.linear.gather [hbm4b:s5+s2], $0x1400, $0x38;
	[tilespmem:$0x12800] =	vst v63  }
0x1c: {  	s30 =	simm.s32 $0x10;
	_ =	swait.ge [sflag:s11], $0x1400  }
0x1d: {  	s8 =	simm.s32 $0x80;
	s7 =	simm.s32 $0x0;
	[sflag:s11] =	ssyncset.done $0x0  }
0x1e: {  	s6 =	simm.s32 $0x0;
	s5 =	simm.s32 $0x40;
	[sflag:s11] =	ssyncadd.s32 $0xFFFFEC00;
	v3 =	vor.u32 s30, v0  }
.LBB2_2:
0x1f: {  	p0 =	sne.s32 s8, $0x4FC0;
	v3 =	vshrl.u32 v3, $0x2;
	v4 =	vld.idx.msk [tilespmem:v2+s2+$0x0], $0xffff  }
0x20: {  	v2 =	vmov s30;
	v3 =	vand.u32 $0xFF, v3  }
0x21: {  	v2 =	vshrl.u32 v2, $0x8;
	v3 =	vmul.u32 $0x14, v3  }
0x22: {  	v2 =	vand.u32 $0x1C, v2  }
0x23: {  	v2 =	vadd.s32 v2, v3  }
.Ltmp0:
0x24: {  	v2 =	vor.u32 v1, v2;
	(pc) =	sbr.rel @p0 .LBB2_2-.Ltmp0, $4  }
0x25: {  	s9 =	sand.u32 $0x7E00, s7;
	s7 =	smov.u32 s5;
	s5 =	smov.u32 s8;
	v3 =	vshll.u32 v4, $0x2  }
0x26: {  	s10 =	sand.u32 $0x70, s6;
	s6 =	smov.u32 s30;
	s9 =	sshrl.u32 s9, $0x2;
	v4 =	vshrl.u32 v4, $0x12;
	v3 =	vand.u32 $0xFFFFC, v3  }
0x27: {  	s30 =	sadd.s32 $0x10, s30;
	s9 =	sor.u32 s10, s9;
	v4 =	vadd.s32 v4, v3  }
0x28: {  	s8 =	sadd.s32 $0x40, s8;
	v3 =	vor.u32 s30, v0;
	[tilespmem:s9+$0x1400] =	vst v4  }
0x29: {  	_ =	sdelay $0x2  }
0x2a: {  	v3 =	vshrl.u32 v3, $0x2  }
0x2b: {  	v2 =	vld.idx.msk [tilespmem:v2+s2+$0x0], $0xffff;
	v4 =	vmov s30;
	v3 =	vand.u32 $0xFF, v3  }
0x2c: {  	v4 =	vshrl.u32 v4, $0x8;
	v3 =	vmul.u32 $0x14, v3  }
0x2d: {  	v4 =	vand.u32 $0x1C, v4  }
0x2e: {  	v3 =	vadd.s32 v4, v3  }
0x2f: {  	v3 =	vor.u32 v1, v3  }
0x30: {  	s7 =	sand.u32 $0x7E00, s7;
	v63 =	vshll.u32 v2, $0x2  }
0x31: {  	s6 =	sand.u32 $0x70, s6;
	s7 =	sshrl.u32 s7, $0x2;
	v2 =	vshrl.u32 v2, $0x12;
	v4 =	vand.u32 $0xFFFFC, v63  }
0x32: {  	s6 =	sor.u32 s6, s7;
	v2 =	vadd.s32 v2, v4  }
0x33: {  	[tilespmem:s6+$0x1400] =	vst v2  }
0x34: {  	v2 =	vld.idx.msk [tilespmem:v3+s2+$0x0], $0xffff;
	_ =	sdelay $0x4  }
0x35: {  	s5 =	sand.u32 $0x7E00, s5;
	v3 =	vshll.u32 v2, $0x2  }
0x36: {  	s8 =	sand.u32 $0x70, s30;
	s5 =	sshrl.u32 s5, $0x2;
	v2 =	vshrl.u32 v2, $0x12;
	v3 =	vand.u32 $0xFFFFC, v3  }
0x37: {  	s5 =	sor.u32 s8, s5;
	v2 =	vadd.s32 v2, v3  }
0x38: {  	s9 =	simm.s32 $0x1400;
	[tilespmem:s5+$0x1400] =	vst v2  }
0x39: {  	[tilespmem:s14], [sflag:$0x1] =	stream.indirect.gather [hbm4b:s3+s12], $0x20, s9, s12, $0xb8;
	[tilespmem:$0x12800] =	vst v63  }
0x3a: {  	s10 =	simm.s32 $0x1480  }
0x3b: {  	[tilespmem:s16], [sflag:$0x1] =	stream.indirect.gather [hbm4b:s3+s12], $0x20, s10, s12, $0xb8;
	[tilespmem:$0x12800] =	vst v63  }
0x3c: {  	s30 =	simm.s32 $0x1500  }
0x3d: {  	[tilespmem:s18], [sflag:$0x1] =	stream.indirect.gather [hbm4b:s3+s12], $0x20, s30, s12, $0xb8;
	[tilespmem:$0x12800] =	vst v63  }
0x3e: {  	s6 =	simm.s32 $0x1580  }
0x3f: {  	[tilespmem:s20], [sflag:$0x1] =	stream.indirect.gather [hbm4b:s3+s12], $0x20, s6, s12, $0xb8;
	[tilespmem:$0x12800] =	vst v63  }
0x40: {  	s7 =	simm.s32 $0x1600  }
0x41: {  	[tilespmem:s22], [sflag:$0x1] =	stream.indirect.gather [hbm4b:s3+s12], $0x20, s7, s12, $0xb8;
	[tilespmem:$0x12800] =	vst v63  }
0x42: {  	s8 =	simm.s32 $0x1680  }
0x43: {  	[tilespmem:s24], [sflag:$0x1] =	stream.indirect.gather [hbm4b:s3+s12], $0x20, s8, s12, $0xb8;
	[tilespmem:$0x12800] =	vst v63  }
0x44: {  	s9 =	simm.s32 $0x1700  }
0x45: {  	[tilespmem:s26], [sflag:$0x1] =	stream.indirect.gather [hbm4b:s3+s12], $0x20, s9, s12, $0xb8;
	[tilespmem:$0x12800] =	vst v63  }
0x46: {  	s10 =	simm.s32 $0x1780  }
0x47: {  	[tilespmem:s29], [sflag:$0x1] =	stream.indirect.gather [hbm4b:s3+s12], $0x20, s10, s12, $0xb8;
	[tilespmem:$0x12800] =	vst v63  }
0x48: {  	s30 =	simm.s32 $0x1800  }
0x49: {  	[tilespmem:s31], [sflag:$0x2] =	stream.indirect.gather [hbm4b:s3+s12], $0x20, s30, s12, $0xb8;
	[tilespmem:$0x12800] =	vst v63  }
0x4a: {  	s6 =	simm.s32 $0x1880  }
0x4b: {  	[tilespmem:s1], [sflag:$0x2] =	stream.indirect.gather [hbm4b:s3+s12], $0x20, s6, s12, $0xb8;
	[tilespmem:$0x12800] =	vst v63  }
0x4c: {  	s7 =	simm.s32 $0x1900  }
0x4d: {  	[tilespmem:s15], [sflag:$0x2] =	stream.indirect.gather [hbm4b:s3+s12], $0x20, s7, s12, $0xb8;
	[tilespmem:$0x12800] =	vst v63  }
0x4e: {  	s8 =	simm.s32 $0x1980  }
0x4f: {  	[tilespmem:s19], [sflag:$0x2] =	stream.indirect.gather [hbm4b:s3+s12], $0x20, s8, s12, $0xb8;
	[tilespmem:$0x12800] =	vst v63  }
0x50: {  	s9 =	simm.s32 $0x1A00  }
0x51: {  	[tilespmem:s23], [sflag:$0x2] =	stream.indirect.gather [hbm4b:s3+s12], $0x20, s9, s12, $0xb8;
	[tilespmem:$0x12800] =	vst v63  }
0x52: {  	s10 =	simm.s32 $0x1A80  }
0x53: {  	[tilespmem:s28], [sflag:$0x2] =	stream.indirect.gather [hbm4b:s3+s12], $0x20, s10, s12, $0xb8;
	[tilespmem:$0x12800] =	vst v63  }
0x54: {  	s30 =	simm.s32 $0x1B00  }
0x55: {  	[tilespmem:s0], [sflag:$0x2] =	stream.indirect.gather [hbm4b:s3+s12], $0x20, s30, s12, $0xb8;
	[tilespmem:$0x12800] =	vst v63  }
0x56: {  	s6 =	simm.s32 $0x1B80  }
0x57: {  	[tilespmem:s17], [sflag:$0x2] =	stream.indirect.gather [hbm4b:s3+s12], $0x20, s6, s12, $0xb8;
	[tilespmem:$0x12800] =	vst v63  }
0x58: {  	_ =	swait.ge [sflag:s21], $0x1000  }
0x59: {  	[sflag:s21] =	ssyncset.done $0x0  }
0x5a: {  	[sflag:s21] =	ssyncadd.s32 $0xFFFFF000  }
0x5b: {  	_ =	swait.ge [sflag:s21], $0x1000  }
0x5c: {  	[sflag:s21] =	ssyncset.done $0x0  }
0x5d: {  	[sflag:s21] =	ssyncadd.s32 $0xFFFFF000  }
0x5e: {  	_ =	swait.ge [sflag:s21], $0x1000  }
0x5f: {  	[sflag:s21] =	ssyncset.done $0x0  }
0x60: {  	[sflag:s21] =	ssyncadd.s32 $0xFFFFF000  }
0x61: {  	_ =	swait.ge [sflag:s21], $0x1000  }
0x62: {  	[sflag:s21] =	ssyncset.done $0x0  }
0x63: {  	[sflag:s21] =	ssyncadd.s32 $0xFFFFF000  }
0x64: {  	_ =	swait.ge [sflag:s21], $0x1000  }
0x65: {  	[sflag:s21] =	ssyncset.done $0x0  }
0x66: {  	[sflag:s21] =	ssyncadd.s32 $0xFFFFF000  }
0x67: {  	_ =	swait.ge [sflag:s21], $0x1000  }
0x68: {  	[sflag:s21] =	ssyncset.done $0x0  }
0x69: {  	[sflag:s21] =	ssyncadd.s32 $0xFFFFF000  }
0x6a: {  	_ =	swait.ge [sflag:s21], $0x1000  }
0x6b: {  	[sflag:s21] =	ssyncset.done $0x0  }
0x6c: {  	[sflag:s21] =	ssyncadd.s32 $0xFFFFF000  }
0x6d: {  	_ =	swait.ge [sflag:s21], $0x1000  }
0x6e: {  	[sflag:s21] =	ssyncset.done $0x0  }
0x6f: {  	[sflag:s21] =	ssyncadd.s32 $0xFFFFF000  }
0x70: {  	[hbm4b:s4+s2] =	stream.linear.scatter [tilespmem:s14], [sflag:$0x3], $0x8000, $0x38;
	[tilespmem:$0x12800] =	vst v63  }
0x71: {  	_ =	swait.ge [sflag:s11], $0x8000  }
0x72: {  	[sflag:s11] =	ssyncset.done $0x0  }
0x73: {  	s7 =	simm.s32 $0x1C00;
	[sflag:s11] =	ssyncadd.s32 $0xFFFF8000  }
0x74: {  	[tilespmem:s14], [sflag:$0x1] =	stream.indirect.gather [hbm4b:s3+s12], $0x20, s7, s12, $0xb8;
	[tilespmem:$0x12800] =	vst v63  }
0x75: {  	s8 =	simm.s32 $0x1C80  }
0x76: {  	[tilespmem:s16], [sflag:$0x1] =	stream.indirect.gather [hbm4b:s3+s12], $0x20, s8, s12, $0xb8;
	[tilespmem:$0x12800] =	vst v63  }
0x77: {  	s9 =	simm.s32 $0x1D00  }
0x78: {  	[tilespmem:s18], [sflag:$0x1] =	stream.indirect.gather [hbm4b:s3+s12], $0x20, s9, s12, $0xb8;
	[tilespmem:$0x12800] =	vst v63  }
0x79: {  	s10 =	simm.s32 $0x1D80  }
0x7a: {  	[tilespmem:s20], [sflag:$0x1] =	stream.indirect.gather [hbm4b:s3+s12], $0x20, s10, s12, $0xb8;
	[tilespmem:$0x12800] =	vst v63  }
0x7b: {  	s30 =	simm.s32 $0x1E00  }
0x7c: {  	[tilespmem:s22], [sflag:$0x1] =	stream.indirect.gather [hbm4b:s3+s12], $0x20, s30, s12, $0xb8;
	[tilespmem:$0x12800] =	vst v63  }
0x7d: {  	s6 =	simm.s32 $0x1E80  }
0x7e: {  	[tilespmem:s24], [sflag:$0x1] =	stream.indirect.gather [hbm4b:s3+s12], $0x20, s6, s12, $0xb8;
	[tilespmem:$0x12800] =	vst v63  }
0x7f: {  	s7 =	simm.s32 $0x1F00  }
0x80: {  	[tilespmem:s26], [sflag:$0x1] =	stream.indirect.gather [hbm4b:s3+s12], $0x20, s7, s12, $0xb8;
	[tilespmem:$0x12800] =	vst v63  }
0x81: {  	s8 =	simm.s32 $0x1F80  }
0x82: {  	[tilespmem:s29], [sflag:$0x1] =	stream.indirect.gather [hbm4b:s3+s12], $0x20, s8, s12, $0xb8;
	[tilespmem:$0x12800] =	vst v63  }
0x83: {  	_ =	swait.ge [sflag:s13], $0x1000  }
0x84: {  	[sflag:s13] =	ssyncset.done $0x0  }
0x85: {  	[sflag:s13] =	ssyncadd.s32 $0xFFFFF000  }
0x86: {  	_ =	swait.ge [sflag:s13], $0x1000  }
0x87: {  	[sflag:s13] =	ssyncset.done $0x0  }
0x88: {  	[sflag:s13] =	ssyncadd.s32 $0xFFFFF000  }
0x89: {  	_ =	swait.ge [sflag:s13], $0x1000  }
0x8a: {  	[sflag:s13] =	ssyncset.done $0x0  }
0x8b: {  	[sflag:s13] =	ssyncadd.s32 $0xFFFFF000  }
0x8c: {  	_ =	swait.ge [sflag:s13], $0x1000  }
0x8d: {  	[sflag:s13] =	ssyncset.done $0x0  }
0x8e: {  	[sflag:s13] =	ssyncadd.s32 $0xFFFFF000  }
0x8f: {  	_ =	swait.ge [sflag:s13], $0x1000  }
0x90: {  	[sflag:s13] =	ssyncset.done $0x0  }
0x91: {  	[sflag:s13] =	ssyncadd.s32 $0xFFFFF000  }
0x92: {  	_ =	swait.ge [sflag:s13], $0x1000  }
0x93: {  	[sflag:s13] =	ssyncset.done $0x0  }
0x94: {  	[sflag:s13] =	ssyncadd.s32 $0xFFFFF000  }
0x95: {  	_ =	swait.ge [sflag:s13], $0x1000  }
0x96: {  	[sflag:s13] =	ssyncset.done $0x0  }
0x97: {  	[sflag:s13] =	ssyncadd.s32 $0xFFFFF000  }
0x98: {  	_ =	swait.ge [sflag:s13], $0x1000  }
0x99: {  	[sflag:s13] =	ssyncset.done $0x0  }
0x9a: {  	s9 =	rddreg [dreg:$0x5];
	[sflag:s13] =	ssyncadd.s32 $0xFFFFF000  }
0x9b: {  	[hbm4b:s9+s2] =	stream.linear.scatter [tilespmem:s31], [sflag:$0x3], $0x8000, $0x38;
	[tilespmem:$0x12800] =	vst v63  }
0x9c: {  	_ =	swait.ge [sflag:s11], $0x8000  }
0x9d: {  	[sflag:s11] =	ssyncset.done $0x0  }
0x9e: {  	s10 =	simm.s32 $0x2000;
	[sflag:s11] =	ssyncadd.s32 $0xFFFF8000  }
0x9f: {  	[tilespmem:s31], [sflag:$0x2] =	stream.indirect.gather [hbm4b:s3+s12], $0x20, s10, s12, $0xb8;
	[tilespmem:$0x12800] =	vst v63  }
0xa0: {  	s30 =	simm.s32 $0x2080  }
0xa1: {  	[tilespmem:s1], [sflag:$0x2] =	stream.indirect.gather [hbm4b:s3+s12], $0x20, s30, s12, $0xb8;
	[tilespmem:$0x12800] =	vst v63  }
0xa2: {  	s6 =	simm.s32 $0x2100  }
0xa3: {  	[tilespmem:s15], [sflag:$0x2] =	stream.indirect.gather [hbm4b:s3+s12], $0x20, s6, s12, $0xb8;
	[tilespmem:$0x12800] =	vst v63  }
0xa4: {  	s7 =	simm.s32 $0x2180  }
0xa5: {  	[tilespmem:s19], [sflag:$0x2] =	stream.indirect.gather [hbm4b:s3+s12], $0x20, s7, s12, $0xb8;
	[tilespmem:$0x12800] =	vst v63  }
0xa6: {  	s8 =	simm.s32 $0x2200  }
0xa7: {  	[tilespmem:s23], [sflag:$0x2] =	stream.indirect.gather [hbm4b:s3+s12], $0x20, s8, s12, $0xb8;
	[tilespmem:$0x12800] =	vst v63  }
0xa8: {  	s9 =	simm.s32 $0x2280  }
0xa9: {  	[tilespmem:s28], [sflag:$0x2] =	stream.indirect.gather [hbm4b:s3+s12], $0x20, s9, s12, $0xb8;
	[tilespmem:$0x12800] =	vst v63  }
0xaa: {  	s10 =	simm.s32 $0x2300  }
0xab: {  	[tilespmem:s0], [sflag:$0x2] =	stream.indirect.gather [hbm4b:s3+s12], $0x20, s10, s12, $0xb8;
	[tilespmem:$0x12800] =	vst v63  }
0xac: {  	s30 =	simm.s32 $0x2380  }
0xad: {  	[tilespmem:s17], [sflag:$0x2] =	stream.indirect.gather [hbm4b:s3+s12], $0x20, s30, s12, $0xb8;
	[tilespmem:$0x12800] =	vst v63  }
0xae: {  	_ =	swait.ge [sflag:s21], $0x1000  }
0xaf: {  	[sflag:s21] =	ssyncset.done $0x0  }
0xb0: {  	[sflag:s21] =	ssyncadd.s32 $0xFFFFF000  }
0xb1: {  	_ =	swait.ge [sflag:s21], $0x1000  }
0xb2: {  	[sflag:s21] =	ssyncset.done $0x0  }
0xb3: {  	[sflag:s21] =	ssyncadd.s32 $0xFFFFF000  }
0xb4: {  	_ =	swait.ge [sflag:s21], $0x1000  }
0xb5: {  	[sflag:s21] =	ssyncset.done $0x0  }
0xb6: {  	[sflag:s21] =	ssyncadd.s32 $0xFFFFF000  }
0xb7: {  	_ =	swait.ge [sflag:s21], $0x1000  }
0xb8: {  	[sflag:s21] =	ssyncset.done $0x0  }
0xb9: {  	[sflag:s21] =	ssyncadd.s32 $0xFFFFF000  }
0xba: {  	_ =	swait.ge [sflag:s21], $0x1000  }
0xbb: {  	[sflag:s21] =	ssyncset.done $0x0  }
0xbc: {  	[sflag:s21] =	ssyncadd.s32 $0xFFFFF000  }
0xbd: {  	_ =	swait.ge [sflag:s21], $0x1000  }
0xbe: {  	[sflag:s21] =	ssyncset.done $0x0  }
0xbf: {  	[sflag:s21] =	ssyncadd.s32 $0xFFFFF000  }
0xc0: {  	_ =	swait.ge [sflag:s21], $0x1000  }
0xc1: {  	[sflag:s21] =	ssyncset.done $0x0  }
0xc2: {  	[sflag:s21] =	ssyncadd.s32 $0xFFFFF000  }
0xc3: {  	_ =	swait.ge [sflag:s21], $0x1000  }
0xc4: {  	[sflag:s21] =	ssyncset.done $0x0  }
0xc5: {  	s6 =	rddreg [dreg:$0x6];
	[sflag:s21] =	ssyncadd.s32 $0xFFFFF000  }
0xc6: {  	[hbm4b:s6+s2] =	stream.linear.scatter [tilespmem:s14], [sflag:$0x3], $0x8000, $0x38;
	[tilespmem:$0x12800] =	vst v63  }
0xc7: {  	_ =	swait.ge [sflag:s11], $0x8000  }
0xc8: {  	[sflag:s11] =	ssyncset.done $0x0  }
0xc9: {  	s7 =	simm.s32 $0x2400;
	[sflag:s11] =	ssyncadd.s32 $0xFFFF8000  }
0xca: {  	[tilespmem:s14], [sflag:$0x1] =	stream.indirect.gather [hbm4b:s3+s12], $0x20, s7, s12, $0xb8;
	[tilespmem:$0x12800] =	vst v63  }
0xcb: {  	s8 =	simm.s32 $0x2480  }
0xcc: {  	[tilespmem:s16], [sflag:$0x1] =	stream.indirect.gather [hbm4b:s3+s12], $0x20, s8, s12, $0xb8;
	[tilespmem:$0x12800] =	vst v63  }
0xcd: {  	s9 =	simm.s32 $0x2500  }
0xce: {  	[tilespmem:s18], [sflag:$0x1] =	stream.indirect.gather [hbm4b:s3+s12], $0x20, s9, s12, $0xb8;
	[tilespmem:$0x12800] =	vst v63  }
0xcf: {  	s10 =	simm.s32 $0x2580  }
0xd0: {  	[tilespmem:s20], [sflag:$0x1] =	stream.indirect.gather [hbm4b:s3+s12], $0x20, s10, s12, $0xb8;
	[tilespmem:$0x12800] =	vst v63  }
0xd1: {  	s30 =	simm.s32 $0x2600  }
0xd2: {  	[tilespmem:s22], [sflag:$0x1] =	stream.indirect.gather [hbm4b:s3+s12], $0x20, s30, s12, $0xb8;
	[tilespmem:$0x12800] =	vst v63  }
0xd3: {  	s6 =	simm.s32 $0x2680  }
0xd4: {  	[tilespmem:s24], [sflag:$0x1] =	stream.indirect.gather [hbm4b:s3+s12], $0x20, s6, s12, $0xb8;
	[tilespmem:$0x12800] =	vst v63  }
0xd5: {  	s7 =	simm.s32 $0x2700  }
0xd6: {  	[tilespmem:s26], [sflag:$0x1] =	stream.indirect.gather [hbm4b:s3+s12], $0x20, s7, s12, $0xb8;
	[tilespmem:$0x12800] =	vst v63  }
0xd7: {  	s8 =	simm.s32 $0x2780  }
0xd8: {  	[tilespmem:s29], [sflag:$0x1] =	stream.indirect.gather [hbm4b:s3+s12], $0x20, s8, s12, $0xb8;
	[tilespmem:$0x12800] =	vst v63  }
0xd9: {  	_ =	swait.ge [sflag:s13], $0x1000  }
0xda: {  	[sflag:s13] =	ssyncset.done $0x0  }
0xdb: {  	[sflag:s13] =	ssyncadd.s32 $0xFFFFF000  }
0xdc: {  	_ =	swait.ge [sflag:s13], $0x1000  }
0xdd: {  	[sflag:s13] =	ssyncset.done $0x0  }
0xde: {  	[sflag:s13] =	ssyncadd.s32 $0xFFFFF000  }
0xdf: {  	_ =	swait.ge [sflag:s13], $0x1000  }
0xe0: {  	[sflag:s13] =	ssyncset.done $0x0  }
0xe1: {  	[sflag:s13] =	ssyncadd.s32 $0xFFFFF000  }
0xe2: {  	_ =	swait.ge [sflag:s13], $0x1000  }
0xe3: {  	[sflag:s13] =	ssyncset.done $0x0  }
0xe4: {  	[sflag:s13] =	ssyncadd.s32 $0xFFFFF000  }
0xe5: {  	_ =	swait.ge [sflag:s13], $0x1000  }
0xe6: {  	[sflag:s13] =	ssyncset.done $0x0  }
0xe7: {  	[sflag:s13] =	ssyncadd.s32 $0xFFFFF000  }
0xe8: {  	_ =	swait.ge [sflag:s13], $0x1000  }
0xe9: {  	[sflag:s13] =	ssyncset.done $0x0  }
0xea: {  	[sflag:s13] =	ssyncadd.s32 $0xFFFFF000  }
0xeb: {  	_ =	swait.ge [sflag:s13], $0x1000  }
0xec: {  	[sflag:s13] =	ssyncset.done $0x0  }
0xed: {  	[sflag:s13] =	ssyncadd.s32 $0xFFFFF000  }
0xee: {  	_ =	swait.ge [sflag:s13], $0x1000  }
0xef: {  	[sflag:s13] =	ssyncset.done $0x0  }
0xf0: {  	s9 =	rddreg [dreg:$0x7];
	[sflag:s13] =	ssyncadd.s32 $0xFFFFF000  }
0xf1: {  	[hbm4b:s9+s2] =	stream.linear.scatter [tilespmem:s31], [sflag:$0x3], $0x8000, $0x38;
	[tilespmem:$0x12800] =	vst v63  }
0xf2: {  	_ =	swait.ge [sflag:s11], $0x8000  }
0xf3: {  	[sflag:s11] =	ssyncset.done $0x0  }
0xf4: {  	[sflag:s11] =	ssyncadd.s32 $0xFFFF8000  }
0xf5: {  	_ =	swait.ge [sflag:s21], $0x1000  }
0xf6: {  	[sflag:s21] =	ssyncset.done $0x0  }
0xf7: {  	[sflag:s21] =	ssyncadd.s32 $0xFFFFF000  }
0xf8: {  	_ =	swait.ge [sflag:s21], $0x1000  }
0xf9: {  	[sflag:s21] =	ssyncset.done $0x0  }
0xfa: {  	[sflag:s21] =	ssyncadd.s32 $0xFFFFF000  }
0xfb: {  	_ =	swait.ge [sflag:s21], $0x1000  }
0xfc: {  	[sflag:s21] =	ssyncset.done $0x0  }
0xfd: {  	[sflag:s21] =	ssyncadd.s32 $0xFFFFF000  }
0xfe: {  	_ =	swait.ge [sflag:s21], $0x1000  }
0xff: {  	[sflag:s21] =	ssyncset.done $0x0  }
0x100: {  	[sflag:s21] =	ssyncadd.s32 $0xFFFFF000  }
0x101: {  	_ =	swait.ge [sflag:s21], $0x1000  }
0x102: {  	[sflag:s21] =	ssyncset.done $0x0  }
0x103: {  	[sflag:s21] =	ssyncadd.s32 $0xFFFFF000  }
0x104: {  	_ =	swait.ge [sflag:s21], $0x1000  }
0x105: {  	[sflag:s21] =	ssyncset.done $0x0  }
0x106: {  	[sflag:s21] =	ssyncadd.s32 $0xFFFFF000  }
0x107: {  	_ =	swait.ge [sflag:s21], $0x1000  }
0x108: {  	[sflag:s21] =	ssyncset.done $0x0  }
0x109: {  	[sflag:s21] =	ssyncadd.s32 $0xFFFFF000  }
0x10a: {  	_ =	swait.ge [sflag:s21], $0x1000  }
0x10b: {  	[sflag:s21] =	ssyncset.done $0x0  }
0x10c: {  	s10 =	rddreg [dreg:$0x3];
	[sflag:s21] =	ssyncadd.s32 $0xFFFFF000  }
0x10d: {  	[hbm4b:s10+s2] =	stream.linear.scatter [tilespmem:s14], [sflag:$0x3], $0x8000, $0x38;
	[tilespmem:$0x12800] =	vst v63  }
0x10e: {  	_ =	swait.ge [sflag:s11], $0x8000  }
0x10f: {  	s25 =	sadd.s32 $0x1, s25;
	s30 =	rddreg [dreg:$0x4]  }
0x110: {  	p0 =	sne.s32 s25, s30  }
.Ltmp1:
0x111: {  	_ = 	snop;
	(pc) =	sbr.rel @p0 .LBB2_1-.Ltmp1, $3  }
0x112: {  	_ =	sdelay $0x1  }
0x113: {  	[sflag:s11] =	ssyncset.done $0x0  }
0x114: {  	[sflag:s11] =	ssyncadd.s32 $0xFFFF8000  }
0x115: {  	_ =	sfence.sel $0x180000  }
0x116: {  	[bflag:$0x0] =	sbarrier.arrive $0xFFFF  }
0x117: {  	_ =	strace $0x90000047  }
0x118: {  	s0 =	stileid.u32;
	[bflag:$0x2] =	sbarrier.arrive $0xFFFF  }
0x119: {  	p0 =	sne.s32 s0, $0x0;
	s0 =	rddreg [dreg:$0x1]  }
0x11a: {  	s0 =	sadd.s32 @!p0 $0x100000, s0  }
0x11b: {  	[sflag:s0] =	ssyncadd.tile.s32 @!p0 $0x1;
	_ =	shalt  }
.Lfunc_end2:
_tile_overlayer_lowered:
.L_overlay_start_2:
0x11c: {  	(tag) =	ssettag $0x2  }
0x11d: {  	s0 =	rddreg [dreg:$0x0];
	s2 =	stileid.u32  }
0x11e: {  	s1 =	rddreg [dreg:$0x1];
	p0 =	sne.s32 s2, $0x0  }
0x11f: {  	s3 =	rddreg [dreg:$0x2];
	[bflag:$0x3] =	sbarrier.arrive $0xFFFF;
	s2 =	simm.s32 @!p0 $0x1C03  }
0x120: {  	[timem:s3], [sflag:s2] =	dma.local @!p0 [hbm:s0], s1  }
0x121: {  	s0 =	simm.s32 @!p0 $0x3  }
0x122: {  	_ =	swait.ge @!p0 [sflag:s0], s1  }
0x123: {  	s1 =	ssub.s32 @!p0 $0x0, s1;
	[sflag:s0] =	ssyncset.done @!p0 $0x0  }
0x124: {  	[sflag:s0] =	ssyncadd.s32 @!p0 s1  }
0x125: {  	[bflag:$0x3] =	sbarrier.arrive $0xFFFF  }
0x126: {  	_ =	shalt  }

// kernel: kernel.7.cloned.1.call-start
scs
__scs_entry_jumppad:
0x0: {  	(pc) =	sbr.rel $0x88, $3  }
0x1: {  	(tag) =	ssettag $0x0;
	lr =	simm.s32 $0x1  }
0x2: {  	[smem:$0x3F99] =	sst lr;
	_ =	strace $0xD0000000  }
0x3: {  	_ = 	snop  }
0x4: {  	_ = 	snop  }
0x5: {  	_ = 	snop  }
0x6: {  	_ = 	snop  }
0x7: {  	_ = 	snop  }
__scs_overlays_trampoline_lowered:
0x8: {  	[smem:$0x3FA8] =	sst s0  }
0x9: {  	[smem:$0x3FA9] =	sst s1  }
0xa: {  	[smem:$0x3FAA] =	sst s2  }
0xb: {  	[smem:$0x3FAB] =	sst s3  }
0xc: {  	[smem:$0x3FAC] =	sst s4  }
0xd: {  	[smem:$0x3FAD] =	sst s5  }
0xe: {  	[smem:$0x3FAE] =	sst s6  }
0xf: {  	[smem:$0x3FAF] =	sst s7  }
0x10: {  	[smem:$0x3FB0] =	sst s8  }
0x11: {  	[smem:$0x3FB1] =	sst s9;
	s0 =	simm.s32 @!p0 $0x0  }
0x12: {  	s1 =	sld [smem:$0x3F97];
	s0 =	simm.s32 @p0 $0x1  }
0x13: {  	[smem:$0x3FB2] =	sst s0;
	s0 =	simm.s32 @!p1 $0x0  }
0x14: {  	s2 =	sld [smem:$0x3F96];
	s0 =	simm.s32 @p1 $0x1  }
0x15: {  	[smem:$0x3FB3] =	sst s0;
	s0 =	simm.s32 @!p2 $0x0  }
0x16: {  	s3 =	sld [smem:$0x3FDB];
	s0 =	simm.s32 @p2 $0x1  }
0x17: {  	s4 =	simm.s32 $0x1BF5;
	[smem:$0x3FB5] =	sst s0  }
0x18: {  	s0 =	sld [smem:$0x3F98];
	_ =	swait.ge [sflag:s4], $0x0  }
0x19: {  	s7 =	sld [smem:$0x3F99]  }
0x1a: {  	s8 =	sadd.s32 $0xFFFFE003, lr  }
0x1b: {  	s9 =	sadd.s32 $0xFFFFFEF7, lr;
	s5 =	simm.s32 $0xFFFFFFFF;
	p2 =	slt.u32 s8, $0xFFFFF086  }
0x1c: {  	p1 =	slt.u32 s9, $0xF7A;
	s5 =	simm.s32 @!p2 $0x0  }
0x1d: {  	s5 =	simm.s32 @p1 $0x1;
	p0 =	seq.s32 s7, s2  }
0x1e: {  	s7 =	smul.u32 @!p0 $0xF7A, s2;
	p2 =	seq.s32 @!p0 s5, $0x0  }
0x1f: {  	s9 =	smul.u32 $0xF7A, s1;
	s8 =	simm.s32 @!p0 $0x1BF5;
	p2 =	por !p2, p0  }
0x20: {  	[sflag:s8] =	ssyncset.s32 @!p0 $0xFFFFF086;
	s6 =	sadd.s32 @!p0 s3, s7;
	s7 =	simm.s32 @!p0 $0x108  }
0x21: {  	s3 =	sadd.s32 s3, s9;
	s6 =	sadd.s32 @!p0 $0x88, s6;
	s7 =	simm.s32 @p2 $0x1082  }
0x22: {  	[simem:s7], [sflag:s8] =	dma.local @!p0 [hbm:s6], $0xF7A  }
0x23: {  	s9 =	sor.u32 $0xD0000000, s2;
	s6 =	simm.s32 $0x108;
	_ =	swait.ge @!p0 [sflag:s8], $0x0  }
0x24: {  	s3 =	sadd.s32 $0x88, s3;
	s6 =	simm.s32 @!p1 $0x1082;
	[sflag:s4] =	ssyncset.s32 $0xFFFFF086  }
0x25: {  	[simem:s6], [sflag:s4] =	dma.local [hbm:s3], $0xF7A  }
0x26: {  	[smem:$0x3F99] =	sst s1;
	(tag) =	ssettag s2;
	_ =	strace s9  }
0x27: {  	s1 =	sld [smem:$0x3FA9]  }
0x28: {  	s2 =	sld [smem:$0x3FAA]  }
0x29: {  	s4 =	sld [smem:$0x3FAC]  }
0x2a: {  	p0 =	seq.s32 s5, $0x0;
	s5 =	sld [smem:$0x3FAD]  }
0x2b: {  	s6 =	sld [smem:$0x3FAE]  }
0x2c: {  	s7 =	sld [smem:$0x3FAF]  }
0x2d: {  	s3 =	simm.s32 $0x108;
	s8 =	sld [smem:$0x3FB0]  }
0x2e: {  	s3 =	simm.s32 @!p0 $0x1082;
	s9 =	sld [smem:$0x3FB1]  }
0x2f: {  	lr =	sadd.s32 s0, s3;
	s0 =	sld [smem:$0x3FA8]  }
0x30: {  	s3 =	sld [smem:$0x3FAB]  }
0x31: {  	[smem:$0x3FB4] =	sst s10  }
0x32: {  	s10 =	sld [smem:$0x3FB2];
	_ =	sdelay $0x3  }
0x33: {  	p0 =	seq.s32 s10, $0x1;
	s10 =	sld [smem:$0x3FB4];
	_ =	sdelay $0x3  }
0x34: {  	[smem:$0x3FB4] =	sst s10  }
0x35: {  	s10 =	sld [smem:$0x3FB3];
	_ =	sdelay $0x3  }
0x36: {  	p1 =	seq.s32 s10, $0x1;
	s10 =	sld [smem:$0x3FB4];
	_ =	sdelay $0x3  }
0x37: {  	[smem:$0x3FB4] =	sst s10  }
0x38: {  	s10 =	sld [smem:$0x3FB5]  }
0x39: {  	_ = 	snop;
	(pc) =	sbr.ind lr, $3  }
0x3a: {  	_ = 	snop  }
0x3b: {  	_ = 	snop  }
0x3c: {  	p2 =	seq.s32 s10, $0x1;
	s10 =	sld [smem:$0x3FB4]  }
0x3d: {  	_ =	shalt  }
0x3e: {  	_ =	shalt  }
0x3f: {  	_ =	shalt  }
0x40: {  	_ =	shalt  }
0x41: {  	_ =	shalt  }
0x42: {  	_ =	shalt  }
0x43: {  	_ =	shalt  }
0x44: {  	_ =	shalt  }
0x45: {  	_ =	shalt  }
0x46: {  	_ =	shalt  }
0x47: {  	_ =	shalt  }
0x48: {  	_ =	shalt  }
0x49: {  	_ =	shalt  }
0x4a: {  	_ =	shalt  }
0x4b: {  	_ =	shalt  }
0x4c: {  	_ =	shalt  }
0x4d: {  	_ =	shalt  }
0x4e: {  	_ =	shalt  }
0x4f: {  	_ =	shalt  }
0x50: {  	_ =	shalt  }
0x51: {  	_ =	shalt  }
0x52: {  	_ =	shalt  }
0x53: {  	_ =	shalt  }
0x54: {  	_ =	shalt  }
0x55: {  	_ =	shalt  }
0x56: {  	_ =	shalt  }
0x57: {  	_ =	shalt  }
0x58: {  	_ =	shalt  }
0x59: {  	_ =	shalt  }
0x5a: {  	_ =	shalt  }
0x5b: {  	_ =	shalt  }
0x5c: {  	_ =	shalt  }
0x5d: {  	_ =	shalt  }
0x5e: {  	_ =	shalt  }
0x5f: {  	_ =	shalt  }
0x60: {  	_ =	shalt  }
0x61: {  	_ =	shalt  }
0x62: {  	_ =	shalt  }
0x63: {  	_ =	shalt  }
0x64: {  	_ =	shalt  }
0x65: {  	_ =	shalt  }
0x66: {  	_ =	shalt  }
0x67: {  	_ =	shalt  }
0x68: {  	_ =	shalt  }
0x69: {  	_ =	shalt  }
0x6a: {  	_ =	shalt  }
0x6b: {  	_ =	shalt  }
0x6c: {  	_ =	shalt  }
0x6d: {  	_ =	shalt  }
0x6e: {  	_ =	shalt  }
0x6f: {  	_ =	shalt  }
0x70: {  	_ =	shalt  }
0x71: {  	_ =	shalt  }
0x72: {  	_ =	shalt  }
0x73: {  	_ =	shalt  }
0x74: {  	_ =	shalt  }
0x75: {  	_ =	shalt  }
0x76: {  	_ =	shalt  }
0x77: {  	_ =	shalt  }
0x78: {  	_ =	shalt  }
0x79: {  	_ =	shalt  }
0x7a: {  	_ =	shalt  }
0x7b: {  	_ =	shalt  }
0x7c: {  	_ =	shalt  }
0x7d: {  	_ =	shalt  }
0x7e: {  	_ =	shalt  }
0x7f: {  	_ =	shalt  }
0x80: {  	_ =	shalt  }
0x81: {  	_ =	shalt  }
0x82: {  	_ =	shalt  }
0x83: {  	_ =	shalt  }
0x84: {  	_ =	shalt  }
0x85: {  	_ =	shalt  }
0x86: {  	_ =	shalt  }
0x87: {  	_ =	shalt  }
.Lfunc_end0:
.L_simem_size_0:
called_computation_lowered:
.L_overlay_start_0:
0x88: {  	s2 =	sld [smem:$0x3FD9]  }
0x89: {  	s3 =	sld [smem:$0x3FFE];
	_ =	sdelay $0x1  }
0x8a: {  	s1 =	srdreg.scid  }
0x8b: {  	s0 =	sand.u32 $0x1, s1  }
0x8c: {  	s17 =	sshll.u32 s0, $0xA;
	s2 =	sadd.s32 s3, s2  }
0x8d: {  	s2 =	sadd.s32 s2, s17  }
0x8e: {  	[smem:$0x3FC0] =	sst s2  }
0x8f: {  	_ = 	snop  }
0x90: {  	(tm) =	ssettm $0x1  }
0x91: {  	s18 =	sld [smem:$0x3FFB];
	_ =	sdelay $0x3  }
0x92: {  	_ =	strace s18  }
0x93: {  	s2 =	sld [smem:$0x3FFC];
	_ =	sdelay $0x3  }
0x94: {  	_ =	strace s2  }
0x95: {  	s2 =	sld [smem:$0x3FFD];
	_ =	sdelay $0x3  }
0x96: {  	_ =	strace s2  }
0x97: {  	_ =	strace $0x8FFFFFFF  }
0x98: {  	s19 =	sld [smem:$0x3FDB];
	_ =	sdelay $0x1  }
0x99: {  	s20 =	simm.s32 $_scs_section_size  }
0x9a: {  	s4 =	simm.s32 $_size__tile_overlayer_lowered;
	s5 =	simm.s32 $_tile_overlayer_lowered  }
0x9b: {  	s6 =	simm.s32 $0x1BFF;
	s21 =	sshll.u32 s5, $0x1;
	s3 =	sadd.s32 s20, s19  }
0x9c: {  	s22 =	simm.s32 $0x0;
	s4 =	sshll.u32 s4, $0x1;
	s5 =	sadd.s32 s21, s3  }
0x9d: {  	[timem:s22], [sflag:s6] =	dma.local [hbm:s5], s4  }
0x9e: {  	_ =	swait.ge [sflag:s6], s4  }
0x9f: {  	s4 =	ssub.s32 $0x0, s4;
	[sflag:s6] =	ssyncset.done $0x0  }
0xa0: {  	[sflag:s6] =	ssyncadd.s32 s4;
	_ =	sdelay $0x1  }
0xa1: {  	s23 =	simm.s32 $0x1B8B  }
0xa2: {  	_ =	swait.ge [sflag:s23], $0x1  }
0xa3: {  	[sflag:s23] =	ssyncset.done $0x0  }
0xa4: {  	[sflag:s23] =	ssyncadd.s32 $0xFFFFFFFF  }
0xa5: {  	s4 =	sld [smem:$0x0]  }
0xa6: {  	s5 =	sand.u32 $0xFFFFFFFE, s1  }
0xa7: {  	p0 =	sne.s32 s1, s5  }
0xa8: {  	s5 =	sshll.u32 @p0 s5, $0xE  }
0xa9: {  	s5 =	sadd.s32 @p0 $0x11B8D, s5;
	s6 =	sshll.u32 @p0 s4, $0x11  }
0xaa: {  	s5 =	sor.u32 @p0 s6, s5  }
0xab: {  	[sflag:s5] =	ssyncadd.remote.s32 @p0 $0x1;
	_ =	sdelay $0x1  }
0xac: {  	s5 =	simm.s32 @p0 $0x1B8D  }
0xad: {  	_ =	swait.eq @p0 [sflag:s5], $0x1  }
0xae: {  	[sflag:s5] =	ssyncadd.s32 @p0 $0xFFFFFFFF  }
0xaf: {  	s6 =	sshll.u32 @!p0 s1, $0xE  }
0xb0: {  	s6 =	sor.u32 @!p0 $0x4000, s6;
	s5 =	simm.s32 @!p0 $0x1B8D  }
0xb1: {  	s4 =	sshll.u32 @!p0 s4, $0x11;
	s6 =	sadd.s32 @!p0 $0x11B8D, s6;
	_ =	swait.eq @!p0 [sflag:s5], $0x1  }
0xb2: {  	s4 =	sor.u32 @!p0 s4, s6;
	[sflag:s5] =	ssyncadd.s32 @!p0 $0xFFFFFFFF  }
0xb3: {  	s25 =	simm.s32 $0x1B8E;
	s24 =	sld [smem:$0x3FFE];
	[sflag:s4] =	ssyncadd.remote.s32 @!p0 $0x1  }
0xb4: {  	s26 =	simm.s32 $execute0_lowered;
	[smem:$0x3FD2] =	sst s25  }
0xb5: {  	s5 =	sshll.u32 s26, $0x1;
	_ =	strace $0x80000049;
	[dreg:$0x1] =	wrdreg $0xFFFFFFFF  }
0xb6: {  	s28 =	simm.s32 $_size_execute0_lowered;
	s3 =	sadd.s32 s3, s5;
	[dreg:$0x0] =	wrdreg $0x0  }
0xb7: {  	s5 =	sshll.u32 s28, $0x1;
	[dreg:$0x2] =	wrdreg s3  }
0xb8: {  	[dreg:$0x3] =	wrdreg s5  }
0xb9: {  	[dreg:$0x4] =	wrdreg $0xC0  }
0xba: {  	_ =	task [dreg:s22], $0x5FFFF  }
0xbb: {  	[dreg:$0x1] =	wrdreg $0xFFFFFFFF  }
0xbc: {  	[dreg:$0x0] =	wrdreg $0x60  }
0xbd: {  	[dreg:$0x2] =	wrdreg s24  }
0xbe: {  	[dreg:$0x3] =	wrdreg $0x9  }
0xbf: {  	_ =	task.clear_ibuf [dreg:s22], $0x4FFFF;
	_ =	strace $0x90000049  }
0xc0: {  	s29 =	simm.s32 $0x9;
	_ =	strace $0x8000004B  }
0xc1: {  	_ =	swait.ge [sflag:s29], $0x1  }
0xc2: {  	[sflag:s29] =	ssyncadd.s32 $0xFFFFFFFF  }
0xc3: {  	_ =	strace $0x9000004B  }
0xc4: {  	_ =	sfence  }
0xc5: {  	s30 =	sld [smem:$0x0];
	_ =	sdelay $0x2  }
0xc6: {  	s31 =	sshll.u32 s1, $0xD;
	s1 =	sshrl.u32 s1, $0x2  }
0xc7: {  	s4 =	sand.u32 $0x4000, s31;
	s1 =	sadd.s32 s1, s30  }
0xc8: {  	s0 =	sor.u32 s4, s0;
	s1 =	sshll.u32 s1, $0x11  }
0xc9: {  	s0 =	sor.u32 s1, s0  }
0xca: {  	s0 =	sadd.s32 $0x8F2B, s0  }
0xcb: {  	[sflag:s0] =	ssyncadd.remote.s32 $0x1  }
0xcc: {  	_ =	sfence.sel $0xFFFF  }
0xcd: {  	[dreg:$0x0] =	wrdreg $0xFFFFFFFF;
	(pc) =	sbr.abs _section_cstart, $3  }
0xce: {  	[dreg:$0x1] =	wrdreg $0xFFFFFFFF  }
0xcf: {  	_ =	task.clear_ibuf [dreg:s22], $0x2FFFF;
	_ =	strace $0x9FFFFFFF  }
0xd0: {  	(tm) =	ssettm $0x7FFFFFFF  }
0xd1: {  	_ =	shalt  }
tec
execute0_lowered:
.L_overlay_start_1:
0x0: {  	(tag) =	ssettag $0x1  }
0x1: {  	s0 =	rddreg [dreg:$0x0];
	s2 =	simm.s32 $0x0  }
0x2: {  	s1 =	srdreg.scid;
	s3 =	stileid.u32;
	s11 =	simm.s32 $0x3  }
0x3: {  	s12 =	simm.s32 $0x80;
	s14 =	simm.s32 $0x2800;
	s16 =	simm.s32 $0x3800  }
0x4: {  	s18 =	simm.s32 $0x4800;
	s20 =	simm.s32 $0x5800;
	s22 =	simm.s32 $0x6800  }
0x5: {  	s29 =	simm.s32 $0x9800;
	s31 =	simm.s32 $0xA800;
	s15 =	simm.s32 $0xC800  }
0x6: {  	s19 =	simm.s32 $0xD800;
	s23 =	simm.s32 $0xE800;
	s28 =	simm.s32 $0xF800  }
0x7: {  	s17 =	simm.s32 $0x11800;
	s21 =	simm.s32 $0x1;
	s13 =	simm.s32 $0x2  }
0x8: {  	[smem:$0x7FF] =	sst s2;
	s1 =	sand.u32 $0x1, s1;
	s3 =	sshll.u32 s3, $0x1  }
0x9: {  	s6 =	sadd.s32 $0x4AB400, s0;
	_ =	strace $0x8000004A;
	s4 =	sor.u32 s1, s3  }
0xa: {  	s3 =	sadd.s32 $0xB400, s0;
	s1 =	ssub.s32 $0x2, s1;
	s8 =	sshll.u32 s4, $0xC  }
0xb: {  	s5 =	smul.u32 $0x280, s4;
	s7 =	sshrl.u32 s1, $0x1;
	s4 =	sadd.s32 s6, s8  }
0xc: {  	s1 =	ssub.s32 s1, s7;
	s26 =	sor.u32 $0x40000, s8;
	s24 =	sadd.s32 $0x80000, s4  }
0xd: {  	s5 =	sadd.s32 s5, s0;
	s1 =	smax.u32 s1, $0x1;
	[dreg:$0x3] =	wrdreg s24  }
0xe: {  	s0 =	sadd.s32 $0x4CB400, s0;
	s30 =	sadd.s32 s6, s26;
	[dreg:$0x4] =	wrdreg s1  }
0xf: {  	s5 =	sadd.s32 $0x1400, s5;
	s25 =	sadd.s32 s8, s0;
	[dreg:$0x6] =	wrdreg s30  }
0x10: {  	s0 =	sadd.s32 s26, s0;
	s24 =	simm.s32 $0x7800;
	[dreg:$0x2] =	wrdreg s5  }
0x11: {  	v0 =	vlaneseq.u32;
	s26 =	simm.s32 $0x8800;
	s1 =	simm.s32 $0xB800;
	[dreg:$0x5] =	wrdreg s25  }
0x12: {  	v1 =	vand.u32 $0x3, v0;
	[dreg:$0x7] =	wrdreg s0;
	s0 =	simm.s32 $0x10800;
	s25 =	simm.s32 $0x0  }
.LBB2_1:
0x13: {  	v2 =	vor.u32 s2, v0  }
0x14: {  	v2 =	vshrl.u32 v2, $0x2  }
0x15: {  	v3 =	vmov s2;
	v2 =	vand.u32 $0xFF, v2  }
0x16: {  	v3 =	vshrl.u32 v3, $0x8;
	v2 =	vmul.u32 $0x14, v2  }
0x17: {  	v3 =	vand.u32 $0x1C, v3  }
0x18: {  	v2 =	vadd.s32 v3, v2  }
0x19: {  	s5 =	rddreg [dreg:$0x2];
	v2 =	vor.u32 v1, v2  }
0x1a: {  	[tilespmem:s2], [sflag:$0x3] =	stream.linear.gather [hbm4b:s5+s2], $0x1400, $0x38;
	[tilespmem:$0x12800] =	vst v63  }
0x1b: {  	s30 =	simm.s32 $0x10;
	_ =	swait.ge [sflag:s11], $0x1400  }
0x1c: {  	s8 =	simm.s32 $0x80;
	s7 =	simm.s32 $0x0;
	[sflag:s11] =	ssyncset.done $0x0  }
0x1d: {  	s6 =	simm.s32 $0x0;
	s5 =	simm.s32 $0x40;
	[sflag:s11] =	ssyncadd.s32 $0xFFFFEC00;
	v3 =	vor.u32 s30, v0  }
.LBB2_2:
0x1e: {  	p0 =	sne.s32 s8, $0x4FC0;
	v3 =	vshrl.u32 v3, $0x2;
	v4 =	vld.idx.msk [tilespmem:v2+s2+$0x0], $0xffff  }
0x1f: {  	v2 =	vmov s30;
	v3 =	vand.u32 $0xFF, v3  }
0x20: {  	v2 =	vshrl.u32 v2, $0x8;
	v3 =	vmul.u32 $0x14, v3  }
0x21: {  	v2 =	vand.u32 $0x1C, v2  }
0x22: {  	v2 =	vadd.s32 v2, v3  }
.Ltmp0:
0x23: {  	v2 =	vor.u32 v1, v2;
	(pc) =	sbr.rel @p0 .LBB2_2-.Ltmp0, $4  }
0x24: {  	s9 =	sand.u32 $0x7E00, s7;
	s7 =	smov.u32 s5;
	s5 =	smov.u32 s8;
	v3 =	vshll.u32 v4, $0x2  }
0x25: {  	s10 =	sand.u32 $0x70, s6;
	s6 =	smov.u32 s30;
	s9 =	sshrl.u32 s9, $0x2;
	v4 =	vshrl.u32 v4, $0x12;
	v3 =	vand.u32 $0xFFFFC, v3  }
0x26: {  	s30 =	sadd.s32 $0x10, s30;
	s9 =	sor.u32 s10, s9;
	v4 =	vadd.s32 v4, v3  }
0x27: {  	s8 =	sadd.s32 $0x40, s8;
	v3 =	vor.u32 s30, v0;
	[tilespmem:s9+$0x1400] =	vst v4  }
0x28: {  	_ =	sdelay $0x2  }
0x29: {  	v3 =	vshrl.u32 v3, $0x2  }
0x2a: {  	v2 =	vld.idx.msk [tilespmem:v2+s2+$0x0], $0xffff;
	v4 =	vmov s30;
	v3 =	vand.u32 $0xFF, v3  }
0x2b: {  	v4 =	vshrl.u32 v4, $0x8;
	v3 =	vmul.u32 $0x14, v3  }
0x2c: {  	v4 =	vand.u32 $0x1C, v4  }
0x2d: {  	v3 =	vadd.s32 v4, v3  }
0x2e: {  	v3 =	vor.u32 v1, v3  }
0x2f: {  	s7 =	sand.u32 $0x7E00, s7;
	v63 =	vshll.u32 v2, $0x2  }
0x30: {  	s6 =	sand.u32 $0x70, s6;
	s7 =	sshrl.u32 s7, $0x2;
	v2 =	vshrl.u32 v2, $0x12;
	v4 =	vand.u32 $0xFFFFC, v63  }
0x31: {  	s6 =	sor.u32 s6, s7;
	v2 =	vadd.s32 v2, v4  }
0x32: {  	[tilespmem:s6+$0x1400] =	vst v2  }
0x33: {  	v2 =	vld.idx.msk [tilespmem:v3+s2+$0x0], $0xffff;
	_ =	sdelay $0x4  }
0x34: {  	s5 =	sand.u32 $0x7E00, s5;
	v3 =	vshll.u32 v2, $0x2  }
0x35: {  	s8 =	sand.u32 $0x70, s30;
	s5 =	sshrl.u32 s5, $0x2;
	v2 =	vshrl.u32 v2, $0x12;
	v3 =	vand.u32 $0xFFFFC, v3  }
0x36: {  	s5 =	sor.u32 s8, s5;
	v2 =	vadd.s32 v2, v3  }
0x37: {  	s9 =	simm.s32 $0x1400;
	[tilespmem:s5+$0x1400] =	vst v2  }
0x38: {  	[tilespmem:s14], [sflag:$0x1] =	stream.indirect.gather [hbm4b:s3+s12], $0x20, s9, s12, $0xb8;
	[tilespmem:$0x12800] =	vst v63  }
0x39: {  	s10 =	simm.s32 $0x1480  }
0x3a: {  	[tilespmem:s16], [sflag:$0x1] =	stream.indirect.gather [hbm4b:s3+s12], $0x20, s10, s12, $0xb8;
	[tilespmem:$0x12800] =	vst v63  }
0x3b: {  	s30 =	simm.s32 $0x1500  }
0x3c: {  	[tilespmem:s18], [sflag:$0x1] =	stream.indirect.gather [hbm4b:s3+s12], $0x20, s30, s12, $0xb8;
	[tilespmem:$0x12800] =	vst v63  }
0x3d: {  	s6 =	simm.s32 $0x1580  }
0x3e: {  	[tilespmem:s20], [sflag:$0x1] =	stream.indirect.gather [hbm4b:s3+s12], $0x20, s6, s12, $0xb8;
	[tilespmem:$0x12800] =	vst v63  }
0x3f: {  	s7 =	simm.s32 $0x1600  }
0x40: {  	[tilespmem:s22], [sflag:$0x1] =	stream.indirect.gather [hbm4b:s3+s12], $0x20, s7, s12, $0xb8;
	[tilespmem:$0x12800] =	vst v63  }
0x41: {  	s8 =	simm.s32 $0x1680  }
0x42: {  	[tilespmem:s24], [sflag:$0x1] =	stream.indirect.gather [hbm4b:s3+s12], $0x20, s8, s12, $0xb8;
	[tilespmem:$0x12800] =	vst v63  }
0x43: {  	s9 =	simm.s32 $0x1700  }
0x44: {  	[tilespmem:s26], [sflag:$0x1] =	stream.indirect.gather [hbm4b:s3+s12], $0x20, s9, s12, $0xb8;
	[tilespmem:$0x12800] =	vst v63  }
0x45: {  	s10 =	simm.s32 $0x1780  }
0x46: {  	[tilespmem:s29], [sflag:$0x1] =	stream.indirect.gather [hbm4b:s3+s12], $0x20, s10, s12, $0xb8;
	[tilespmem:$0x12800] =	vst v63  }
0x47: {  	s30 =	simm.s32 $0x1800  }
0x48: {  	[tilespmem:s31], [sflag:$0x2] =	stream.indirect.gather [hbm4b:s3+s12], $0x20, s30, s12, $0xb8;
	[tilespmem:$0x12800] =	vst v63  }
0x49: {  	s6 =	simm.s32 $0x1880  }
0x4a: {  	[tilespmem:s1], [sflag:$0x2] =	stream.indirect.gather [hbm4b:s3+s12], $0x20, s6, s12, $0xb8;
	[tilespmem:$0x12800] =	vst v63  }
0x4b: {  	s7 =	simm.s32 $0x1900  }
0x4c: {  	[tilespmem:s15], [sflag:$0x2] =	stream.indirect.gather [hbm4b:s3+s12], $0x20, s7, s12, $0xb8;
	[tilespmem:$0x12800] =	vst v63  }
0x4d: {  	s8 =	simm.s32 $0x1980  }
0x4e: {  	[tilespmem:s19], [sflag:$0x2] =	stream.indirect.gather [hbm4b:s3+s12], $0x20, s8, s12, $0xb8;
	[tilespmem:$0x12800] =	vst v63  }
0x4f: {  	s9 =	simm.s32 $0x1A00  }
0x50: {  	[tilespmem:s23], [sflag:$0x2] =	stream.indirect.gather [hbm4b:s3+s12], $0x20, s9, s12, $0xb8;
	[tilespmem:$0x12800] =	vst v63  }
0x51: {  	s10 =	simm.s32 $0x1A80  }
0x52: {  	[tilespmem:s28], [sflag:$0x2] =	stream.indirect.gather [hbm4b:s3+s12], $0x20, s10, s12, $0xb8;
	[tilespmem:$0x12800] =	vst v63  }
0x53: {  	s30 =	simm.s32 $0x1B00  }
0x54: {  	[tilespmem:s0], [sflag:$0x2] =	stream.indirect.gather [hbm4b:s3+s12], $0x20, s30, s12, $0xb8;
	[tilespmem:$0x12800] =	vst v63  }
0x55: {  	s6 =	simm.s32 $0x1B80  }
0x56: {  	[tilespmem:s17], [sflag:$0x2] =	stream.indirect.gather [hbm4b:s3+s12], $0x20, s6, s12, $0xb8;
	[tilespmem:$0x12800] =	vst v63  }
0x57: {  	_ =	swait.ge [sflag:s21], $0x1000  }
0x58: {  	[sflag:s21] =	ssyncset.done $0x0  }
0x59: {  	[sflag:s21] =	ssyncadd.s32 $0xFFFFF000  }
0x5a: {  	_ =	swait.ge [sflag:s21], $0x1000  }
0x5b: {  	[sflag:s21] =	ssyncset.done $0x0  }
0x5c: {  	[sflag:s21] =	ssyncadd.s32 $0xFFFFF000  }
0x5d: {  	_ =	swait.ge [sflag:s21], $0x1000  }
0x5e: {  	[sflag:s21] =	ssyncset.done $0x0  }
0x5f: {  	[sflag:s21] =	ssyncadd.s32 $0xFFFFF000  }
0x60: {  	_ =	swait.ge [sflag:s21], $0x1000  }
0x61: {  	[sflag:s21] =	ssyncset.done $0x0  }
0x62: {  	[sflag:s21] =	ssyncadd.s32 $0xFFFFF000  }
0x63: {  	_ =	swait.ge [sflag:s21], $0x1000  }
0x64: {  	[sflag:s21] =	ssyncset.done $0x0  }
0x65: {  	[sflag:s21] =	ssyncadd.s32 $0xFFFFF000  }
0x66: {  	_ =	swait.ge [sflag:s21], $0x1000  }
0x67: {  	[sflag:s21] =	ssyncset.done $0x0  }
0x68: {  	[sflag:s21] =	ssyncadd.s32 $0xFFFFF000  }
0x69: {  	_ =	swait.ge [sflag:s21], $0x1000  }
0x6a: {  	[sflag:s21] =	ssyncset.done $0x0  }
0x6b: {  	[sflag:s21] =	ssyncadd.s32 $0xFFFFF000  }
0x6c: {  	_ =	swait.ge [sflag:s21], $0x1000  }
0x6d: {  	[sflag:s21] =	ssyncset.done $0x0  }
0x6e: {  	[sflag:s21] =	ssyncadd.s32 $0xFFFFF000  }
0x6f: {  	[hbm4b:s4+s2] =	stream.linear.scatter [tilespmem:s14], [sflag:$0x3], $0x8000, $0x38;
	[tilespmem:$0x12800] =	vst v63  }
0x70: {  	_ =	swait.ge [sflag:s11], $0x8000  }
0x71: {  	[sflag:s11] =	ssyncset.done $0x0  }
0x72: {  	s7 =	simm.s32 $0x1C00;
	[sflag:s11] =	ssyncadd.s32 $0xFFFF8000  }
0x73: {  	[tilespmem:s14], [sflag:$0x1] =	stream.indirect.gather [hbm4b:s3+s12], $0x20, s7, s12, $0xb8;
	[tilespmem:$0x12800] =	vst v63  }
0x74: {  	s8 =	simm.s32 $0x1C80  }
0x75: {  	[tilespmem:s16], [sflag:$0x1] =	stream.indirect.gather [hbm4b:s3+s12], $0x20, s8, s12, $0xb8;
	[tilespmem:$0x12800] =	vst v63  }
0x76: {  	s9 =	simm.s32 $0x1D00  }
0x77: {  	[tilespmem:s18], [sflag:$0x1] =	stream.indirect.gather [hbm4b:s3+s12], $0x20, s9, s12, $0xb8;
	[tilespmem:$0x12800] =	vst v63  }
0x78: {  	s10 =	simm.s32 $0x1D80  }
0x79: {  	[tilespmem:s20], [sflag:$0x1] =	stream.indirect.gather [hbm4b:s3+s12], $0x20, s10, s12, $0xb8;
	[tilespmem:$0x12800] =	vst v63  }
0x7a: {  	s30 =	simm.s32 $0x1E00  }
0x7b: {  	[tilespmem:s22], [sflag:$0x1] =	stream.indirect.gather [hbm4b:s3+s12], $0x20, s30, s12, $0xb8;
	[tilespmem:$0x12800] =	vst v63  }
0x7c: {  	s6 =	simm.s32 $0x1E80  }
0x7d: {  	[tilespmem:s24], [sflag:$0x1] =	stream.indirect.gather [hbm4b:s3+s12], $0x20, s6, s12, $0xb8;
	[tilespmem:$0x12800] =	vst v63  }
0x7e: {  	s7 =	simm.s32 $0x1F00  }
0x7f: {  	[tilespmem:s26], [sflag:$0x1] =	stream.indirect.gather [hbm4b:s3+s12], $0x20, s7, s12, $0xb8;
	[tilespmem:$0x12800] =	vst v63  }
0x80: {  	s8 =	simm.s32 $0x1F80  }
0x81: {  	[tilespmem:s29], [sflag:$0x1] =	stream.indirect.gather [hbm4b:s3+s12], $0x20, s8, s12, $0xb8;
	[tilespmem:$0x12800] =	vst v63  }
0x82: {  	_ =	swait.ge [sflag:s13], $0x1000  }
0x83: {  	[sflag:s13] =	ssyncset.done $0x0  }
0x84: {  	[sflag:s13] =	ssyncadd.s32 $0xFFFFF000  }
0x85: {  	_ =	swait.ge [sflag:s13], $0x1000  }
0x86: {  	[sflag:s13] =	ssyncset.done $0x0  }
0x87: {  	[sflag:s13] =	ssyncadd.s32 $0xFFFFF000  }
0x88: {  	_ =	swait.ge [sflag:s13], $0x1000  }
0x89: {  	[sflag:s13] =	ssyncset.done $0x0  }
0x8a: {  	[sflag:s13] =	ssyncadd.s32 $0xFFFFF000  }
0x8b: {  	_ =	swait.ge [sflag:s13], $0x1000  }
0x8c: {  	[sflag:s13] =	ssyncset.done $0x0  }
0x8d: {  	[sflag:s13] =	ssyncadd.s32 $0xFFFFF000  }
0x8e: {  	_ =	swait.ge [sflag:s13], $0x1000  }
0x8f: {  	[sflag:s13] =	ssyncset.done $0x0  }
0x90: {  	[sflag:s13] =	ssyncadd.s32 $0xFFFFF000  }
0x91: {  	_ =	swait.ge [sflag:s13], $0x1000  }
0x92: {  	[sflag:s13] =	ssyncset.done $0x0  }
0x93: {  	[sflag:s13] =	ssyncadd.s32 $0xFFFFF000  }
0x94: {  	_ =	swait.ge [sflag:s13], $0x1000  }
0x95: {  	[sflag:s13] =	ssyncset.done $0x0  }
0x96: {  	[sflag:s13] =	ssyncadd.s32 $0xFFFFF000  }
0x97: {  	_ =	swait.ge [sflag:s13], $0x1000  }
0x98: {  	[sflag:s13] =	ssyncset.done $0x0  }
0x99: {  	s9 =	rddreg [dreg:$0x5];
	[sflag:s13] =	ssyncadd.s32 $0xFFFFF000  }
0x9a: {  	[hbm4b:s9+s2] =	stream.linear.scatter [tilespmem:s31], [sflag:$0x3], $0x8000, $0x38;
	[tilespmem:$0x12800] =	vst v63  }
0x9b: {  	_ =	swait.ge [sflag:s11], $0x8000  }
0x9c: {  	[sflag:s11] =	ssyncset.done $0x0  }
0x9d: {  	s10 =	simm.s32 $0x2000;
	[sflag:s11] =	ssyncadd.s32 $0xFFFF8000  }
0x9e: {  	[tilespmem:s31], [sflag:$0x2] =	stream.indirect.gather [hbm4b:s3+s12], $0x20, s10, s12, $0xb8;
	[tilespmem:$0x12800] =	vst v63  }
0x9f: {  	s30 =	simm.s32 $0x2080  }
0xa0: {  	[tilespmem:s1], [sflag:$0x2] =	stream.indirect.gather [hbm4b:s3+s12], $0x20, s30, s12, $0xb8;
	[tilespmem:$0x12800] =	vst v63  }
0xa1: {  	s6 =	simm.s32 $0x2100  }
0xa2: {  	[tilespmem:s15], [sflag:$0x2] =	stream.indirect.gather [hbm4b:s3+s12], $0x20, s6, s12, $0xb8;
	[tilespmem:$0x12800] =	vst v63  }
0xa3: {  	s7 =	simm.s32 $0x2180  }
0xa4: {  	[tilespmem:s19], [sflag:$0x2] =	stream.indirect.gather [hbm4b:s3+s12], $0x20, s7, s12, $0xb8;
	[tilespmem:$0x12800] =	vst v63  }
0xa5: {  	s8 =	simm.s32 $0x2200  }
0xa6: {  	[tilespmem:s23], [sflag:$0x2] =	stream.indirect.gather [hbm4b:s3+s12], $0x20, s8, s12, $0xb8;
	[tilespmem:$0x12800] =	vst v63  }
0xa7: {  	s9 =	simm.s32 $0x2280  }
0xa8: {  	[tilespmem:s28], [sflag:$0x2] =	stream.indirect.gather [hbm4b:s3+s12], $0x20, s9, s12, $0xb8;
	[tilespmem:$0x12800] =	vst v63  }
0xa9: {  	s10 =	simm.s32 $0x2300  }
0xaa: {  	[tilespmem:s0], [sflag:$0x2] =	stream.indirect.gather [hbm4b:s3+s12], $0x20, s10, s12, $0xb8;
	[tilespmem:$0x12800] =	vst v63  }
0xab: {  	s30 =	simm.s32 $0x2380  }
0xac: {  	[tilespmem:s17], [sflag:$0x2] =	stream.indirect.gather [hbm4b:s3+s12], $0x20, s30, s12, $0xb8;
	[tilespmem:$0x12800] =	vst v63  }
0xad: {  	_ =	swait.ge [sflag:s21], $0x1000  }
0xae: {  	[sflag:s21] =	ssyncset.done $0x0  }
0xaf: {  	[sflag:s21] =	ssyncadd.s32 $0xFFFFF000  }
0xb0: {  	_ =	swait.ge [sflag:s21], $0x1000  }
0xb1: {  	[sflag:s21] =	ssyncset.done $0x0  }
0xb2: {  	[sflag:s21] =	ssyncadd.s32 $0xFFFFF000  }
0xb3: {  	_ =	swait.ge [sflag:s21], $0x1000  }
0xb4: {  	[sflag:s21] =	ssyncset.done $0x0  }
0xb5: {  	[sflag:s21] =	ssyncadd.s32 $0xFFFFF000  }
0xb6: {  	_ =	swait.ge [sflag:s21], $0x1000  }
0xb7: {  	[sflag:s21] =	ssyncset.done $0x0  }
0xb8: {  	[sflag:s21] =	ssyncadd.s32 $0xFFFFF000  }
0xb9: {  	_ =	swait.ge [sflag:s21], $0x1000  }
0xba: {  	[sflag:s21] =	ssyncset.done $0x0  }
0xbb: {  	[sflag:s21] =	ssyncadd.s32 $0xFFFFF000  }
0xbc: {  	_ =	swait.ge [sflag:s21], $0x1000  }
0xbd: {  	[sflag:s21] =	ssyncset.done $0x0  }
0xbe: {  	[sflag:s21] =	ssyncadd.s32 $0xFFFFF000  }
0xbf: {  	_ =	swait.ge [sflag:s21], $0x1000  }
0xc0: {  	[sflag:s21] =	ssyncset.done $0x0  }
0xc1: {  	[sflag:s21] =	ssyncadd.s32 $0xFFFFF000  }
0xc2: {  	_ =	swait.ge [sflag:s21], $0x1000  }
0xc3: {  	[sflag:s21] =	ssyncset.done $0x0  }
0xc4: {  	s6 =	rddreg [dreg:$0x6];
	[sflag:s21] =	ssyncadd.s32 $0xFFFFF000  }
0xc5: {  	[hbm4b:s6+s2] =	stream.linear.scatter [tilespmem:s14], [sflag:$0x3], $0x8000, $0x38;
	[tilespmem:$0x12800] =	vst v63  }
0xc6: {  	_ =	swait.ge [sflag:s11], $0x8000  }
0xc7: {  	[sflag:s11] =	ssyncset.done $0x0  }
0xc8: {  	s7 =	simm.s32 $0x2400;
	[sflag:s11] =	ssyncadd.s32 $0xFFFF8000  }
0xc9: {  	[tilespmem:s14], [sflag:$0x1] =	stream.indirect.gather [hbm4b:s3+s12], $0x20, s7, s12, $0xb8;
	[tilespmem:$0x12800] =	vst v63  }
0xca: {  	s8 =	simm.s32 $0x2480  }
0xcb: {  	[tilespmem:s16], [sflag:$0x1] =	stream.indirect.gather [hbm4b:s3+s12], $0x20, s8, s12, $0xb8;
	[tilespmem:$0x12800] =	vst v63  }
0xcc: {  	s9 =	simm.s32 $0x2500  }
0xcd: {  	[tilespmem:s18], [sflag:$0x1] =	stream.indirect.gather [hbm4b:s3+s12], $0x20, s9, s12, $0xb8;
	[tilespmem:$0x12800] =	vst v63  }
0xce: {  	s10 =	simm.s32 $0x2580  }
0xcf: {  	[tilespmem:s20], [sflag:$0x1] =	stream.indirect.gather [hbm4b:s3+s12], $0x20, s10, s12, $0xb8;
	[tilespmem:$0x12800] =	vst v63  }
0xd0: {  	s30 =	simm.s32 $0x2600  }
0xd1: {  	[tilespmem:s22], [sflag:$0x1] =	stream.indirect.gather [hbm4b:s3+s12], $0x20, s30, s12, $0xb8;
	[tilespmem:$0x12800] =	vst v63  }
0xd2: {  	s6 =	simm.s32 $0x2680  }
0xd3: {  	[tilespmem:s24], [sflag:$0x1] =	stream.indirect.gather [hbm4b:s3+s12], $0x20, s6, s12, $0xb8;
	[tilespmem:$0x12800] =	vst v63  }
0xd4: {  	s7 =	simm.s32 $0x2700  }
0xd5: {  	[tilespmem:s26], [sflag:$0x1] =	stream.indirect.gather [hbm4b:s3+s12], $0x20, s7, s12, $0xb8;
	[tilespmem:$0x12800] =	vst v63  }
0xd6: {  	s8 =	simm.s32 $0x2780  }
0xd7: {  	[tilespmem:s29], [sflag:$0x1] =	stream.indirect.gather [hbm4b:s3+s12], $0x20, s8, s12, $0xb8;
	[tilespmem:$0x12800] =	vst v63  }
0xd8: {  	_ =	swait.ge [sflag:s13], $0x1000  }
0xd9: {  	[sflag:s13] =	ssyncset.done $0x0  }
0xda: {  	[sflag:s13] =	ssyncadd.s32 $0xFFFFF000  }
0xdb: {  	_ =	swait.ge [sflag:s13], $0x1000  }
0xdc: {  	[sflag:s13] =	ssyncset.done $0x0  }
0xdd: {  	[sflag:s13] =	ssyncadd.s32 $0xFFFFF000  }
0xde: {  	_ =	swait.ge [sflag:s13], $0x1000  }
0xdf: {  	[sflag:s13] =	ssyncset.done $0x0  }
0xe0: {  	[sflag:s13] =	ssyncadd.s32 $0xFFFFF000  }
0xe1: {  	_ =	swait.ge [sflag:s13], $0x1000  }
0xe2: {  	[sflag:s13] =	ssyncset.done $0x0  }
0xe3: {  	[sflag:s13] =	ssyncadd.s32 $0xFFFFF000  }
0xe4: {  	_ =	swait.ge [sflag:s13], $0x1000  }
0xe5: {  	[sflag:s13] =	ssyncset.done $0x0  }
0xe6: {  	[sflag:s13] =	ssyncadd.s32 $0xFFFFF000  }
0xe7: {  	_ =	swait.ge [sflag:s13], $0x1000  }
0xe8: {  	[sflag:s13] =	ssyncset.done $0x0  }
0xe9: {  	[sflag:s13] =	ssyncadd.s32 $0xFFFFF000  }
0xea: {  	_ =	swait.ge [sflag:s13], $0x1000  }
0xeb: {  	[sflag:s13] =	ssyncset.done $0x0  }
0xec: {  	[sflag:s13] =	ssyncadd.s32 $0xFFFFF000  }
0xed: {  	_ =	swait.ge [sflag:s13], $0x1000  }
0xee: {  	[sflag:s13] =	ssyncset.done $0x0  }
0xef: {  	s9 =	rddreg [dreg:$0x7];
	[sflag:s13] =	ssyncadd.s32 $0xFFFFF000  }
0xf0: {  	[hbm4b:s9+s2] =	stream.linear.scatter [tilespmem:s31], [sflag:$0x3], $0x8000, $0x38;
	[tilespmem:$0x12800] =	vst v63  }
0xf1: {  	_ =	swait.ge [sflag:s11], $0x8000  }
0xf2: {  	[sflag:s11] =	ssyncset.done $0x0  }
0xf3: {  	[sflag:s11] =	ssyncadd.s32 $0xFFFF8000  }
0xf4: {  	_ =	swait.ge [sflag:s21], $0x1000  }
0xf5: {  	[sflag:s21] =	ssyncset.done $0x0  }
0xf6: {  	[sflag:s21] =	ssyncadd.s32 $0xFFFFF000  }
0xf7: {  	_ =	swait.ge [sflag:s21], $0x1000  }
0xf8: {  	[sflag:s21] =	ssyncset.done $0x0  }
0xf9: {  	[sflag:s21] =	ssyncadd.s32 $0xFFFFF000  }
0xfa: {  	_ =	swait.ge [sflag:s21], $0x1000  }
0xfb: {  	[sflag:s21] =	ssyncset.done $0x0  }
0xfc: {  	[sflag:s21] =	ssyncadd.s32 $0xFFFFF000  }
0xfd: {  	_ =	swait.ge [sflag:s21], $0x1000  }
0xfe: {  	[sflag:s21] =	ssyncset.done $0x0  }
0xff: {  	[sflag:s21] =	ssyncadd.s32 $0xFFFFF000  }
0x100: {  	_ =	swait.ge [sflag:s21], $0x1000  }
0x101: {  	[sflag:s21] =	ssyncset.done $0x0  }
0x102: {  	[sflag:s21] =	ssyncadd.s32 $0xFFFFF000  }
0x103: {  	_ =	swait.ge [sflag:s21], $0x1000  }
0x104: {  	[sflag:s21] =	ssyncset.done $0x0  }
0x105: {  	[sflag:s21] =	ssyncadd.s32 $0xFFFFF000  }
0x106: {  	_ =	swait.ge [sflag:s21], $0x1000  }
0x107: {  	[sflag:s21] =	ssyncset.done $0x0  }
0x108: {  	[sflag:s21] =	ssyncadd.s32 $0xFFFFF000  }
0x109: {  	_ =	swait.ge [sflag:s21], $0x1000  }
0x10a: {  	[sflag:s21] =	ssyncset.done $0x0  }
0x10b: {  	s10 =	rddreg [dreg:$0x3];
	[sflag:s21] =	ssyncadd.s32 $0xFFFFF000  }
0x10c: {  	[hbm4b:s10+s2] =	stream.linear.scatter [tilespmem:s14], [sflag:$0x3], $0x8000, $0x38;
	[tilespmem:$0x12800] =	vst v63  }
0x10d: {  	_ =	swait.ge [sflag:s11], $0x8000  }
0x10e: {  	s25 =	sadd.s32 $0x1, s25;
	s30 =	rddreg [dreg:$0x4]  }
0x10f: {  	p0 =	sne.s32 s25, s30  }
.Ltmp1:
0x110: {  	_ = 	snop;
	(pc) =	sbr.rel @p0 .LBB2_1-.Ltmp1, $3  }
0x111: {  	_ =	sdelay $0x1  }
0x112: {  	[sflag:s11] =	ssyncset.done $0x0  }
0x113: {  	[sflag:s11] =	ssyncadd.s32 $0xFFFF8000  }
0x114: {  	_ =	sfence.sel $0x180000  }
0x115: {  	[bflag:$0x0] =	sbarrier.arrive $0xFFFF  }
0x116: {  	_ =	strace $0x9000004A  }
0x117: {  	s0 =	stileid.u32;
	[bflag:$0x2] =	sbarrier.arrive $0xFFFF  }
0x118: {  	p0 =	sne.s32 s0, $0x0;
	s0 =	rddreg [dreg:$0x1]  }
0x119: {  	s0 =	sadd.s32 @!p0 $0x100000, s0  }
0x11a: {  	[sflag:s0] =	ssyncadd.tile.s32 @!p0 $0x1;
	_ =	shalt  }
.Lfunc_end2:
_tile_overlayer_lowered:
.L_overlay_start_2:
0x11b: {  	(tag) =	ssettag $0x2  }
0x11c: {  	s0 =	rddreg [dreg:$0x0];
	s2 =	stileid.u32  }
0x11d: {  	s1 =	rddreg [dreg:$0x1];
	p0 =	sne.s32 s2, $0x0  }
0x11e: {  	s3 =	rddreg [dreg:$0x2];
	[bflag:$0x3] =	sbarrier.arrive $0xFFFF;
	s2 =	simm.s32 @!p0 $0x1C03  }
0x11f: {  	[timem:s3], [sflag:s2] =	dma.local @!p0 [hbm:s0], s1  }
0x120: {  	s0 =	simm.s32 @!p0 $0x3  }
0x121: {  	_ =	swait.ge @!p0 [sflag:s0], s1  }
0x122: {  	s1 =	ssub.s32 @!p0 $0x0, s1;
	[sflag:s0] =	ssyncset.done @!p0 $0x0  }
0x123: {  	[sflag:s0] =	ssyncadd.s32 @!p0 s1  }
0x124: {  	[bflag:$0x3] =	sbarrier.arrive $0xFFFF  }
0x125: {  	_ =	shalt  }

</sc_bundles>
